<compile_context>
chip_gen: v7x
topology: tpu7x:2x2x1
jax: 0.10.2.dev20260603
libtpu: 0.0.44.dev20260713+nightly
codegen_flags: <defaults>
</compile_context>

<pallas_src>
import jax
import jax.numpy as jnp
from jax import lax
from jax.experimental import pallas as pl
from jax.experimental.pallas import tpu as pltpu
from jax.experimental.pallas import tpu_sc as plsc

_BATCH = 64
_NUM_POS = 196
_HIDDEN = 768
_P_OUT = _NUM_POS + 1

_B_SC = 8
_B_TC = _BATCH - _B_SC

_LANES = 16
_ROWS = 7
_MAIN = 28
_NB = 8
_NGROUPS = _B_SC // _NB
_VECS = _HIDDEN // _LANES



def _sc_body(feats_hbm, qw_hbm, pw_hbm, out_hbm,
             buf0, buf1, pwin, pw5, qw_buf, row0_buf,
             si0, si1, so0, so1):
    bufs = [buf0, buf1]
    sems_in = [si0, si1]
    sems_out = [so0, so1]
    c = lax.axis_index("c")
    s = lax.axis_index("s")
    wid = s * 2 + c

    def in_dma(g, p0):
        return pltpu.async_copy(
            feats_hbm.at[pl.ds(p0, _ROWS), pl.ds(_B_TC + g * _NB, _NB), :],
            bufs[g % 2], sems_in[g % 2])

    def out_dma(g, p0):
        return pltpu.async_copy(
            bufs[g % 2],
            out_hbm.at[pl.ds(p0 + 1, _ROWS), pl.ds(g * _NB, _NB), :],
            sems_out[g % 2])

    def run_groups(p0, compute):
        h_out = [None] * _NGROUPS
        h_in = [in_dma(g, p0) for g in range(_NGROUPS)]
        for g in range(_NGROUPS):
            h_in[g].wait()
            compute(g)
            h_out[g] = out_dma(g, p0)
        for g in range(_NGROUPS):
            h_out[g].wait()

    @pl.when(wid < _MAIN - 1)
    def _main():
        p0 = wid * _ROWS
        a0 = ((p0 + 1) // 8) * 8
        widx = p0 + 1 - a0
        pltpu.sync_copy(pw_hbm.at[pl.ds(a0, 16), :], pwin)

        def compute(g):
            buf = bufs[g % 2]

            def vec_step(v, _):
                co = v * _LANES
                for r in range(_ROWS):
                    pwv = pwin[widx + r, pl.ds(co, _LANES)]
                    for b in range(_NB):
                        buf[r, b, pl.ds(co, _LANES)] = (
                            buf[r, b, pl.ds(co, _LANES)] + pwv)
                return 0

            lax.fori_loop(0, _VECS, vec_step, 0)

        run_groups(p0, compute)

    @pl.when(wid == _MAIN - 1)
    def _last():
        p0 = (_MAIN - 1) * _ROWS
        pltpu.sync_copy(pw_hbm.at[pl.ds(184, 8), :], pwin.at[pl.ds(0, 8), :])
        pltpu.sync_copy(pw_hbm.at[pl.ds(192, 5), :], pw5)

        def compute(g):
            buf = bufs[g % 2]

            def vec_step(v, _):
                co = v * _LANES
                for r in range(_ROWS):
                    if r < 2:
                        pwv = pwin[6 + r, pl.ds(co, _LANES)]
                    else:
                        pwv = pw5[r - 2, pl.ds(co, _LANES)]
                    for b in range(_NB):
                        buf[r, b, pl.ds(co, _LANES)] = (
                            buf[r, b, pl.ds(co, _LANES)] + pwv)
                return 0

            lax.fori_loop(0, _VECS, vec_step, 0)

        run_groups(p0, compute)

    @pl.when(wid == _MAIN)
    def _row0():
        pltpu.sync_copy(pw_hbm.at[pl.ds(0, 8), :], pwin.at[pl.ds(0, 8), :])
        pltpu.sync_copy(qw_hbm, qw_buf)

        def vec_step(v, _):
            co = v * _LANES
            val = qw_buf[0, pl.ds(co, _LANES)] + pwin[0, pl.ds(co, _LANES)]
            for b in range(_NB):
                row0_buf[0, b, pl.ds(co, _LANES)] = val
            return 0

        lax.fori_loop(0, _VECS, vec_step, 0)
        hs = [pltpu.async_copy(
                  row0_buf, out_hbm.at[pl.ds(0, 1), pl.ds(g * _NB, _NB), :],
                  sems_out[g % 2])
              for g in range(_NGROUPS)]
        for h in hs:
            h.wait()


def _sc_call(feats_t, quality_weight, position_weight):
    mesh = plsc.VectorSubcoreMesh(core_axis_name="c", subcore_axis_name="s")
    run = pl.kernel(
        _sc_body,
        out_type=jax.ShapeDtypeStruct((_P_OUT, _B_SC, _HIDDEN), jnp.float32),
        mesh=mesh,
        scratch_types=[
            pltpu.VMEM((_ROWS, _NB, _HIDDEN), jnp.float32),
            pltpu.VMEM((_ROWS, _NB, _HIDDEN), jnp.float32),
            pltpu.VMEM((16, _HIDDEN), jnp.float32),
            pltpu.VMEM((5, _HIDDEN), jnp.float32),
            pltpu.VMEM((1, _HIDDEN), jnp.float32),
            pltpu.VMEM((1, _NB, _HIDDEN), jnp.float32),
            pltpu.SemaphoreType.DMA,
            pltpu.SemaphoreType.DMA,
            pltpu.SemaphoreType.DMA,
            pltpu.SemaphoreType.DMA,
        ],
        compiler_params=pltpu.CompilerParams(use_tc_tiling_on_sc=True),
    )
    return run(feats_t, quality_weight, position_weight)



def _tc_body(feats_ref, qw_ref, pw_ref, out_ref):
    out_ref[pl.ds(1, _NUM_POS), :, :] = (
        feats_ref[...] + pw_ref[pl.ds(1, _NUM_POS), :][:, None, :])
    out_ref[pl.ds(0, 1), :, :] = jnp.broadcast_to(
        (qw_ref[...] + pw_ref[pl.ds(0, 1), :])[:, None, :],
        (1, _TCB, _HIDDEN))


_TCB = 8


def _tc_call(feats_t, quality_weight, position_weight):
    return pl.pallas_call(
        _tc_body,
        grid=(_B_TC // _TCB,),
        in_specs=[
            pl.BlockSpec((_NUM_POS, _TCB, _HIDDEN), lambda g: (0, g, 0)),
            pl.BlockSpec((1, _HIDDEN), lambda g: (0, 0)),
            pl.BlockSpec((_P_OUT, _HIDDEN), lambda g: (0, 0)),
        ],
        out_specs=pl.BlockSpec((_P_OUT, _TCB, _HIDDEN), lambda g: (0, g, 0)),
        out_shape=jax.ShapeDtypeStruct((_P_OUT, _BATCH, _HIDDEN), jnp.float32),
        compiler_params=pltpu.CompilerParams(
            dimension_semantics=("parallel",)),
    )(feats_t, quality_weight, position_weight)


@jax.jit
def kernel(feats, quality_weight, position_weight):
    feats_t = jnp.transpose(feats, (1, 0, 2))
    sc_out = _sc_call(feats_t, quality_weight, position_weight)
    tc_out = _tc_call(feats_t, quality_weight, position_weight)
    out_t = lax.dynamic_update_slice(tc_out, sc_out, (0, _B_TC, 0))
    return jnp.transpose(out_t, (1, 0, 2))

# --- scband reference (transcript-rebuilt; emitter-appended) ---
"""Pipeline reference for scband-feature-projection-47132971107233 (READ-ONLY COPY).

The authoritative reference and input builder live on the scoring server;
editing this copy changes nothing except your own understanding.
"""

import jax, jax.numpy as jnp
import numpy as np

NUM_POS = 196
HIDDEN = 768
BATCH = 64


def setup_inputs(seed: int = 0) -> dict:
    key = jax.random.key(seed)
    k1, k2, k3 = jax.random.split(key, 3)
    feats = jax.random.normal(k1, (BATCH, NUM_POS, HIDDEN), dtype=jnp.float32)
    # learned parameters sized per init_kwargs
    quality_weight = jax.random.normal(k2, (1, HIDDEN), dtype=jnp.float32) * 0.02
    position_weight = jax.random.normal(k3, (NUM_POS + 1, HIDDEN), dtype=jnp.float32) * 0.02
    return {"feats": feats, "quality_weight": quality_weight, "position_weight": position_weight}


def reference(feats, quality_weight, position_weight):
    # Faithful translation of FeatureProjection.forward.
    # The base class leaves forward_feat abstract (returns its input features
    # already in [B, num_pos, hidden_dim] form); we model it as identity.
    batch_size = feats.shape[0]
    hidden = quality_weight.shape[1]
    # quality_embed.weight.unsqueeze(0).repeat(B, 1, 1)
    extra_quality_embedding = jnp.broadcast_to(quality_weight[None, :, :], (batch_size, 1, hidden))
    # torch.cat((extra_quality_embedding, forward_feat(feats)), dim=1)
    quality_embedding = jnp.concatenate([extra_quality_embedding, feats], axis=1)
    # position_embed.weight.unsqueeze(0).repeat(B, 1, 1)
    position_embedding = jnp.broadcast_to(
        position_weight[None, :, :], (batch_size, position_weight.shape[0], hidden)
    )
    return quality_embedding + position_embedding

if __name__ == "__main__":
    import jax
    _d = setup_inputs()
    print(jax.jit(kernel)(*tuple(_d.values())))

</pallas_src>

<mosaic_0001>
#map = affine_map<(d0, d1) -> (0, 0, 0)>
#map1 = affine_map<(d0, d1) -> (0, 0)>
module attributes {stable_mosaic.version = 14 : i64} {
  func.func @_sc_body(%arg0: i32, %arg1: i32, %arg2: memref<196x64x768xf32, #tpu.memory_space<hbm>>, %arg3: memref<1x768xf32, #tpu.memory_space<hbm>>, %arg4: memref<197x768xf32, #tpu.memory_space<hbm>>, %arg5: memref<197x8x768xf32, #tpu.memory_space<hbm>>, %arg6: memref<7x8x768xf32, #tpu.memory_space<vmem>>, %arg7: memref<7x8x768xf32, #tpu.memory_space<vmem>>, %arg8: memref<16x768xf32, #tpu.memory_space<vmem>>, %arg9: memref<5x768xf32, #tpu.memory_space<vmem>>, %arg10: memref<1x768xf32, #tpu.memory_space<vmem>>, %arg11: memref<1x8x768xf32, #tpu.memory_space<vmem>>, %arg12: memref<!tpu.dma_semaphore, #tpu.memory_space<semaphore_mem>>, %arg13: memref<!tpu.dma_semaphore, #tpu.memory_space<semaphore_mem>>, %arg14: memref<!tpu.dma_semaphore, #tpu.memory_space<semaphore_mem>>, %arg15: memref<!tpu.dma_semaphore, #tpu.memory_space<semaphore_mem>>) attributes {dimension_semantics = [#tpu.dimension_semantics<core_parallel>, #tpu.dimension_semantics<subcore_parallel>], iteration_bounds = array<i64: 2, 16>, scalar_prefetch = 0 : i64, scratch_operands = 10 : i64, tpu.core_type = #tpu.core_type<sc_vector_subcore>, window_params = [{transform_indices = #map}, {transform_indices = #map1}, {transform_indices = #map1}, {transform_indices = #map}]} {
    %mul3A = arith.constant 2 : i32
    %mul3A_0 = arith.muli %arg1, %mul3A : i32
    %add3A = arith.addi %mul3A_0, %arg0 : i32
    %lt3A = arith.constant 27 : i32
    %lt3A_1 = arith.cmpi slt, %add3A, %lt3A : i32
    %convert_element_type3A = arith.extui %lt3A_1 : i1 to i32
    %cond3A = arith.constant 0 : i32
    %cond3A_2 = arith.cmpi ne, %convert_element_type3A, %cond3A : i32
    scf.if %cond3A_2 {
      %mul3A_12 = arith.constant 7 : i32
      %mul3A_13 = arith.muli %add3A, %mul3A_12 : i32
      %add3A_14 = arith.constant 1 : i32
      %add3A_15 = arith.addi %mul3A_13, %add3A_14 : i32
      %jit3A = arith.constant 8 : i32
      %div3A = arith.divsi %add3A_15, %jit3A : i32
      %sign3A = arith.constant 0 : i32
      %sign3A_16 = arith.cmpi sgt, %add3A_15, %sign3A : i32
      %sign3A_17 = arith.extui %sign3A_16 : i1 to i32
      %sign3A_18 = arith.constant 0 : i32
      %sign3A_19 = arith.cmpi slt, %add3A_15, %sign3A_18 : i32
      %sign3A_20 = arith.extui %sign3A_19 : i1 to i32
      %sign3A_21 = arith.subi %sign3A_17, %sign3A_20 : i32
      %sign3A_22 = arith.constant 0 : i32
      %sign3A_23 = arith.cmpi sgt, %jit3A, %sign3A_22 : i32
      %sign3A_24 = arith.extui %sign3A_23 : i1 to i32
      %sign3A_25 = arith.constant 0 : i32
      %sign3A_26 = arith.cmpi slt, %jit3A, %sign3A_25 : i32
      %sign3A_27 = arith.extui %sign3A_26 : i1 to i32
      %sign3A_28 = arith.subi %sign3A_24, %sign3A_27 : i32
      %ne3A = arith.cmpi ne, %sign3A_21, %sign3A_28 : i32
      %rem3A = arith.remsi %add3A_15, %jit3A : i32
      %ne3A_29 = arith.constant 0 : i32
      %ne3A_30 = arith.cmpi ne, %rem3A, %ne3A_29 : i32
      %and3A = arith.andi %ne3A, %ne3A_30 : i1
      %sub3A = arith.constant 1 : i32
      %sub3A_31 = arith.subi %div3A, %sub3A : i32
      %select_n3A = arith.select %and3A, %sub3A_31, %div3A : i32
      %mul3A_32 = arith.constant 8 : i32
      %mul3A_33 = arith.muli %select_n3A, %mul3A_32 : i32
      %add3A_34 = arith.constant 1 : i32
      %add3A_35 = arith.addi %mul3A_13, %add3A_34 : i32
      %sub3A_36 = arith.subi %add3A_35, %mul3A_33 : i32
      "tpu.region"() ({
        %run_scoped3A = tpu.sem_alloc : memref<!tpu.dma_semaphore, #tpu.memory_space<semaphore_mem>>
        %dma_start3A_67 = arith.constant 0 : i32
        %dma_start3A_68 = tpu.memref_slice %arg4[%mul3A_33, %dma_start3A_67] : memref<197x768xf32, #tpu.memory_space<hbm>> -> memref<16x768xf32, #tpu.memory_space<hbm>>
        %dma_start3A_69 = arith.constant 0 : i32
        %dma_start3A_70 = tpu.memref_slice %arg4[%mul3A_33, %dma_start3A_69] : memref<197x768xf32, #tpu.memory_space<hbm>> -> memref<16x768xf32, #tpu.memory_space<hbm>>
        tpu.enqueue_dma source(%dma_start3A_70 : memref<16x768xf32, #tpu.memory_space<hbm>>) target(%arg8 : memref<16x768xf32, #tpu.memory_space<vmem>>) target_semaphore(%run_scoped3A : memref<!tpu.dma_semaphore, #tpu.memory_space<semaphore_mem>>)
        %dma_wait3A_71 = arith.constant 0 : i32
        %dma_wait3A_72 = tpu.memref_slice %arg4[%mul3A_33, %dma_wait3A_71] : memref<197x768xf32, #tpu.memory_space<hbm>> -> memref<16x768xf32, #tpu.memory_space<hbm>>
        %dma_wait3A_73 = arith.constant 0 : i32
        %dma_wait3A_74 = tpu.memref_slice %arg4[%mul3A_33, %dma_wait3A_73] : memref<197x768xf32, #tpu.memory_space<hbm>> -> memref<16x768xf32, #tpu.memory_space<hbm>>
        tpu.wait_dma2 semaphore(%run_scoped3A : memref<!tpu.dma_semaphore, #tpu.memory_space<semaphore_mem>>) src(%dma_wait3A_74 : memref<16x768xf32, #tpu.memory_space<hbm>>) dst(%arg8 : memref<16x768xf32, #tpu.memory_space<vmem>>)
        tpu.yield
      }) : () -> ()
      %dma_start3A = arith.constant 56 : i32
      %dma_start3A_37 = arith.constant 0 : i32
      %dma_start3A_38 = tpu.memref_slice %arg2[%mul3A_13, %dma_start3A, %dma_start3A_37] : memref<196x64x768xf32, #tpu.memory_space<hbm>> -> memref<7x8x768xf32, #tpu.memory_space<hbm>>
      %dma_start3A_39 = arith.constant 56 : i32
      %dma_start3A_40 = arith.constant 0 : i32
      %dma_start3A_41 = tpu.memref_slice %arg2[%mul3A_13, %dma_start3A_39, %dma_start3A_40] : memref<196x64x768xf32, #tpu.memory_space<hbm>> -> memref<7x8x768xf32, #tpu.memory_space<hbm>>
      tpu.enqueue_dma source(%dma_start3A_41 : memref<7x8x768xf32, #tpu.memory_space<hbm>>) target(%arg6 : memref<7x8x768xf32, #tpu.memory_space<vmem>>) target_semaphore(%arg12 : memref<!tpu.dma_semaphore, #tpu.memory_space<semaphore_mem>>)
      %dma_wait3A = arith.constant 56 : i32
      %dma_wait3A_42 = arith.constant 0 : i32
      %dma_wait3A_43 = tpu.memref_slice %arg2[%mul3A_13, %dma_wait3A, %dma_wait3A_42] : memref<196x64x768xf32, #tpu.memory_space<hbm>> -> memref<7x8x768xf32, #tpu.memory_space<hbm>>
      %dma_wait3A_44 = arith.constant 56 : i32
      %dma_wait3A_45 = arith.constant 0 : i32
      %dma_wait3A_46 = tpu.memref_slice %arg2[%mul3A_13, %dma_wait3A_44, %dma_wait3A_45] : memref<196x64x768xf32, #tpu.memory_space<hbm>> -> memref<7x8x768xf32, #tpu.memory_space<hbm>>
      tpu.wait_dma2 semaphore(%arg12 : memref<!tpu.dma_semaphore, #tpu.memory_space<semaphore_mem>>) src(%dma_wait3A_46 : memref<7x8x768xf32, #tpu.memory_space<hbm>>) dst(%arg6 : memref<7x8x768xf32, #tpu.memory_space<vmem>>)
      %scan3A = arith.constant 0 : i32
      %scan3A_47 = arith.constant 0 : i32
      %scan3A_48 = arith.constant 48 : i32
      %scan3A_49 = arith.addi %scan3A_47, %scan3A_48 : i32
      %scan3A_50 = arith.constant 1 : i32
      %scan3A_51 = scf.for %scan3A_67 = %scan3A_47 to %scan3A_49 step %scan3A_50 iter_args(%scan3A_68 = %scan3A) -> (i32)  : i32 {
        %mul3A_69 = arith.constant 16 : i32
        %mul3A_70 = arith.muli %scan3A_67, %mul3A_69 : i32
        %add3A_71 = arith.constant 0 : i32
        %add3A_72 = arith.addi %sub3A_36, %add3A_71 : i32
        %get3A = arith.index_cast %add3A_72 : i32 to index
        %get3A_73 = arith.index_cast %mul3A_70 : i32 to index
        %get3A_74 = tpu.vector_load %arg8[%get3A, %get3A_73] {strides = array<i32>} : memref<16x768xf32, #tpu.memory_space<vmem>>, vector<1x16xf32>,
        %get3A_75 = vector.shape_cast %get3A_74 : vector<1x16xf32> to vector<16xf32>
        %get3A_76 = arith.constant 0 : i32
        %get3A_77 = arith.constant 0 : i32
        %get3A_78 = arith.index_cast %get3A_76 : i32 to index
        %get3A_79 = arith.index_cast %get3A_77 : i32 to index
        %get3A_80 = arith.index_cast %mul3A_70 : i32 to index
        %get3A_81 = tpu.vector_load %arg6[%get3A_78, %get3A_79, %get3A_80] {strides = array<i32>} : memref<7x8x768xf32, #tpu.memory_space<vmem>>, vector<1x1x16xf32>,
        %get3A_82 = vector.shape_cast %get3A_81 : vector<1x1x16xf32> to vector<16xf32>
        %add3A_83 = arith.addf %get3A_82, %get3A_75 : vector<16xf32>
        %swap3A = arith.constant 0 : i32
        %swap3A_84 = arith.constant 0 : i32
        %swap3A_85 = arith.index_cast %swap3A : i32 to index
        %swap3A_86 = arith.index_cast %swap3A_84 : i32 to index
        %swap3A_87 = arith.index_cast %mul3A_70 : i32 to index
        %swap3A_88 = tpu.vector_load %arg6[%swap3A_85, %swap3A_86, %swap3A_87] {strides = array<i32>} : memref<7x8x768xf32, #tpu.memory_space<vmem>>, vector<1x1x16xf32>,
        %swap3A_89 = vector.shape_cast %swap3A_88 : vector<1x1x16xf32> to vector<16xf32>
        %swap3A_90 = vector.shape_cast %add3A_83 : vector<16xf32> to vector<1x1x16xf32>
        tpu.vector_store %arg6[%swap3A_85, %swap3A_86, %swap3A_87], %swap3A_90 {strides = array<i32>} : memref<7x8x768xf32, #tpu.memory_space<vmem>>, vector<1x1x16xf32>,
        %get3A_91 = arith.constant 0 : i32
        %get3A_92 = arith.constant 1 : i32
        %get3A_93 = arith.index_cast %get3A_91 : i32 to index
        %get3A_94 = arith.index_cast %get3A_92 : i32 to index
        %get3A_95 = arith.index_cast %mul3A_70 : i32 to index
        %get3A_96 = tpu.vector_load %arg6[%get3A_93, %get3A_94, %get3A_95] {strides = array<i32>} : memref<7x8x768xf32, #tpu.memory_space<vmem>>, vector<1x1x16xf32>,
        %get3A_97 = vector.shape_cast %get3A_96 : vector<1x1x16xf32> to vector<16xf32>
        %add3A_98 = arith.addf %get3A_97, %get3A_75 : vector<16xf32>
        %swap3A_99 = arith.constant 0 : i32
        %swap3A_100 = arith.constant 1 : i32
        %swap3A_101 = arith.index_cast %swap3A_99 : i32 to index
        %swap3A_102 = arith.index_cast %swap3A_100 : i32 to index
        %swap3A_103 = arith.index_cast %mul3A_70 : i32 to index
        %swap3A_104 = tpu.vector_load %arg6[%swap3A_101, %swap3A_102, %swap3A_103] {strides = array<i32>} : memref<7x8x768xf32, #tpu.memory_space<vmem>>, vector<1x1x16xf32>,
        %swap3A_105 = vector.shape_cast %swap3A_104 : vector<1x1x16xf32> to vector<16xf32>
        %swap3A_106 = vector.shape_cast %add3A_98 : vector<16xf32> to vector<1x1x16xf32>
        tpu.vector_store %arg6[%swap3A_101, %swap3A_102, %swap3A_103], %swap3A_106 {strides = array<i32>} : memref<7x8x768xf32, #tpu.memory_space<vmem>>, vector<1x1x16xf32>,
        %get3A_107 = arith.constant 0 : i32
        %get3A_108 = arith.constant 2 : i32
        %get3A_109 = arith.index_cast %get3A_107 : i32 to index
        %get3A_110 = arith.index_cast %get3A_108 : i32 to index
        %get3A_111 = arith.index_cast %mul3A_70 : i32 to index
        %get3A_112 = tpu.vector_load %arg6[%get3A_109, %get3A_110, %get3A_111] {strides = array<i32>} : memref<7x8x768xf32, #tpu.memory_space<vmem>>, vector<1x1x16xf32>,
        %get3A_113 = vector.shape_cast %get3A_112 : vector<1x1x16xf32> to vector<16xf32>
        %add3A_114 = arith.addf %get3A_113, %get3A_75 : vector<16xf32>
        %swap3A_115 = arith.constant 0 : i32
        %swap3A_116 = arith.constant 2 : i32
        %swap3A_117 = arith.index_cast %swap3A_115 : i32 to index
        %swap3A_118 = arith.index_cast %swap3A_116 : i32 to index
        %swap3A_119 = arith.index_cast %mul3A_70 : i32 to index
        %swap3A_120 = tpu.vector_load %arg6[%swap3A_117, %swap3A_118, %swap3A_119] {strides = array<i32>} : memref<7x8x768xf32, #tpu.memory_space<vmem>>, vector<1x1x16xf32>,
        %swap3A_121 = vector.shape_cast %swap3A_120 : vector<1x1x16xf32> to vector<16xf32>
        %swap3A_122 = vector.shape_cast %add3A_114 : vector<16xf32> to vector<1x1x16xf32>
        tpu.vector_store %arg6[%swap3A_117, %swap3A_118, %swap3A_119], %swap3A_122 {strides = array<i32>} : memref<7x8x768xf32, #tpu.memory_space<vmem>>, vector<1x1x16xf32>,
        %get3A_123 = arith.constant 0 : i32
        %get3A_124 = arith.constant 3 : i32
        %get3A_125 = arith.index_cast %get3A_123 : i32 to index
        %get3A_126 = arith.index_cast %get3A_124 : i32 to index
        %get3A_127 = arith.index_cast %mul3A_70 : i32 to index
        %get3A_128 = tpu.vector_load %arg6[%get3A_125, %get3A_126, %get3A_127] {strides = array<i32>} : memref<7x8x768xf32, #tpu.memory_space<vmem>>, vector<1x1x16xf32>,
        %get3A_129 = vector.shape_cast %get3A_128 : vector<1x1x16xf32> to vector<16xf32>
        %add3A_130 = arith.addf %get3A_129, %get3A_75 : vector<16xf32>
        %swap3A_131 = arith.constant 0 : i32
        %swap3A_132 = arith.constant 3 : i32
        %swap3A_133 = arith.index_cast %swap3A_131 : i32 to index
        %swap3A_134 = arith.index_cast %swap3A_132 : i32 to index
        %swap3A_135 = arith.index_cast %mul3A_70 : i32 to index
        %swap3A_136 = tpu.vector_load %arg6[%swap3A_133, %swap3A_134, %swap3A_135] {strides = array<i32>} : memref<7x8x768xf32, #tpu.memory_space<vmem>>, vector<1x1x16xf32>,
        %swap3A_137 = vector.shape_cast %swap3A_136 : vector<1x1x16xf32> to vector<16xf32>
        %swap3A_138 = vector.shape_cast %add3A_130 : vector<16xf32> to vector<1x1x16xf32>
        tpu.vector_store %arg6[%swap3A_133, %swap3A_134, %swap3A_135], %swap3A_138 {strides = array<i32>} : memref<7x8x768xf32, #tpu.memory_space<vmem>>, vector<1x1x16xf32>,
        %get3A_139 = arith.constant 0 : i32
        %get3A_140 = arith.constant 4 : i32
        %get3A_141 = arith.index_cast %get3A_139 : i32 to index
        %get3A_142 = arith.index_cast %get3A_140 : i32 to index
        %get3A_143 = arith.index_cast %mul3A_70 : i32 to index
        %get3A_144 = tpu.vector_load %arg6[%get3A_141, %get3A_142, %get3A_143] {strides = array<i32>} : memref<7x8x768xf32, #tpu.memory_space<vmem>>, vector<1x1x16xf32>,
        %get3A_145 = vector.shape_cast %get3A_144 : vector<1x1x16xf32> to vector<16xf32>
        %add3A_146 = arith.addf %get3A_145, %get3A_75 : vector<16xf32>
        %swap3A_147 = arith.constant 0 : i32
        %swap3A_148 = arith.constant 4 : i32
        %swap3A_149 = arith.index_cast %swap3A_147 : i32 to index
        %swap3A_150 = arith.index_cast %swap3A_148 : i32 to index
        %swap3A_151 = arith.index_cast %mul3A_70 : i32 to index
        %swap3A_152 = tpu.vector_load %arg6[%swap3A_149, %swap3A_150, %swap3A_151] {strides = array<i32>} : memref<7x8x768xf32, #tpu.memory_space<vmem>>, vector<1x1x16xf32>,
        %swap3A_153 = vector.shape_cast %swap3A_152 : vector<1x1x16xf32> to vector<16xf32>
        %swap3A_154 = vector.shape_cast %add3A_146 : vector<16xf32> to vector<1x1x16xf32>
        tpu.vector_store %arg6[%swap3A_149, %swap3A_150, %swap3A_151], %swap3A_154 {strides = array<i32>} : memref<7x8x768xf32, #tpu.memory_space<vmem>>, vector<1x1x16xf32>,
        %get3A_155 = arith.constant 0 : i32
        %get3A_156 = arith.constant 5 : i32
        %get3A_157 = arith.index_cast %get3A_155 : i32 to index
        %get3A_158 = arith.index_cast %get3A_156 : i32 to index
        %get3A_159 = arith.index_cast %mul3A_70 : i32 to index
        %get3A_160 = tpu.vector_load %arg6[%get3A_157, %get3A_158, %get3A_159] {strides = array<i32>} : memref<7x8x768xf32, #tpu.memory_space<vmem>>, vector<1x1x16xf32>,
        %get3A_161 = vector.shape_cast %get3A_160 : vector<1x1x16xf32> to vector<16xf32>
        %add3A_162 = arith.addf %get3A_161, %get3A_75 : vector<16xf32>
        %swap3A_163 = arith.constant 0 : i32
        %swap3A_164 = arith.constant 5 : i32
        %swap3A_165 = arith.index_cast %swap3A_163 : i32 to index
        %swap3A_166 = arith.index_cast %swap3A_164 : i32 to index
        %swap3A_167 = arith.index_cast %mul3A_70 : i32 to index
        %swap3A_168 = tpu.vector_load %arg6[%swap3A_165, %swap3A_166, %swap3A_167] {strides = array<i32>} : memref<7x8x768xf32, #tpu.memory_space<vmem>>, vector<1x1x16xf32>,
        %swap3A_169 = vector.shape_cast %swap3A_168 : vector<1x1x16xf32> to vector<16xf32>
        %swap3A_170 = vector.shape_cast %add3A_162 : vector<16xf32> to vector<1x1x16xf32>
        tpu.vector_store %arg6[%swap3A_165, %swap3A_166, %swap3A_167], %swap3A_170 {strides = array<i32>} : memref<7x8x768xf32, #tpu.memory_space<vmem>>, vector<1x1x16xf32>,
        %get3A_171 = arith.constant 0 : i32
        %get3A_172 = arith.constant 6 : i32
        %get3A_173 = arith.index_cast %get3A_171 : i32 to index
        %get3A_174 = arith.index_cast %get3A_172 : i32 to index
        %get3A_175 = arith.index_cast %mul3A_70 : i32 to index
        %get3A_176 = tpu.vector_load %arg6[%get3A_173, %get3A_174, %get3A_175] {strides = array<i32>} : memref<7x8x768xf32, #tpu.memory_space<vmem>>, vector<1x1x16xf32>,
        %get3A_177 = vector.shape_cast %get3A_176 : vector<1x1x16xf32> to vector<16xf32>
        %add3A_178 = arith.addf %get3A_177, %get3A_75 : vector<16xf32>
        %swap3A_179 = arith.constant 0 : i32
        %swap3A_180 = arith.constant 6 : i32
        %swap3A_181 = arith.index_cast %swap3A_179 : i32 to index
        %swap3A_182 = arith.index_cast %swap3A_180 : i32 to index
        %swap3A_183 = arith.index_cast %mul3A_70 : i32 to index
        %swap3A_184 = tpu.vector_load %arg6[%swap3A_181, %swap3A_182, %swap3A_183] {strides = array<i32>} : memref<7x8x768xf32, #tpu.memory_space<vmem>>, vector<1x1x16xf32>,
        %swap3A_185 = vector.shape_cast %swap3A_184 : vector<1x1x16xf32> to vector<16xf32>
        %swap3A_186 = vector.shape_cast %add3A_178 : vector<16xf32> to vector<1x1x16xf32>
        tpu.vector_store %arg6[%swap3A_181, %swap3A_182, %swap3A_183], %swap3A_186 {strides = array<i32>} : memref<7x8x768xf32, #tpu.memory_space<vmem>>, vector<1x1x16xf32>,
        %get3A_187 = arith.constant 0 : i32
        %get3A_188 = arith.constant 7 : i32
        %get3A_189 = arith.index_cast %get3A_187 : i32 to index
        %get3A_190 = arith.index_cast %get3A_188 : i32 to index
        %get3A_191 = arith.index_cast %mul3A_70 : i32 to index
        %get3A_192 = tpu.vector_load %arg6[%get3A_189, %get3A_190, %get3A_191] {strides = array<i32>} : memref<7x8x768xf32, #tpu.memory_space<vmem>>, vector<1x1x16xf32>,
        %get3A_193 = vector.shape_cast %get3A_192 : vector<1x1x16xf32> to vector<16xf32>
        %add3A_194 = arith.addf %get3A_193, %get3A_75 : vector<16xf32>
        %swap3A_195 = arith.constant 0 : i32
        %swap3A_196 = arith.constant 7 : i32
        %swap3A_197 = arith.index_cast %swap3A_195 : i32 to index
        %swap3A_198 = arith.index_cast %swap3A_196 : i32 to index
        %swap3A_199 = arith.index_cast %mul3A_70 : i32 to index
        %swap3A_200 = tpu.vector_load %arg6[%swap3A_197, %swap3A_198, %swap3A_199] {strides = array<i32>} : memref<7x8x768xf32, #tpu.memory_space<vmem>>, vector<1x1x16xf32>,
        %swap3A_201 = vector.shape_cast %swap3A_200 : vector<1x1x16xf32> to vector<16xf32>
        %swap3A_202 = vector.shape_cast %add3A_194 : vector<16xf32> to vector<1x1x16xf32>
        tpu.vector_store %arg6[%swap3A_197, %swap3A_198, %swap3A_199], %swap3A_202 {strides = array<i32>} : memref<7x8x768xf32, #tpu.memory_space<vmem>>, vector<1x1x16xf32>,
        %add3A_203 = arith.constant 1 : i32
        %add3A_204 = arith.addi %sub3A_36, %add3A_203 : i32
        %get3A_205 = arith.index_cast %add3A_204 : i32 to index
        %get3A_206 = arith.index_cast %mul3A_70 : i32 to index
        %get3A_207 = tpu.vector_load %arg8[%get3A_205, %get3A_206] {strides = array<i32>} : memref<16x768xf32, #tpu.memory_space<vmem>>, vector<1x16xf32>,
        %get3A_208 = vector.shape_cast %get3A_207 : vector<1x16xf32> to vector<16xf32>
        %get3A_209 = arith.constant 1 : i32
        %get3A_210 = arith.constant 0 : i32
        %get3A_211 = arith.index_cast %get3A_209 : i32 to index
        %get3A_212 = arith.index_cast %get3A_210 : i32 to index
        %get3A_213 = arith.index_cast %mul3A_70 : i32 to index
        %get3A_214 = tpu.vector_load %arg6[%get3A_211, %get3A_212, %get3A_213] {strides = array<i32>} : memref<7x8x768xf32, #tpu.memory_space<vmem>>, vector<1x1x16xf32>,
        %get3A_215 = vector.shape_cast %get3A_214 : vector<1x1x16xf32> to vector<16xf32>
        %add3A_216 = arith.addf %get3A_215, %get3A_208 : vector<16xf32>
        %swap3A_217 = arith.constant 1 : i32
        %swap3A_218 = arith.constant 0 : i32
        %swap3A_219 = arith.index_cast %swap3A_217 : i32 to index
        %swap3A_220 = arith.index_cast %swap3A_218 : i32 to index
        %swap3A_221 = arith.index_cast %mul3A_70 : i32 to index
        %swap3A_222 = tpu.vector_load %arg6[%swap3A_219, %swap3A_220, %swap3A_221] {strides = array<i32>} : memref<7x8x768xf32, #tpu.memory_space<vmem>>, vector<1x1x16xf32>,
        %swap3A_223 = vector.shape_cast %swap3A_222 : vector<1x1x16xf32> to vector<16xf32>
        %swap3A_224 = vector.shape_cast %add3A_216 : vector<16xf32> to vector<1x1x16xf32>
        tpu.vector_store %arg6[%swap3A_219, %swap3A_220, %swap3A_221], %swap3A_224 {strides = array<i32>} : memref<7x8x768xf32, #tpu.memory_space<vmem>>, vector<1x1x16xf32>,
        %get3A_225 = arith.constant 1 : i32
        %get3A_226 = arith.constant 1 : i32
        %get3A_227 = arith.index_cast %get3A_225 : i32 to index
        %get3A_228 = arith.index_cast %get3A_226 : i32 to index
        %get3A_229 = arith.index_cast %mul3A_70 : i32 to index
        %get3A_230 = tpu.vector_load %arg6[%get3A_227, %get3A_228, %get3A_229] {strides = array<i32>} : memref<7x8x768xf32, #tpu.memory_space<vmem>>, vector<1x1x16xf32>,
        %get3A_231 = vector.shape_cast %get3A_230 : vector<1x1x16xf32> to vector<16xf32>
        %add3A_232 = arith.addf %get3A_231, %get3A_208 : vector<16xf32>
        %swap3A_233 = arith.constant 1 : i32
        %swap3A_234 = arith.constant 1 : i32
        %swap3A_235 = arith.index_cast %swap3A_233 : i32 to index
        %swap3A_236 = arith.index_cast %swap3A_234 : i32 to index
        %swap3A_237 = arith.index_cast %mul3A_70 : i32 to index
        %swap3A_238 = tpu.vector_load %arg6[%swap3A_235, %swap3A_236, %swap3A_237] {strides = array<i32>} : memref<7x8x768xf32, #tpu.memory_space<vmem>>, vector<1x1x16xf32>,
        %swap3A_239 = vector.shape_cast %swap3A_238 : vector<1x1x16xf32> to vector<16xf32>
        %swap3A_240 = vector.shape_cast %add3A_232 : vector<16xf32> to vector<1x1x16xf32>
        tpu.vector_store %arg6[%swap3A_235, %swap3A_236, %swap3A_237], %swap3A_240 {strides = array<i32>} : memref<7x8x768xf32, #tpu.memory_space<vmem>>, vector<1x1x16xf32>,
        %get3A_241 = arith.constant 1 : i32
        %get3A_242 = arith.constant 2 : i32
        %get3A_243 = arith.index_cast %get3A_241 : i32 to index
        %get3A_244 = arith.index_cast %get3A_242 : i32 to index
        %get3A_245 = arith.index_cast %mul3A_70 : i32 to index
        %get3A_246 = tpu.vector_load %arg6[%get3A_243, %get3A_244, %get3A_245] {strides = array<i32>} : memref<7x8x768xf32, #tpu.memory_space<vmem>>, vector<1x1x16xf32>,
        %get3A_247 = vector.shape_cast %get3A_246 : vector<1x1x16xf32> to vector<16xf32>
        %add3A_248 = arith.addf %get3A_247, %get3A_208 : vector<16xf32>
        %swap3A_249 = arith.constant 1 : i32
        %swap3A_250 = arith.constant 2 : i32
        %swap3A_251 = arith.index_cast %swap3A_249 : i32 to index
        %swap3A_252 = arith.index_cast %swap3A_250 : i32 to index
        %swap3A_253 = arith.index_cast %mul3A_70 : i32 to index
        %swap3A_254 = tpu.vector_load %arg6[%swap3A_251, %swap3A_252, %swap3A_253] {strides = array<i32>} : memref<7x8x768xf32, #tpu.memory_space<vmem>>, vector<1x1x16xf32>,
        %swap3A_255 = vector.shape_cast %swap3A_254 : vector<1x1x16xf32> to vector<16xf32>
        %swap3A_256 = vector.shape_cast %add3A_248 : vector<16xf32> to vector<1x1x16xf32>
        tpu.vector_store %arg6[%swap3A_251, %swap3A_252, %swap3A_253], %swap3A_256 {strides = array<i32>} : memref<7x8x768xf32, #tpu.memory_space<vmem>>, vector<1x1x16xf32>,
        %get3A_257 = arith.constant 1 : i32
        %get3A_258 = arith.constant 3 : i32
        %get3A_259 = arith.index_cast %get3A_257 : i32 to index
        %get3A_260 = arith.index_cast %get3A_258 : i32 to index
        %get3A_261 = arith.index_cast %mul3A_70 : i32 to index
        %get3A_262 = tpu.vector_load %arg6[%get3A_259, %get3A_260, %get3A_261] {strides = array<i32>} : memref<7x8x768xf32, #tpu.memory_space<vmem>>, vector<1x1x16xf32>,
        %get3A_263 = vector.shape_cast %get3A_262 : vector<1x1x16xf32> to vector<16xf32>
        %add3A_264 = arith.addf %get3A_263, %get3A_208 : vector<16xf32>
        %swap3A_265 = arith.constant 1 : i32
        %swap3A_266 = arith.constant 3 : i32
        %swap3A_267 = arith.index_cast %swap3A_265 : i32 to index
        %swap3A_268 = arith.index_cast %swap3A_266 : i32 to index
        %swap3A_269 = arith.index_cast %mul3A_70 : i32 to index
        %swap3A_270 = tpu.vector_load %arg6[%swap3A_267, %swap3A_268, %swap3A_269] {strides = array<i32>} : memref<7x8x768xf32, #tpu.memory_space<vmem>>, vector<1x1x16xf32>,
        %swap3A_271 = vector.shape_cast %swap3A_270 : vector<1x1x16xf32> to vector<16xf32>
        %swap3A_272 = vector.shape_cast %add3A_264 : vector<16xf32> to vector<1x1x16xf32>
        tpu.vector_store %arg6[%swap3A_267, %swap3A_268, %swap3A_269], %swap3A_272 {strides = array<i32>} : memref<7x8x768xf32, #tpu.memory_space<vmem>>, vector<1x1x16xf32>,
        %get3A_273 = arith.constant 1 : i32
        %get3A_274 = arith.constant 4 : i32
        %get3A_275 = arith.index_cast %get3A_273 : i32 to index
        %get3A_276 = arith.index_cast %get3A_274 : i32 to index
        %get3A_277 = arith.index_cast %mul3A_70 : i32 to index
        %get3A_278 = tpu.vector_load %arg6[%get3A_275, %get3A_276, %get3A_277] {strides = array<i32>} : memref<7x8x768xf32, #tpu.memory_space<vmem>>, vector<1x1x16xf32>,
        %get3A_279 = vector.shape_cast %get3A_278 : vector<1x1x16xf32> to vector<16xf32>
        %add3A_280 = arith.addf %get3A_279, %get3A_208 : vector<16xf32>
        %swap3A_281 = arith.constant 1 : i32
        %swap3A_282 = arith.constant 4 : i32
        %swap3A_283 = arith.index_cast %swap3A_281 : i32 to index
        %swap3A_284 = arith.index_cast %swap3A_282 : i32 to index
        %swap3A_285 = arith.index_cast %mul3A_70 : i32 to index
        %swap3A_286 = tpu.vector_load %arg6[%swap3A_283, %swap3A_284, %swap3A_285] {strides = array<i32>} : memref<7x8x768xf32, #tpu.memory_space<vmem>>, vector<1x1x16xf32>,
        %swap3A_287 = vector.shape_cast %swap3A_286 : vector<1x1x16xf32> to vector<16xf32>
        %swap3A_288 = vector.shape_cast %add3A_280 : vector<16xf32> to vector<1x1x16xf32>
        tpu.vector_store %arg6[%swap3A_283, %swap3A_284, %swap3A_285], %swap3A_288 {strides = array<i32>} : memref<7x8x768xf32, #tpu.memory_space<vmem>>, vector<1x1x16xf32>,
        %get3A_289 = arith.constant 1 : i32
        %get3A_290 = arith.constant 5 : i32
        %get3A_291 = arith.index_cast %get3A_289 : i32 to index
        %get3A_292 = arith.index_cast %get3A_290 : i32 to index
        %get3A_293 = arith.index_cast %mul3A_70 : i32 to index
        %get3A_294 = tpu.vector_load %arg6[%get3A_291, %get3A_292, %get3A_293] {strides = array<i32>} : memref<7x8x768xf32, #tpu.memory_space<vmem>>, vector<1x1x16xf32>,
        %get3A_295 = vector.shape_cast %get3A_294 : vector<1x1x16xf32> to vector<16xf32>
        %add3A_296 = arith.addf %get3A_295, %get3A_208 : vector<16xf32>
        %swap3A_297 = arith.constant 1 : i32
        %swap3A_298 = arith.constant 5 : i32
        %swap3A_299 = arith.index_cast %swap3A_297 : i32 to index
        %swap3A_300 = arith.index_cast %swap3A_298 : i32 to index
        %swap3A_301 = arith.index_cast %mul3A_70 : i32 to index
        %swap3A_302 = tpu.vector_load %arg6[%swap3A_299, %swap3A_300, %swap3A_301] {strides = array<i32>} : memref<7x8x768xf32, #tpu.memory_space<vmem>>, vector<1x1x16xf32>,
        %swap3A_303 = vector.shape_cast %swap3A_302 : vector<1x1x16xf32> to vector<16xf32>
        %swap3A_304 = vector.shape_cast %add3A_296 : vector<16xf32> to vector<1x1x16xf32>
        tpu.vector_store %arg6[%swap3A_299, %swap3A_300, %swap3A_301], %swap3A_304 {strides = array<i32>} : memref<7x8x768xf32, #tpu.memory_space<vmem>>, vector<1x1x16xf32>,
        %get3A_305 = arith.constant 1 : i32
        %get3A_306 = arith.constant 6 : i32
        %get3A_307 = arith.index_cast %get3A_305 : i32 to index
        %get3A_308 = arith.index_cast %get3A_306 : i32 to index
        %get3A_309 = arith.index_cast %mul3A_70 : i32 to index
        %get3A_310 = tpu.vector_load %arg6[%get3A_307, %get3A_308, %get3A_309] {strides = array<i32>} : memref<7x8x768xf32, #tpu.memory_space<vmem>>, vector<1x1x16xf32>,
        %get3A_311 = vector.shape_cast %get3A_310 : vector<1x1x16xf32> to vector<16xf32>
        %add3A_312 = arith.addf %get3A_311, %get3A_208 : vector<16xf32>
        %swap3A_313 = arith.constant 1 : i32
        %swap3A_314 = arith.constant 6 : i32
        %swap3A_315 = arith.index_cast %swap3A_313 : i32 to index
        %swap3A_316 = arith.index_cast %swap3A_314 : i32 to index
        %swap3A_317 = arith.index_cast %mul3A_70 : i32 to index
        %swap3A_318 = tpu.vector_load %arg6[%swap3A_315, %swap3A_316, %swap3A_317] {strides = array<i32>} : memref<7x8x768xf32, #tpu.memory_space<vmem>>, vector<1x1x16xf32>,
        %swap3A_319 = vector.shape_cast %swap3A_318 : vector<1x1x16xf32> to vector<16xf32>
        %swap3A_320 = vector.shape_cast %add3A_312 : vector<16xf32> to vector<1x1x16xf32>
        tpu.vector_store %arg6[%swap3A_315, %swap3A_316, %swap3A_317], %swap3A_320 {strides = array<i32>} : memref<7x8x768xf32, #tpu.memory_space<vmem>>, vector<1x1x16xf32>,
        %get3A_321 = arith.constant 1 : i32
        %get3A_322 = arith.constant 7 : i32
        %get3A_323 = arith.index_cast %get3A_321 : i32 to index
        %get3A_324 = arith.index_cast %get3A_322 : i32 to index
        %get3A_325 = arith.index_cast %mul3A_70 : i32 to index
        %get3A_326 = tpu.vector_load %arg6[%get3A_323, %get3A_324, %get3A_325] {strides = array<i32>} : memref<7x8x768xf32, #tpu.memory_space<vmem>>, vector<1x1x16xf32>,
        %get3A_327 = vector.shape_cast %get3A_326 : vector<1x1x16xf32> to vector<16xf32>
        %add3A_328 = arith.addf %get3A_327, %get3A_208 : vector<16xf32>
        %swap3A_329 = arith.constant 1 : i32
        %swap3A_330 = arith.constant 7 : i32
        %swap3A_331 = arith.index_cast %swap3A_329 : i32 to index
        %swap3A_332 = arith.index_cast %swap3A_330 : i32 to index
        %swap3A_333 = arith.index_cast %mul3A_70 : i32 to index
        %swap3A_334 = tpu.vector_load %arg6[%swap3A_331, %swap3A_332, %swap3A_333] {strides = array<i32>} : memref<7x8x768xf32, #tpu.memory_space<vmem>>, vector<1x1x16xf32>,
        %swap3A_335 = vector.shape_cast %swap3A_334 : vector<1x1x16xf32> to vector<16xf32>
        %swap3A_336 = vector.shape_cast %add3A_328 : vector<16xf32> to vector<1x1x16xf32>
        tpu.vector_store %arg6[%swap3A_331, %swap3A_332, %swap3A_333], %swap3A_336 {strides = array<i32>} : memref<7x8x768xf32, #tpu.memory_space<vmem>>, vector<1x1x16xf32>,
        %add3A_337 = arith.constant 2 : i32
        %add3A_338 = arith.addi %sub3A_36, %add3A_337 : i32
        %get3A_339 = arith.index_cast %add3A_338 : i32 to index
        %get3A_340 = arith.index_cast %mul3A_70 : i32 to index
        %get3A_341 = tpu.vector_load %arg8[%get3A_339, %get3A_340] {strides = array<i32>} : memref<16x768xf32, #tpu.memory_space<vmem>>, vector<1x16xf32>,
        %get3A_342 = vector.shape_cast %get3A_341 : vector<1x16xf32> to vector<16xf32>
        %get3A_343 = arith.constant 2 : i32
        %get3A_344 = arith.constant 0 : i32
        %get3A_345 = arith.index_cast %get3A_343 : i32 to index
        %get3A_346 = arith.index_cast %get3A_344 : i32 to index
        %get3A_347 = arith.index_cast %mul3A_70 : i32 to index
        %get3A_348 = tpu.vector_load %arg6[%get3A_345, %get3A_346, %get3A_347] {strides = array<i32>} : memref<7x8x768xf32, #tpu.memory_space<vmem>>, vector<1x1x16xf32>,
        %get3A_349 = vector.shape_cast %get3A_348 : vector<1x1x16xf32> to vector<16xf32>
        %add3A_350 = arith.addf %get3A_349, %get3A_342 : vector<16xf32>
        %swap3A_351 = arith.constant 2 : i32
        %swap3A_352 = arith.constant 0 : i32
        %swap3A_353 = arith.index_cast %swap3A_351 : i32 to index
        %swap3A_354 = arith.index_cast %swap3A_352 : i32 to index
        %swap3A_355 = arith.index_cast %mul3A_70 : i32 to index
        %swap3A_356 = tpu.vector_load %arg6[%swap3A_353, %swap3A_354, %swap3A_355] {strides = array<i32>} : memref<7x8x768xf32, #tpu.memory_space<vmem>>, vector<1x1x16xf32>,
        %swap3A_357 = vector.shape_cast %swap3A_356 : vector<1x1x16xf32> to vector<16xf32>
        %swap3A_358 = vector.shape_cast %add3A_350 : vector<16xf32> to vector<1x1x16xf32>
        tpu.vector_store %arg6[%swap3A_353, %swap3A_354, %swap3A_355], %swap3A_358 {strides = array<i32>} : memref<7x8x768xf32, #tpu.memory_space<vmem>>, vector<1x1x16xf32>,
        %get3A_359 = arith.constant 2 : i32
        %get3A_360 = arith.constant 1 : i32
        %get3A_361 = arith.index_cast %get3A_359 : i32 to index
        %get3A_362 = arith.index_cast %get3A_360 : i32 to index
        %get3A_363 = arith.index_cast %mul3A_70 : i32 to index
        %get3A_364 = tpu.vector_load %arg6[%get3A_361, %get3A_362, %get3A_363] {strides = array<i32>} : memref<7x8x768xf32, #tpu.memory_space<vmem>>, vector<1x1x16xf32>,
        %get3A_365 = vector.shape_cast %get3A_364 : vector<1x1x16xf32> to vector<16xf32>
        %add3A_366 = arith.addf %get3A_365, %get3A_342 : vector<16xf32>
        %swap3A_367 = arith.constant 2 : i32
        %swap3A_368 = arith.constant 1 : i32
        %swap3A_369 = arith.index_cast %swap3A_367 : i32 to index
        %swap3A_370 = arith.index_cast %swap3A_368 : i32 to index
        %swap3A_371 = arith.index_cast %mul3A_70 : i32 to index
        %swap3A_372 = tpu.vector_load %arg6[%swap3A_369, %swap3A_370, %swap3A_371] {strides = array<i32>} : memref<7x8x768xf32, #tpu.memory_space<vmem>>, vector<1x1x16xf32>,
        %swap3A_373 = vector.shape_cast %swap3A_372 : vector<1x1x16xf32> to vector<16xf32>
        %swap3A_374 = vector.shape_cast %add3A_366 : vector<16xf32> to vector<1x1x16xf32>
        tpu.vector_store %arg6[%swap3A_369, %swap3A_370, %swap3A_371], %swap3A_374 {strides = array<i32>} : memref<7x8x768xf32, #tpu.memory_space<vmem>>, vector<1x1x16xf32>,
        %get3A_375 = arith.constant 2 : i32
        %get3A_376 = arith.constant 2 : i32
        %get3A_377 = arith.index_cast %get3A_375 : i32 to index
        %get3A_378 = arith.index_cast %get3A_376 : i32 to index
        %get3A_379 = arith.index_cast %mul3A_70 : i32 to index
        %get3A_380 = tpu.vector_load %arg6[%get3A_377, %get3A_378, %get3A_379] {strides = array<i32>} : memref<7x8x768xf32, #tpu.memory_space<vmem>>, vector<1x1x16xf32>,
        %get3A_381 = vector.shape_cast %get3A_380 : vector<1x1x16xf32> to vector<16xf32>
        %add3A_382 = arith.addf %get3A_381, %get3A_342 : vector<16xf32>
        %swap3A_383 = arith.constant 2 : i32
        %swap3A_384 = arith.constant 2 : i32
        %swap3A_385 = arith.index_cast %swap3A_383 : i32 to index
        %swap3A_386 = arith.index_cast %swap3A_384 : i32 to index
        %swap3A_387 = arith.index_cast %mul3A_70 : i32 to index
        %swap3A_388 = tpu.vector_load %arg6[%swap3A_385, %swap3A_386, %swap3A_387] {strides = array<i32>} : memref<7x8x768xf32, #tpu.memory_space<vmem>>, vector<1x1x16xf32>,
        %swap3A_389 = vector.shape_cast %swap3A_388 : vector<1x1x16xf32> to vector<16xf32>
        %swap3A_390 = vector.shape_cast %add3A_382 : vector<16xf32> to vector<1x1x16xf32>
        tpu.vector_store %arg6[%swap3A_385, %swap3A_386, %swap3A_387], %swap3A_390 {strides = array<i32>} : memref<7x8x768xf32, #tpu.memory_space<vmem>>, vector<1x1x16xf32>,
        %get3A_391 = arith.constant 2 : i32
        %get3A_392 = arith.constant 3 : i32
        %get3A_393 = arith.index_cast %get3A_391 : i32 to index
        %get3A_394 = arith.index_cast %get3A_392 : i32 to index
        %get3A_395 = arith.index_cast %mul3A_70 : i32 to index
        %get3A_396 = tpu.vector_load %arg6[%get3A_393, %get3A_394, %get3A_395] {strides = array<i32>} : memref<7x8x768xf32, #tpu.memory_space<vmem>>, vector<1x1x16xf32>,
        %get3A_397 = vector.shape_cast %get3A_396 : vector<1x1x16xf32> to vector<16xf32>
        %add3A_398 = arith.addf %get3A_397, %get3A_342 : vector<16xf32>
        %swap3A_399 = arith.constant 2 : i32
        %swap3A_400 = arith.constant 3 : i32
        %swap3A_401 = arith.index_cast %swap3A_399 : i32 to index
        %swap3A_402 = arith.index_cast %swap3A_400 : i32 to index
        %swap3A_403 = arith.index_cast %mul3A_70 : i32 to index
        %swap3A_404 = tpu.vector_load %arg6[%swap3A_401, %swap3A_402, %swap3A_403] {strides = array<i32>} : memref<7x8x768xf32, #tpu.memory_space<vmem>>, vector<1x1x16xf32>,
        %swap3A_405 = vector.shape_cast %swap3A_404 : vector<1x1x16xf32> to vector<16xf32>
        %swap3A_406 = vector.shape_cast %add3A_398 : vector<16xf32> to vector<1x1x16xf32>
        tpu.vector_store %arg6[%swap3A_401, %swap3A_402, %swap3A_403], %swap3A_406 {strides = array<i32>} : memref<7x8x768xf32, #tpu.memory_space<vmem>>, vector<1x1x16xf32>,
        %get3A_407 = arith.constant 2 : i32
        %get3A_408 = arith.constant 4 : i32
        %get3A_409 = arith.index_cast %get3A_407 : i32 to index
        %get3A_410 = arith.index_cast %get3A_408 : i32 to index
        %get3A_411 = arith.index_cast %mul3A_70 : i32 to index
        %get3A_412 = tpu.vector_load %arg6[%get3A_409, %get3A_410, %get3A_411] {strides = array<i32>} : memref<7x8x768xf32, #tpu.memory_space<vmem>>, vector<1x1x16xf32>,
        %get3A_413 = vector.shape_cast %get3A_412 : vector<1x1x16xf32> to vector<16xf32>
        %add3A_414 = arith.addf %get3A_413, %get3A_342 : vector<16xf32>
        %swap3A_415 = arith.constant 2 : i32
        %swap3A_416 = arith.constant 4 : i32
        %swap3A_417 = arith.index_cast %swap3A_415 : i32 to index
        %swap3A_418 = arith.index_cast %swap3A_416 : i32 to index
        %swap3A_419 = arith.index_cast %mul3A_70 : i32 to index
        %swap3A_420 = tpu.vector_load %arg6[%swap3A_417, %swap3A_418, %swap3A_419] {strides = array<i32>} : memref<7x8x768xf32, #tpu.memory_space<vmem>>, vector<1x1x16xf32>,
        %swap3A_421 = vector.shape_cast %swap3A_420 : vector<1x1x16xf32> to vector<16xf32>
        %swap3A_422 = vector.shape_cast %add3A_414 : vector<16xf32> to vector<1x1x16xf32>
        tpu.vector_store %arg6[%swap3A_417, %swap3A_418, %swap3A_419], %swap3A_422 {strides = array<i32>} : memref<7x8x768xf32, #tpu.memory_space<vmem>>, vector<1x1x16xf32>,
        %get3A_423 = arith.constant 2 : i32
        %get3A_424 = arith.constant 5 : i32
        %get3A_425 = arith.index_cast %get3A_423 : i32 to index
        %get3A_426 = arith.index_cast %get3A_424 : i32 to index
        %get3A_427 = arith.index_cast %mul3A_70 : i32 to index
        %get3A_428 = tpu.vector_load %arg6[%get3A_425, %get3A_426, %get3A_427] {strides = array<i32>} : memref<7x8x768xf32, #tpu.memory_space<vmem>>, vector<1x1x16xf32>,
        %get3A_429 = vector.shape_cast %get3A_428 : vector<1x1x16xf32> to vector<16xf32>
        %add3A_430 = arith.addf %get3A_429, %get3A_342 : vector<16xf32>
        %swap3A_431 = arith.constant 2 : i32
        %swap3A_432 = arith.constant 5 : i32
        %swap3A_433 = arith.index_cast %swap3A_431 : i32 to index
        %swap3A_434 = arith.index_cast %swap3A_432 : i32 to index
        %swap3A_435 = arith.index_cast %mul3A_70 : i32 to index
        %swap3A_436 = tpu.vector_load %arg6[%swap3A_433, %swap3A_434, %swap3A_435] {strides = array<i32>} : memref<7x8x768xf32, #tpu.memory_space<vmem>>, vector<1x1x16xf32>,
        %swap3A_437 = vector.shape_cast %swap3A_436 : vector<1x1x16xf32> to vector<16xf32>
        %swap3A_438 = vector.shape_cast %add3A_430 : vector<16xf32> to vector<1x1x16xf32>
        tpu.vector_store %arg6[%swap3A_433, %swap3A_434, %swap3A_435], %swap3A_438 {strides = array<i32>} : memref<7x8x768xf32, #tpu.memory_space<vmem>>, vector<1x1x16xf32>,
        %get3A_439 = arith.constant 2 : i32
        %get3A_440 = arith.constant 6 : i32
        %get3A_441 = arith.index_cast %get3A_439 : i32 to index
        %get3A_442 = arith.index_cast %get3A_440 : i32 to index
        %get3A_443 = arith.index_cast %mul3A_70 : i32 to index
        %get3A_444 = tpu.vector_load %arg6[%get3A_441, %get3A_442, %get3A_443] {strides = array<i32>} : memref<7x8x768xf32, #tpu.memory_space<vmem>>, vector<1x1x16xf32>,
        %get3A_445 = vector.shape_cast %get3A_444 : vector<1x1x16xf32> to vector<16xf32>
        %add3A_446 = arith.addf %get3A_445, %get3A_342 : vector<16xf32>
        %swap3A_447 = arith.constant 2 : i32
        %swap3A_448 = arith.constant 6 : i32
        %swap3A_449 = arith.index_cast %swap3A_447 : i32 to index
        %swap3A_450 = arith.index_cast %swap3A_448 : i32 to index
        %swap3A_451 = arith.index_cast %mul3A_70 : i32 to index
        %swap3A_452 = tpu.vector_load %arg6[%swap3A_449, %swap3A_450, %swap3A_451] {strides = array<i32>} : memref<7x8x768xf32, #tpu.memory_space<vmem>>, vector<1x1x16xf32>,
        %swap3A_453 = vector.shape_cast %swap3A_452 : vector<1x1x16xf32> to vector<16xf32>
        %swap3A_454 = vector.shape_cast %add3A_446 : vector<16xf32> to vector<1x1x16xf32>
        tpu.vector_store %arg6[%swap3A_449, %swap3A_450, %swap3A_451], %swap3A_454 {strides = array<i32>} : memref<7x8x768xf32, #tpu.memory_space<vmem>>, vector<1x1x16xf32>,
        %get3A_455 = arith.constant 2 : i32
        %get3A_456 = arith.constant 7 : i32
        %get3A_457 = arith.index_cast %get3A_455 : i32 to index
        %get3A_458 = arith.index_cast %get3A_456 : i32 to index
        %get3A_459 = arith.index_cast %mul3A_70 : i32 to index
        %get3A_460 = tpu.vector_load %arg6[%get3A_457, %get3A_458, %get3A_459] {strides = array<i32>} : memref<7x8x768xf32, #tpu.memory_space<vmem>>, vector<1x1x16xf32>,
        %get3A_461 = vector.shape_cast %get3A_460 : vector<1x1x16xf32> to vector<16xf32>
        %add3A_462 = arith.addf %get3A_461, %get3A_342 : vector<16xf32>
        %swap3A_463 = arith.constant 2 : i32
        %swap3A_464 = arith.constant 7 : i32
        %swap3A_465 = arith.index_cast %swap3A_463 : i32 to index
        %swap3A_466 = arith.index_cast %swap3A_464 : i32 to index
        %swap3A_467 = arith.index_cast %mul3A_70 : i32 to index
        %swap3A_468 = tpu.vector_load %arg6[%swap3A_465, %swap3A_466, %swap3A_467] {strides = array<i32>} : memref<7x8x768xf32, #tpu.memory_space<vmem>>, vector<1x1x16xf32>,
        %swap3A_469 = vector.shape_cast %swap3A_468 : vector<1x1x16xf32> to vector<16xf32>
        %swap3A_470 = vector.shape_cast %add3A_462 : vector<16xf32> to vector<1x1x16xf32>
        tpu.vector_store %arg6[%swap3A_465, %swap3A_466, %swap3A_467], %swap3A_470 {strides = array<i32>} : memref<7x8x768xf32, #tpu.memory_space<vmem>>, vector<1x1x16xf32>,
        %add3A_471 = arith.constant 3 : i32
        %add3A_472 = arith.addi %sub3A_36, %add3A_471 : i32
        %get3A_473 = arith.index_cast %add3A_472 : i32 to index
        %get3A_474 = arith.index_cast %mul3A_70 : i32 to index
        %get3A_475 = tpu.vector_load %arg8[%get3A_473, %get3A_474] {strides = array<i32>} : memref<16x768xf32, #tpu.memory_space<vmem>>, vector<1x16xf32>,
        %get3A_476 = vector.shape_cast %get3A_475 : vector<1x16xf32> to vector<16xf32>
        %get3A_477 = arith.constant 3 : i32
        %get3A_478 = arith.constant 0 : i32
        %get3A_479 = arith.index_cast %get3A_477 : i32 to index
        %get3A_480 = arith.index_cast %get3A_478 : i32 to index
        %get3A_481 = arith.index_cast %mul3A_70 : i32 to index
        %get3A_482 = tpu.vector_load %arg6[%get3A_479, %get3A_480, %get3A_481] {strides = array<i32>} : memref<7x8x768xf32, #tpu.memory_space<vmem>>, vector<1x1x16xf32>,
        %get3A_483 = vector.shape_cast %get3A_482 : vector<1x1x16xf32> to vector<16xf32>
        %add3A_484 = arith.addf %get3A_483, %get3A_476 : vector<16xf32>
        %swap3A_485 = arith.constant 3 : i32
        %swap3A_486 = arith.constant 0 : i32
        %swap3A_487 = arith.index_cast %swap3A_485 : i32 to index
        %swap3A_488 = arith.index_cast %swap3A_486 : i32 to index
        %swap3A_489 = arith.index_cast %mul3A_70 : i32 to index
        %swap3A_490 = tpu.vector_load %arg6[%swap3A_487, %swap3A_488, %swap3A_489] {strides = array<i32>} : memref<7x8x768xf32, #tpu.memory_space<vmem>>, vector<1x1x16xf32>,
        %swap3A_491 = vector.shape_cast %swap3A_490 : vector<1x1x16xf32> to vector<16xf32>
        %swap3A_492 = vector.shape_cast %add3A_484 : vector<16xf32> to vector<1x1x16xf32>
        tpu.vector_store %arg6[%swap3A_487, %swap3A_488, %swap3A_489], %swap3A_492 {strides = array<i32>} : memref<7x8x768xf32, #tpu.memory_space<vmem>>, vector<1x1x16xf32>,
        %get3A_493 = arith.constant 3 : i32
        %get3A_494 = arith.constant 1 : i32
        %get3A_495 = arith.index_cast %get3A_493 : i32 to index
        %get3A_496 = arith.index_cast %get3A_494 : i32 to index
        %get3A_497 = arith.index_cast %mul3A_70 : i32 to index
        %get3A_498 = tpu.vector_load %arg6[%get3A_495, %get3A_496, %get3A_497] {strides = array<i32>} : memref<7x8x768xf32, #tpu.memory_space<vmem>>, vector<1x1x16xf32>,
        %get3A_499 = vector.shape_cast %get3A_498 : vector<1x1x16xf32> to vector<16xf32>
        %add3A_500 = arith.addf %get3A_499, %get3A_476 : vector<16xf32>
        %swap3A_501 = arith.constant 3 : i32
        %swap3A_502 = arith.constant 1 : i32
        %swap3A_503 = arith.index_cast %swap3A_501 : i32 to index
        %swap3A_504 = arith.index_cast %swap3A_502 : i32 to index
        %swap3A_505 = arith.index_cast %mul3A_70 : i32 to index
        %swap3A_506 = tpu.vector_load %arg6[%swap3A_503, %swap3A_504, %swap3A_505] {strides = array<i32>} : memref<7x8x768xf32, #tpu.memory_space<vmem>>, vector<1x1x16xf32>,
        %swap3A_507 = vector.shape_cast %swap3A_506 : vector<1x1x16xf32> to vector<16xf32>
        %swap3A_508 = vector.shape_cast %add3A_500 : vector<16xf32> to vector<1x1x16xf32>
        tpu.vector_store %arg6[%swap3A_503, %swap3A_504, %swap3A_505], %swap3A_508 {strides = array<i32>} : memref<7x8x768xf32, #tpu.memory_space<vmem>>, vector<1x1x16xf32>,
        %get3A_509 = arith.constant 3 : i32
        %get3A_510 = arith.constant 2 : i32
        %get3A_511 = arith.index_cast %get3A_509 : i32 to index
        %get3A_512 = arith.index_cast %get3A_510 : i32 to index
        %get3A_513 = arith.index_cast %mul3A_70 : i32 to index
        %get3A_514 = tpu.vector_load %arg6[%get3A_511, %get3A_512, %get3A_513] {strides = array<i32>} : memref<7x8x768xf32, #tpu.memory_space<vmem>>, vector<1x1x16xf32>,
        %get3A_515 = vector.shape_cast %get3A_514 : vector<1x1x16xf32> to vector<16xf32>
        %add3A_516 = arith.addf %get3A_515, %get3A_476 : vector<16xf32>
        %swap3A_517 = arith.constant 3 : i32
        %swap3A_518 = arith.constant 2 : i32
        %swap3A_519 = arith.index_cast %swap3A_517 : i32 to index
        %swap3A_520 = arith.index_cast %swap3A_518 : i32 to index
        %swap3A_521 = arith.index_cast %mul3A_70 : i32 to index
        %swap3A_522 = tpu.vector_load %arg6[%swap3A_519, %swap3A_520, %swap3A_521] {strides = array<i32>} : memref<7x8x768xf32, #tpu.memory_space<vmem>>, vector<1x1x16xf32>,
        %swap3A_523 = vector.shape_cast %swap3A_522 : vector<1x1x16xf32> to vector<16xf32>
        %swap3A_524 = vector.shape_cast %add3A_516 : vector<16xf32> to vector<1x1x16xf32>
        tpu.vector_store %arg6[%swap3A_519, %swap3A_520, %swap3A_521], %swap3A_524 {strides = array<i32>} : memref<7x8x768xf32, #tpu.memory_space<vmem>>, vector<1x1x16xf32>,
        %get3A_525 = arith.constant 3 : i32
        %get3A_526 = arith.constant 3 : i32
        %get3A_527 = arith.index_cast %get3A_525 : i32 to index
        %get3A_528 = arith.index_cast %get3A_526 : i32 to index
        %get3A_529 = arith.index_cast %mul3A_70 : i32 to index
        %get3A_530 = tpu.vector_load %arg6[%get3A_527, %get3A_528, %get3A_529] {strides = array<i32>} : memref<7x8x768xf32, #tpu.memory_space<vmem>>, vector<1x1x16xf32>,
        %get3A_531 = vector.shape_cast %get3A_530 : vector<1x1x16xf32> to vector<16xf32>
        %add3A_532 = arith.addf %get3A_531, %get3A_476 : vector<16xf32>
        %swap3A_533 = arith.constant 3 : i32
        %swap3A_534 = arith.constant 3 : i32
        %swap3A_535 = arith.index_cast %swap3A_533 : i32 to index
        %swap3A_536 = arith.index_cast %swap3A_534 : i32 to index
        %swap3A_537 = arith.index_cast %mul3A_70 : i32 to index
        %swap3A_538 = tpu.vector_load %arg6[%swap3A_535, %swap3A_536, %swap3A_537] {strides = array<i32>} : memref<7x8x768xf32, #tpu.memory_space<vmem>>, vector<1x1x16xf32>,
        %swap3A_539 = vector.shape_cast %swap3A_538 : vector<1x1x16xf32> to vector<16xf32>
        %swap3A_540 = vector.shape_cast %add3A_532 : vector<16xf32> to vector<1x1x16xf32>
        tpu.vector_store %arg6[%swap3A_535, %swap3A_536, %swap3A_537], %swap3A_540 {strides = array<i32>} : memref<7x8x768xf32, #tpu.memory_space<vmem>>, vector<1x1x16xf32>,
        %get3A_541 = arith.constant 3 : i32
        %get3A_542 = arith.constant 4 : i32
        %get3A_543 = arith.index_cast %get3A_541 : i32 to index
        %get3A_544 = arith.index_cast %get3A_542 : i32 to index
        %get3A_545 = arith.index_cast %mul3A_70 : i32 to index
        %get3A_546 = tpu.vector_load %arg6[%get3A_543, %get3A_544, %get3A_545] {strides = array<i32>} : memref<7x8x768xf32, #tpu.memory_space<vmem>>, vector<1x1x16xf32>,
        %get3A_547 = vector.shape_cast %get3A_546 : vector<1x1x16xf32> to vector<16xf32>
        %add3A_548 = arith.addf %get3A_547, %get3A_476 : vector<16xf32>
        %swap3A_549 = arith.constant 3 : i32
        %swap3A_550 = arith.constant 4 : i32
        %swap3A_551 = arith.index_cast %swap3A_549 : i32 to index
        %swap3A_552 = arith.index_cast %swap3A_550 : i32 to index
        %swap3A_553 = arith.index_cast %mul3A_70 : i32 to index
        %swap3A_554 = tpu.vector_load %arg6[%swap3A_551, %swap3A_552, %swap3A_553] {strides = array<i32>} : memref<7x8x768xf32, #tpu.memory_space<vmem>>, vector<1x1x16xf32>,
        %swap3A_555 = vector.shape_cast %swap3A_554 : vector<1x1x16xf32> to vector<16xf32>
        %swap3A_556 = vector.shape_cast %add3A_548 : vector<16xf32> to vector<1x1x16xf32>
        tpu.vector_store %arg6[%swap3A_551, %swap3A_552, %swap3A_553], %swap3A_556 {strides = array<i32>} : memref<7x8x768xf32, #tpu.memory_space<vmem>>, vector<1x1x16xf32>,
        %get3A_557 = arith.constant 3 : i32
        %get3A_558 = arith.constant 5 : i32
        %get3A_559 = arith.index_cast %get3A_557 : i32 to index
        %get3A_560 = arith.index_cast %get3A_558 : i32 to index
        %get3A_561 = arith.index_cast %mul3A_70 : i32 to index
        %get3A_562 = tpu.vector_load %arg6[%get3A_559, %get3A_560, %get3A_561] {strides = array<i32>} : memref<7x8x768xf32, #tpu.memory_space<vmem>>, vector<1x1x16xf32>,
        %get3A_563 = vector.shape_cast %get3A_562 : vector<1x1x16xf32> to vector<16xf32>
        %add3A_564 = arith.addf %get3A_563, %get3A_476 : vector<16xf32>
        %swap3A_565 = arith.constant 3 : i32
        %swap3A_566 = arith.constant 5 : i32
        %swap3A_567 = arith.index_cast %swap3A_565 : i32 to index
        %swap3A_568 = arith.index_cast %swap3A_566 : i32 to index
        %swap3A_569 = arith.index_cast %mul3A_70 : i32 to index
        %swap3A_570 = tpu.vector_load %arg6[%swap3A_567, %swap3A_568, %swap3A_569] {strides = array<i32>} : memref<7x8x768xf32, #tpu.memory_space<vmem>>, vector<1x1x16xf32>,
        %swap3A_571 = vector.shape_cast %swap3A_570 : vector<1x1x16xf32> to vector<16xf32>
        %swap3A_572 = vector.shape_cast %add3A_564 : vector<16xf32> to vector<1x1x16xf32>
        tpu.vector_store %arg6[%swap3A_567, %swap3A_568, %swap3A_569], %swap3A_572 {strides = array<i32>} : memref<7x8x768xf32, #tpu.memory_space<vmem>>, vector<1x1x16xf32>,
        %get3A_573 = arith.constant 3 : i32
        %get3A_574 = arith.constant 6 : i32
        %get3A_575 = arith.index_cast %get3A_573 : i32 to index
        %get3A_576 = arith.index_cast %get3A_574 : i32 to index
        %get3A_577 = arith.index_cast %mul3A_70 : i32 to index
        %get3A_578 = tpu.vector_load %arg6[%get3A_575, %get3A_576, %get3A_577] {strides = array<i32>} : memref<7x8x768xf32, #tpu.memory_space<vmem>>, vector<1x1x16xf32>,
        %get3A_579 = vector.shape_cast %get3A_578 : vector<1x1x16xf32> to vector<16xf32>
        %add3A_580 = arith.addf %get3A_579, %get3A_476 : vector<16xf32>
        %swap3A_581 = arith.constant 3 : i32
        %swap3A_582 = arith.constant 6 : i32
        %swap3A_583 = arith.index_cast %swap3A_581 : i32 to index
        %swap3A_584 = arith.index_cast %swap3A_582 : i32 to index
        %swap3A_585 = arith.index_cast %mul3A_70 : i32 to index
        %swap3A_586 = tpu.vector_load %arg6[%swap3A_583, %swap3A_584, %swap3A_585] {strides = array<i32>} : memref<7x8x768xf32, #tpu.memory_space<vmem>>, vector<1x1x16xf32>,
        %swap3A_587 = vector.shape_cast %swap3A_586 : vector<1x1x16xf32> to vector<16xf32>
        %swap3A_588 = vector.shape_cast %add3A_580 : vector<16xf32> to vector<1x1x16xf32>
        tpu.vector_store %arg6[%swap3A_583, %swap3A_584, %swap3A_585], %swap3A_588 {strides = array<i32>} : memref<7x8x768xf32, #tpu.memory_space<vmem>>, vector<1x1x16xf32>,
        %get3A_589 = arith.constant 3 : i32
        %get3A_590 = arith.constant 7 : i32
        %get3A_591 = arith.index_cast %get3A_589 : i32 to index
        %get3A_592 = arith.index_cast %get3A_590 : i32 to index
        %get3A_593 = arith.index_cast %mul3A_70 : i32 to index
        %get3A_594 = tpu.vector_load %arg6[%get3A_591, %get3A_592, %get3A_593] {strides = array<i32>} : memref<7x8x768xf32, #tpu.memory_space<vmem>>, vector<1x1x16xf32>,
        %get3A_595 = vector.shape_cast %get3A_594 : vector<1x1x16xf32> to vector<16xf32>
        %add3A_596 = arith.addf %get3A_595, %get3A_476 : vector<16xf32>
        %swap3A_597 = arith.constant 3 : i32
        %swap3A_598 = arith.constant 7 : i32
        %swap3A_599 = arith.index_cast %swap3A_597 : i32 to index
        %swap3A_600 = arith.index_cast %swap3A_598 : i32 to index
        %swap3A_601 = arith.index_cast %mul3A_70 : i32 to index
        %swap3A_602 = tpu.vector_load %arg6[%swap3A_599, %swap3A_600, %swap3A_601] {strides = array<i32>} : memref<7x8x768xf32, #tpu.memory_space<vmem>>, vector<1x1x16xf32>,
        %swap3A_603 = vector.shape_cast %swap3A_602 : vector<1x1x16xf32> to vector<16xf32>
        %swap3A_604 = vector.shape_cast %add3A_596 : vector<16xf32> to vector<1x1x16xf32>
        tpu.vector_store %arg6[%swap3A_599, %swap3A_600, %swap3A_601], %swap3A_604 {strides = array<i32>} : memref<7x8x768xf32, #tpu.memory_space<vmem>>, vector<1x1x16xf32>,
        %add3A_605 = arith.constant 4 : i32
        %add3A_606 = arith.addi %sub3A_36, %add3A_605 : i32
        %get3A_607 = arith.index_cast %add3A_606 : i32 to index
        %get3A_608 = arith.index_cast %mul3A_70 : i32 to index
        %get3A_609 = tpu.vector_load %arg8[%get3A_607, %get3A_608] {strides = array<i32>} : memref<16x768xf32, #tpu.memory_space<vmem>>, vector<1x16xf32>,
        %get3A_610 = vector.shape_cast %get3A_609 : vector<1x16xf32> to vector<16xf32>
        %get3A_611 = arith.constant 4 : i32
        %get3A_612 = arith.constant 0 : i32
        %get3A_613 = arith.index_cast %get3A_611 : i32 to index
        %get3A_614 = arith.index_cast %get3A_612 : i32 to index
        %get3A_615 = arith.index_cast %mul3A_70 : i32 to index
        %get3A_616 = tpu.vector_load %arg6[%get3A_613, %get3A_614, %get3A_615] {strides = array<i32>} : memref<7x8x768xf32, #tpu.memory_space<vmem>>, vector<1x1x16xf32>,
        %get3A_617 = vector.shape_cast %get3A_616 : vector<1x1x16xf32> to vector<16xf32>
        %add3A_618 = arith.addf %get3A_617, %get3A_610 : vector<16xf32>
        %swap3A_619 = arith.constant 4 : i32
        %swap3A_620 = arith.constant 0 : i32
        %swap3A_621 = arith.index_cast %swap3A_619 : i32 to index
        %swap3A_622 = arith.index_cast %swap3A_620 : i32 to index
        %swap3A_623 = arith.index_cast %mul3A_70 : i32 to index
        %swap3A_624 = tpu.vector_load %arg6[%swap3A_621, %swap3A_622, %swap3A_623] {strides = array<i32>} : memref<7x8x768xf32, #tpu.memory_space<vmem>>, vector<1x1x16xf32>,
        %swap3A_625 = vector.shape_cast %swap3A_624 : vector<1x1x16xf32> to vector<16xf32>
        %swap3A_626 = vector.shape_cast %add3A_618 : vector<16xf32> to vector<1x1x16xf32>
        tpu.vector_store %arg6[%swap3A_621, %swap3A_622, %swap3A_623], %swap3A_626 {strides = array<i32>} : memref<7x8x768xf32, #tpu.memory_space<vmem>>, vector<1x1x16xf32>,
        %get3A_627 = arith.constant 4 : i32
        %get3A_628 = arith.constant 1 : i32
        %get3A_629 = arith.index_cast %get3A_627 : i32 to index
        %get3A_630 = arith.index_cast %get3A_628 : i32 to index
        %get3A_631 = arith.index_cast %mul3A_70 : i32 to index
        %get3A_632 = tpu.vector_load %arg6[%get3A_629, %get3A_630, %get3A_631] {strides = array<i32>} : memref<7x8x768xf32, #tpu.memory_space<vmem>>, vector<1x1x16xf32>,
        %get3A_633 = vector.shape_cast %get3A_632 : vector<1x1x16xf32> to vector<16xf32>
        %add3A_634 = arith.addf %get3A_633, %get3A_610 : vector<16xf32>
        %swap3A_635 = arith.constant 4 : i32
        %swap3A_636 = arith.constant 1 : i32
        %swap3A_637 = arith.index_cast %swap3A_635 : i32 to index
        %swap3A_638 = arith.index_cast %swap3A_636 : i32 to index
        %swap3A_639 = arith.index_cast %mul3A_70 : i32 to index
        %swap3A_640 = tpu.vector_load %arg6[%swap3A_637, %swap3A_638, %swap3A_639] {strides = array<i32>} : memref<7x8x768xf32, #tpu.memory_space<vmem>>, vector<1x1x16xf32>,
        %swap3A_641 = vector.shape_cast %swap3A_640 : vector<1x1x16xf32> to vector<16xf32>
        %swap3A_642 = vector.shape_cast %add3A_634 : vector<16xf32> to vector<1x1x16xf32>
        tpu.vector_store %arg6[%swap3A_637, %swap3A_638, %swap3A_639], %swap3A_642 {strides = array<i32>} : memref<7x8x768xf32, #tpu.memory_space<vmem>>, vector<1x1x16xf32>,
        %get3A_643 = arith.constant 4 : i32
        %get3A_644 = arith.constant 2 : i32
        %get3A_645 = arith.index_cast %get3A_643 : i32 to index
        %get3A_646 = arith.index_cast %get3A_644 : i32 to index
        %get3A_647 = arith.index_cast %mul3A_70 : i32 to index
        %get3A_648 = tpu.vector_load %arg6[%get3A_645, %get3A_646, %get3A_647] {strides = array<i32>} : memref<7x8x768xf32, #tpu.memory_space<vmem>>, vector<1x1x16xf32>,
        %get3A_649 = vector.shape_cast %get3A_648 : vector<1x1x16xf32> to vector<16xf32>
        %add3A_650 = arith.addf %get3A_649, %get3A_610 : vector<16xf32>
        %swap3A_651 = arith.constant 4 : i32
        %swap3A_652 = arith.constant 2 : i32
        %swap3A_653 = arith.index_cast %swap3A_651 : i32 to index
        %swap3A_654 = arith.index_cast %swap3A_652 : i32 to index
        %swap3A_655 = arith.index_cast %mul3A_70 : i32 to index
        %swap3A_656 = tpu.vector_load %arg6[%swap3A_653, %swap3A_654, %swap3A_655] {strides = array<i32>} : memref<7x8x768xf32, #tpu.memory_space<vmem>>, vector<1x1x16xf32>,
        %swap3A_657 = vector.shape_cast %swap3A_656 : vector<1x1x16xf32> to vector<16xf32>
        %swap3A_658 = vector.shape_cast %add3A_650 : vector<16xf32> to vector<1x1x16xf32>
        tpu.vector_store %arg6[%swap3A_653, %swap3A_654, %swap3A_655], %swap3A_658 {strides = array<i32>} : memref<7x8x768xf32, #tpu.memory_space<vmem>>, vector<1x1x16xf32>,
        %get3A_659 = arith.constant 4 : i32
        %get3A_660 = arith.constant 3 : i32
        %get3A_661 = arith.index_cast %get3A_659 : i32 to index
        %get3A_662 = arith.index_cast %get3A_660 : i32 to index
        %get3A_663 = arith.index_cast %mul3A_70 : i32 to index
        %get3A_664 = tpu.vector_load %arg6[%get3A_661, %get3A_662, %get3A_663] {strides = array<i32>} : memref<7x8x768xf32, #tpu.memory_space<vmem>>, vector<1x1x16xf32>,
        %get3A_665 = vector.shape_cast %get3A_664 : vector<1x1x16xf32> to vector<16xf32>
        %add3A_666 = arith.addf %get3A_665, %get3A_610 : vector<16xf32>
        %swap3A_667 = arith.constant 4 : i32
        %swap3A_668 = arith.constant 3 : i32
        %swap3A_669 = arith.index_cast %swap3A_667 : i32 to index
        %swap3A_670 = arith.index_cast %swap3A_668 : i32 to index
        %swap3A_671 = arith.index_cast %mul3A_70 : i32 to index
        %swap3A_672 = tpu.vector_load %arg6[%swap3A_669, %swap3A_670, %swap3A_671] {strides = array<i32>} : memref<7x8x768xf32, #tpu.memory_space<vmem>>, vector<1x1x16xf32>,
        %swap3A_673 = vector.shape_cast %swap3A_672 : vector<1x1x16xf32> to vector<16xf32>
        %swap3A_674 = vector.shape_cast %add3A_666 : vector<16xf32> to vector<1x1x16xf32>
        tpu.vector_store %arg6[%swap3A_669, %swap3A_670, %swap3A_671], %swap3A_674 {strides = array<i32>} : memref<7x8x768xf32, #tpu.memory_space<vmem>>, vector<1x1x16xf32>,
        %get3A_675 = arith.constant 4 : i32
        %get3A_676 = arith.constant 4 : i32
        %get3A_677 = arith.index_cast %get3A_675 : i32 to index
        %get3A_678 = arith.index_cast %get3A_676 : i32 to index
        %get3A_679 = arith.index_cast %mul3A_70 : i32 to index
        %get3A_680 = tpu.vector_load %arg6[%get3A_677, %get3A_678, %get3A_679] {strides = array<i32>} : memref<7x8x768xf32, #tpu.memory_space<vmem>>, vector<1x1x16xf32>,
        %get3A_681 = vector.shape_cast %get3A_680 : vector<1x1x16xf32> to vector<16xf32>
        %add3A_682 = arith.addf %get3A_681, %get3A_610 : vector<16xf32>
        %swap3A_683 = arith.constant 4 : i32
        %swap3A_684 = arith.constant 4 : i32
        %swap3A_685 = arith.index_cast %swap3A_683 : i32 to index
        %swap3A_686 = arith.index_cast %swap3A_684 : i32 to index
        %swap3A_687 = arith.index_cast %mul3A_70 : i32 to index
        %swap3A_688 = tpu.vector_load %arg6[%swap3A_685, %swap3A_686, %swap3A_687] {strides = array<i32>} : memref<7x8x768xf32, #tpu.memory_space<vmem>>, vector<1x1x16xf32>,
        %swap3A_689 = vector.shape_cast %swap3A_688 : vector<1x1x16xf32> to vector<16xf32>
        %swap3A_690 = vector.shape_cast %add3A_682 : vector<16xf32> to vector<1x1x16xf32>
        tpu.vector_store %arg6[%swap3A_685, %swap3A_686, %swap3A_687], %swap3A_690 {strides = array<i32>} : memref<7x8x768xf32, #tpu.memory_space<vmem>>, vector<1x1x16xf32>,
        %get3A_691 = arith.constant 4 : i32
        %get3A_692 = arith.constant 5 : i32
        %get3A_693 = arith.index_cast %get3A_691 : i32 to index
        %get3A_694 = arith.index_cast %get3A_692 : i32 to index
        %get3A_695 = arith.index_cast %mul3A_70 : i32 to index
        %get3A_696 = tpu.vector_load %arg6[%get3A_693, %get3A_694, %get3A_695] {strides = array<i32>} : memref<7x8x768xf32, #tpu.memory_space<vmem>>, vector<1x1x16xf32>,
        %get3A_697 = vector.shape_cast %get3A_696 : vector<1x1x16xf32> to vector<16xf32>
        %add3A_698 = arith.addf %get3A_697, %get3A_610 : vector<16xf32>
        %swap3A_699 = arith.constant 4 : i32
        %swap3A_700 = arith.constant 5 : i32
        %swap3A_701 = arith.index_cast %swap3A_699 : i32 to index
        %swap3A_702 = arith.index_cast %swap3A_700 : i32 to index
        %swap3A_703 = arith.index_cast %mul3A_70 : i32 to index
        %swap3A_704 = tpu.vector_load %arg6[%swap3A_701, %swap3A_702, %swap3A_703] {strides = array<i32>} : memref<7x8x768xf32, #tpu.memory_space<vmem>>, vector<1x1x16xf32>,
        %swap3A_705 = vector.shape_cast %swap3A_704 : vector<1x1x16xf32> to vector<16xf32>
        %swap3A_706 = vector.shape_cast %add3A_698 : vector<16xf32> to vector<1x1x16xf32>
        tpu.vector_store %arg6[%swap3A_701, %swap3A_702, %swap3A_703], %swap3A_706 {strides = array<i32>} : memref<7x8x768xf32, #tpu.memory_space<vmem>>, vector<1x1x16xf32>,
        %get3A_707 = arith.constant 4 : i32
        %get3A_708 = arith.constant 6 : i32
        %get3A_709 = arith.index_cast %get3A_707 : i32 to index
        %get3A_710 = arith.index_cast %get3A_708 : i32 to index
        %get3A_711 = arith.index_cast %mul3A_70 : i32 to index
        %get3A_712 = tpu.vector_load %arg6[%get3A_709, %get3A_710, %get3A_711] {strides = array<i32>} : memref<7x8x768xf32, #tpu.memory_space<vmem>>, vector<1x1x16xf32>,
        %get3A_713 = vector.shape_cast %get3A_712 : vector<1x1x16xf32> to vector<16xf32>
        %add3A_714 = arith.addf %get3A_713, %get3A_610 : vector<16xf32>
        %swap3A_715 = arith.constant 4 : i32
        %swap3A_716 = arith.constant 6 : i32
        %swap3A_717 = arith.index_cast %swap3A_715 : i32 to index
        %swap3A_718 = arith.index_cast %swap3A_716 : i32 to index
        %swap3A_719 = arith.index_cast %mul3A_70 : i32 to index
        %swap3A_720 = tpu.vector_load %arg6[%swap3A_717, %swap3A_718, %swap3A_719] {strides = array<i32>} : memref<7x8x768xf32, #tpu.memory_space<vmem>>, vector<1x1x16xf32>,
        %swap3A_721 = vector.shape_cast %swap3A_720 : vector<1x1x16xf32> to vector<16xf32>
        %swap3A_722 = vector.shape_cast %add3A_714 : vector<16xf32> to vector<1x1x16xf32>
        tpu.vector_store %arg6[%swap3A_717, %swap3A_718, %swap3A_719], %swap3A_722 {strides = array<i32>} : memref<7x8x768xf32, #tpu.memory_space<vmem>>, vector<1x1x16xf32>,
        %get3A_723 = arith.constant 4 : i32
        %get3A_724 = arith.constant 7 : i32
        %get3A_725 = arith.index_cast %get3A_723 : i32 to index
        %get3A_726 = arith.index_cast %get3A_724 : i32 to index
        %get3A_727 = arith.index_cast %mul3A_70 : i32 to index
        %get3A_728 = tpu.vector_load %arg6[%get3A_725, %get3A_726, %get3A_727] {strides = array<i32>} : memref<7x8x768xf32, #tpu.memory_space<vmem>>, vector<1x1x16xf32>,
        %get3A_729 = vector.shape_cast %get3A_728 : vector<1x1x16xf32> to vector<16xf32>
        %add3A_730 = arith.addf %get3A_729, %get3A_610 : vector<16xf32>
        %swap3A_731 = arith.constant 4 : i32
        %swap3A_732 = arith.constant 7 : i32
        %swap3A_733 = arith.index_cast %swap3A_731 : i32 to index
        %swap3A_734 = arith.index_cast %swap3A_732 : i32 to index
        %swap3A_735 = arith.index_cast %mul3A_70 : i32 to index
        %swap3A_736 = tpu.vector_load %arg6[%swap3A_733, %swap3A_734, %swap3A_735] {strides = array<i32>} : memref<7x8x768xf32, #tpu.memory_space<vmem>>, vector<1x1x16xf32>,
        %swap3A_737 = vector.shape_cast %swap3A_736 : vector<1x1x16xf32> to vector<16xf32>
        %swap3A_738 = vector.shape_cast %add3A_730 : vector<16xf32> to vector<1x1x16xf32>
        tpu.vector_store %arg6[%swap3A_733, %swap3A_734, %swap3A_735], %swap3A_738 {strides = array<i32>} : memref<7x8x768xf32, #tpu.memory_space<vmem>>, vector<1x1x16xf32>,
        %add3A_739 = arith.constant 5 : i32
        %add3A_740 = arith.addi %sub3A_36, %add3A_739 : i32
        %get3A_741 = arith.index_cast %add3A_740 : i32 to index
        %get3A_742 = arith.index_cast %mul3A_70 : i32 to index
        %get3A_743 = tpu.vector_load %arg8[%get3A_741, %get3A_742] {strides = array<i32>} : memref<16x768xf32, #tpu.memory_space<vmem>>, vector<1x16xf32>,
        %get3A_744 = vector.shape_cast %get3A_743 : vector<1x16xf32> to vector<16xf32>
        %get3A_745 = arith.constant 5 : i32
        %get3A_746 = arith.constant 0 : i32
        %get3A_747 = arith.index_cast %get3A_745 : i32 to index
        %get3A_748 = arith.index_cast %get3A_746 : i32 to index
        %get3A_749 = arith.index_cast %mul3A_70 : i32 to index
        %get3A_750 = tpu.vector_load %arg6[%get3A_747, %get3A_748, %get3A_749] {strides = array<i32>} : memref<7x8x768xf32, #tpu.memory_space<vmem>>, vector<1x1x16xf32>,
        %get3A_751 = vector.shape_cast %get3A_750 : vector<1x1x16xf32> to vector<16xf32>
        %add3A_752 = arith.addf %get3A_751, %get3A_744 : vector<16xf32>
        %swap3A_753 = arith.constant 5 : i32
        %swap3A_754 = arith.constant 0 : i32
        %swap3A_755 = arith.index_cast %swap3A_753 : i32 to index
        %swap3A_756 = arith.index_cast %swap3A_754 : i32 to index
        %swap3A_757 = arith.index_cast %mul3A_70 : i32 to index
        %swap3A_758 = tpu.vector_load %arg6[%swap3A_755, %swap3A_756, %swap3A_757] {strides = array<i32>} : memref<7x8x768xf32, #tpu.memory_space<vmem>>, vector<1x1x16xf32>,
        %swap3A_759 = vector.shape_cast %swap3A_758 : vector<1x1x16xf32> to vector<16xf32>
        %swap3A_760 = vector.shape_cast %add3A_752 : vector<16xf32> to vector<1x1x16xf32>
        tpu.vector_store %arg6[%swap3A_755, %swap3A_756, %swap3A_757], %swap3A_760 {strides = array<i32>} : memref<7x8x768xf32, #tpu.memory_space<vmem>>, vector<1x1x16xf32>,
        %get3A_761 = arith.constant 5 : i32
        %get3A_762 = arith.constant 1 : i32
        %get3A_763 = arith.index_cast %get3A_761 : i32 to index
        %get3A_764 = arith.index_cast %get3A_762 : i32 to index
        %get3A_765 = arith.index_cast %mul3A_70 : i32 to index
        %get3A_766 = tpu.vector_load %arg6[%get3A_763, %get3A_764, %get3A_765] {strides = array<i32>} : memref<7x8x768xf32, #tpu.memory_space<vmem>>, vector<1x1x16xf32>,
        %get3A_767 = vector.shape_cast %get3A_766 : vector<1x1x16xf32> to vector<16xf32>
        %add3A_768 = arith.addf %get3A_767, %get3A_744 : vector<16xf32>
        %swap3A_769 = arith.constant 5 : i32
        %swap3A_770 = arith.constant 1 : i32
        %swap3A_771 = arith.index_cast %swap3A_769 : i32 to index
        %swap3A_772 = arith.index_cast %swap3A_770 : i32 to index
        %swap3A_773 = arith.index_cast %mul3A_70 : i32 to index
        %swap3A_774 = tpu.vector_load %arg6[%swap3A_771, %swap3A_772, %swap3A_773] {strides = array<i32>} : memref<7x8x768xf32, #tpu.memory_space<vmem>>, vector<1x1x16xf32>,
        %swap3A_775 = vector.shape_cast %swap3A_774 : vector<1x1x16xf32> to vector<16xf32>
        %swap3A_776 = vector.shape_cast %add3A_768 : vector<16xf32> to vector<1x1x16xf32>
        tpu.vector_store %arg6[%swap3A_771, %swap3A_772, %swap3A_773], %swap3A_776 {strides = array<i32>} : memref<7x8x768xf32, #tpu.memory_space<vmem>>, vector<1x1x16xf32>,
        %get3A_777 = arith.constant 5 : i32
        %get3A_778 = arith.constant 2 : i32
        %get3A_779 = arith.index_cast %get3A_777 : i32 to index
        %get3A_780 = arith.index_cast %get3A_778 : i32 to index
        %get3A_781 = arith.index_cast %mul3A_70 : i32 to index
        %get3A_782 = tpu.vector_load %arg6[%get3A_779, %get3A_780, %get3A_781] {strides = array<i32>} : memref<7x8x768xf32, #tpu.memory_space<vmem>>, vector<1x1x16xf32>,
        %get3A_783 = vector.shape_cast %get3A_782 : vector<1x1x16xf32> to vector<16xf32>
        %add3A_784 = arith.addf %get3A_783, %get3A_744 : vector<16xf32>
        %swap3A_785 = arith.constant 5 : i32
        %swap3A_786 = arith.constant 2 : i32
        %swap3A_787 = arith.index_cast %swap3A_785 : i32 to index
        %swap3A_788 = arith.index_cast %swap3A_786 : i32 to index
        %swap3A_789 = arith.index_cast %mul3A_70 : i32 to index
        %swap3A_790 = tpu.vector_load %arg6[%swap3A_787, %swap3A_788, %swap3A_789] {strides = array<i32>} : memref<7x8x768xf32, #tpu.memory_space<vmem>>, vector<1x1x16xf32>,
        %swap3A_791 = vector.shape_cast %swap3A_790 : vector<1x1x16xf32> to vector<16xf32>
        %swap3A_792 = vector.shape_cast %add3A_784 : vector<16xf32> to vector<1x1x16xf32>
        tpu.vector_store %arg6[%swap3A_787, %swap3A_788, %swap3A_789], %swap3A_792 {strides = array<i32>} : memref<7x8x768xf32, #tpu.memory_space<vmem>>, vector<1x1x16xf32>,
        %get3A_793 = arith.constant 5 : i32
        %get3A_794 = arith.constant 3 : i32
        %get3A_795 = arith.index_cast %get3A_793 : i32 to index
        %get3A_796 = arith.index_cast %get3A_794 : i32 to index
        %get3A_797 = arith.index_cast %mul3A_70 : i32 to index
        %get3A_798 = tpu.vector_load %arg6[%get3A_795, %get3A_796, %get3A_797] {strides = array<i32>} : memref<7x8x768xf32, #tpu.memory_space<vmem>>, vector<1x1x16xf32>,
        %get3A_799 = vector.shape_cast %get3A_798 : vector<1x1x16xf32> to vector<16xf32>
        %add3A_800 = arith.addf %get3A_799, %get3A_744 : vector<16xf32>
        %swap3A_801 = arith.constant 5 : i32
        %swap3A_802 = arith.constant 3 : i32
        %swap3A_803 = arith.index_cast %swap3A_801 : i32 to index
        %swap3A_804 = arith.index_cast %swap3A_802 : i32 to index
        %swap3A_805 = arith.index_cast %mul3A_70 : i32 to index
        %swap3A_806 = tpu.vector_load %arg6[%swap3A_803, %swap3A_804, %swap3A_805] {strides = array<i32>} : memref<7x8x768xf32, #tpu.memory_space<vmem>>, vector<1x1x16xf32>,
        %swap3A_807 = vector.shape_cast %swap3A_806 : vector<1x1x16xf32> to vector<16xf32>
        %swap3A_808 = vector.shape_cast %add3A_800 : vector<16xf32> to vector<1x1x16xf32>
        tpu.vector_store %arg6[%swap3A_803, %swap3A_804, %swap3A_805], %swap3A_808 {strides = array<i32>} : memref<7x8x768xf32, #tpu.memory_space<vmem>>, vector<1x1x16xf32>,
        %get3A_809 = arith.constant 5 : i32
        %get3A_810 = arith.constant 4 : i32
        %get3A_811 = arith.index_cast %get3A_809 : i32 to index
        %get3A_812 = arith.index_cast %get3A_810 : i32 to index
        %get3A_813 = arith.index_cast %mul3A_70 : i32 to index
        %get3A_814 = tpu.vector_load %arg6[%get3A_811, %get3A_812, %get3A_813] {strides = array<i32>} : memref<7x8x768xf32, #tpu.memory_space<vmem>>, vector<1x1x16xf32>,
        %get3A_815 = vector.shape_cast %get3A_814 : vector<1x1x16xf32> to vector<16xf32>
        %add3A_816 = arith.addf %get3A_815, %get3A_744 : vector<16xf32>
        %swap3A_817 = arith.constant 5 : i32
        %swap3A_818 = arith.constant 4 : i32
        %swap3A_819 = arith.index_cast %swap3A_817 : i32 to index
        %swap3A_820 = arith.index_cast %swap3A_818 : i32 to index
        %swap3A_821 = arith.index_cast %mul3A_70 : i32 to index
        %swap3A_822 = tpu.vector_load %arg6[%swap3A_819, %swap3A_820, %swap3A_821] {strides = array<i32>} : memref<7x8x768xf32, #tpu.memory_space<vmem>>, vector<1x1x16xf32>,
        %swap3A_823 = vector.shape_cast %swap3A_822 : vector<1x1x16xf32> to vector<16xf32>
        %swap3A_824 = vector.shape_cast %add3A_816 : vector<16xf32> to vector<1x1x16xf32>
        tpu.vector_store %arg6[%swap3A_819, %swap3A_820, %swap3A_821], %swap3A_824 {strides = array<i32>} : memref<7x8x768xf32, #tpu.memory_space<vmem>>, vector<1x1x16xf32>,
        %get3A_825 = arith.constant 5 : i32
        %get3A_826 = arith.constant 5 : i32
        %get3A_827 = arith.index_cast %get3A_825 : i32 to index
        %get3A_828 = arith.index_cast %get3A_826 : i32 to index
        %get3A_829 = arith.index_cast %mul3A_70 : i32 to index
        %get3A_830 = tpu.vector_load %arg6[%get3A_827, %get3A_828, %get3A_829] {strides = array<i32>} : memref<7x8x768xf32, #tpu.memory_space<vmem>>, vector<1x1x16xf32>,
        %get3A_831 = vector.shape_cast %get3A_830 : vector<1x1x16xf32> to vector<16xf32>
        %add3A_832 = arith.addf %get3A_831, %get3A_744 : vector<16xf32>
        %swap3A_833 = arith.constant 5 : i32
        %swap3A_834 = arith.constant 5 : i32
        %swap3A_835 = arith.index_cast %swap3A_833 : i32 to index
        %swap3A_836 = arith.index_cast %swap3A_834 : i32 to index
        %swap3A_837 = arith.index_cast %mul3A_70 : i32 to index
        %swap3A_838 = tpu.vector_load %arg6[%swap3A_835, %swap3A_836, %swap3A_837] {strides = array<i32>} : memref<7x8x768xf32, #tpu.memory_space<vmem>>, vector<1x1x16xf32>,
        %swap3A_839 = vector.shape_cast %swap3A_838 : vector<1x1x16xf32> to vector<16xf32>
        %swap3A_840 = vector.shape_cast %add3A_832 : vector<16xf32> to vector<1x1x16xf32>
        tpu.vector_store %arg6[%swap3A_835, %swap3A_836, %swap3A_837], %swap3A_840 {strides = array<i32>} : memref<7x8x768xf32, #tpu.memory_space<vmem>>, vector<1x1x16xf32>,
        %get3A_841 = arith.constant 5 : i32
        %get3A_842 = arith.constant 6 : i32
        %get3A_843 = arith.index_cast %get3A_841 : i32 to index
        %get3A_844 = arith.index_cast %get3A_842 : i32 to index
        %get3A_845 = arith.index_cast %mul3A_70 : i32 to index
        %get3A_846 = tpu.vector_load %arg6[%get3A_843, %get3A_844, %get3A_845] {strides = array<i32>} : memref<7x8x768xf32, #tpu.memory_space<vmem>>, vector<1x1x16xf32>,
        %get3A_847 = vector.shape_cast %get3A_846 : vector<1x1x16xf32> to vector<16xf32>
        %add3A_848 = arith.addf %get3A_847, %get3A_744 : vector<16xf32>
        %swap3A_849 = arith.constant 5 : i32
        %swap3A_850 = arith.constant 6 : i32
        %swap3A_851 = arith.index_cast %swap3A_849 : i32 to index
        %swap3A_852 = arith.index_cast %swap3A_850 : i32 to index
        %swap3A_853 = arith.index_cast %mul3A_70 : i32 to index
        %swap3A_854 = tpu.vector_load %arg6[%swap3A_851, %swap3A_852, %swap3A_853] {strides = array<i32>} : memref<7x8x768xf32, #tpu.memory_space<vmem>>, vector<1x1x16xf32>,
        %swap3A_855 = vector.shape_cast %swap3A_854 : vector<1x1x16xf32> to vector<16xf32>
        %swap3A_856 = vector.shape_cast %add3A_848 : vector<16xf32> to vector<1x1x16xf32>
        tpu.vector_store %arg6[%swap3A_851, %swap3A_852, %swap3A_853], %swap3A_856 {strides = array<i32>} : memref<7x8x768xf32, #tpu.memory_space<vmem>>, vector<1x1x16xf32>,
        %get3A_857 = arith.constant 5 : i32
        %get3A_858 = arith.constant 7 : i32
        %get3A_859 = arith.index_cast %get3A_857 : i32 to index
        %get3A_860 = arith.index_cast %get3A_858 : i32 to index
        %get3A_861 = arith.index_cast %mul3A_70 : i32 to index
        %get3A_862 = tpu.vector_load %arg6[%get3A_859, %get3A_860, %get3A_861] {strides = array<i32>} : memref<7x8x768xf32, #tpu.memory_space<vmem>>, vector<1x1x16xf32>,
        %get3A_863 = vector.shape_cast %get3A_862 : vector<1x1x16xf32> to vector<16xf32>
        %add3A_864 = arith.addf %get3A_863, %get3A_744 : vector<16xf32>
        %swap3A_865 = arith.constant 5 : i32
        %swap3A_866 = arith.constant 7 : i32
        %swap3A_867 = arith.index_cast %swap3A_865 : i32 to index
        %swap3A_868 = arith.index_cast %swap3A_866 : i32 to index
        %swap3A_869 = arith.index_cast %mul3A_70 : i32 to index
        %swap3A_870 = tpu.vector_load %arg6[%swap3A_867, %swap3A_868, %swap3A_869] {strides = array<i32>} : memref<7x8x768xf32, #tpu.memory_space<vmem>>, vector<1x1x16xf32>,
        %swap3A_871 = vector.shape_cast %swap3A_870 : vector<1x1x16xf32> to vector<16xf32>
        %swap3A_872 = vector.shape_cast %add3A_864 : vector<16xf32> to vector<1x1x16xf32>
        tpu.vector_store %arg6[%swap3A_867, %swap3A_868, %swap3A_869], %swap3A_872 {strides = array<i32>} : memref<7x8x768xf32, #tpu.memory_space<vmem>>, vector<1x1x16xf32>,
        %add3A_873 = arith.constant 6 : i32
        %add3A_874 = arith.addi %sub3A_36, %add3A_873 : i32
        %get3A_875 = arith.index_cast %add3A_874 : i32 to index
        %get3A_876 = arith.index_cast %mul3A_70 : i32 to index
        %get3A_877 = tpu.vector_load %arg8[%get3A_875, %get3A_876] {strides = array<i32>} : memref<16x768xf32, #tpu.memory_space<vmem>>, vector<1x16xf32>,
        %get3A_878 = vector.shape_cast %get3A_877 : vector<1x16xf32> to vector<16xf32>
        %get3A_879 = arith.constant 6 : i32
        %get3A_880 = arith.constant 0 : i32
        %get3A_881 = arith.index_cast %get3A_879 : i32 to index
        %get3A_882 = arith.index_cast %get3A_880 : i32 to index
        %get3A_883 = arith.index_cast %mul3A_70 : i32 to index
        %get3A_884 = tpu.vector_load %arg6[%get3A_881, %get3A_882, %get3A_883] {strides = array<i32>} : memref<7x8x768xf32, #tpu.memory_space<vmem>>, vector<1x1x16xf32>,
        %get3A_885 = vector.shape_cast %get3A_884 : vector<1x1x16xf32> to vector<16xf32>
        %add3A_886 = arith.addf %get3A_885, %get3A_878 : vector<16xf32>
        %swap3A_887 = arith.constant 6 : i32
        %swap3A_888 = arith.constant 0 : i32
        %swap3A_889 = arith.index_cast %swap3A_887 : i32 to index
        %swap3A_890 = arith.index_cast %swap3A_888 : i32 to index
        %swap3A_891 = arith.index_cast %mul3A_70 : i32 to index
        %swap3A_892 = tpu.vector_load %arg6[%swap3A_889, %swap3A_890, %swap3A_891] {strides = array<i32>} : memref<7x8x768xf32, #tpu.memory_space<vmem>>, vector<1x1x16xf32>,
        %swap3A_893 = vector.shape_cast %swap3A_892 : vector<1x1x16xf32> to vector<16xf32>
        %swap3A_894 = vector.shape_cast %add3A_886 : vector<16xf32> to vector<1x1x16xf32>
        tpu.vector_store %arg6[%swap3A_889, %swap3A_890, %swap3A_891], %swap3A_894 {strides = array<i32>} : memref<7x8x768xf32, #tpu.memory_space<vmem>>, vector<1x1x16xf32>,
        %get3A_895 = arith.constant 6 : i32
        %get3A_896 = arith.constant 1 : i32
        %get3A_897 = arith.index_cast %get3A_895 : i32 to index
        %get3A_898 = arith.index_cast %get3A_896 : i32 to index
        %get3A_899 = arith.index_cast %mul3A_70 : i32 to index
        %get3A_900 = tpu.vector_load %arg6[%get3A_897, %get3A_898, %get3A_899] {strides = array<i32>} : memref<7x8x768xf32, #tpu.memory_space<vmem>>, vector<1x1x16xf32>,
        %get3A_901 = vector.shape_cast %get3A_900 : vector<1x1x16xf32> to vector<16xf32>
        %add3A_902 = arith.addf %get3A_901, %get3A_878 : vector<16xf32>
        %swap3A_903 = arith.constant 6 : i32
        %swap3A_904 = arith.constant 1 : i32
        %swap3A_905 = arith.index_cast %swap3A_903 : i32 to index
        %swap3A_906 = arith.index_cast %swap3A_904 : i32 to index
        %swap3A_907 = arith.index_cast %mul3A_70 : i32 to index
        %swap3A_908 = tpu.vector_load %arg6[%swap3A_905, %swap3A_906, %swap3A_907] {strides = array<i32>} : memref<7x8x768xf32, #tpu.memory_space<vmem>>, vector<1x1x16xf32>,
        %swap3A_909 = vector.shape_cast %swap3A_908 : vector<1x1x16xf32> to vector<16xf32>
        %swap3A_910 = vector.shape_cast %add3A_902 : vector<16xf32> to vector<1x1x16xf32>
        tpu.vector_store %arg6[%swap3A_905, %swap3A_906, %swap3A_907], %swap3A_910 {strides = array<i32>} : memref<7x8x768xf32, #tpu.memory_space<vmem>>, vector<1x1x16xf32>,
        %get3A_911 = arith.constant 6 : i32
        %get3A_912 = arith.constant 2 : i32
        %get3A_913 = arith.index_cast %get3A_911 : i32 to index
        %get3A_914 = arith.index_cast %get3A_912 : i32 to index
        %get3A_915 = arith.index_cast %mul3A_70 : i32 to index
        %get3A_916 = tpu.vector_load %arg6[%get3A_913, %get3A_914, %get3A_915] {strides = array<i32>} : memref<7x8x768xf32, #tpu.memory_space<vmem>>, vector<1x1x16xf32>,
        %get3A_917 = vector.shape_cast %get3A_916 : vector<1x1x16xf32> to vector<16xf32>
        %add3A_918 = arith.addf %get3A_917, %get3A_878 : vector<16xf32>
        %swap3A_919 = arith.constant 6 : i32
        %swap3A_920 = arith.constant 2 : i32
        %swap3A_921 = arith.index_cast %swap3A_919 : i32 to index
        %swap3A_922 = arith.index_cast %swap3A_920 : i32 to index
        %swap3A_923 = arith.index_cast %mul3A_70 : i32 to index
        %swap3A_924 = tpu.vector_load %arg6[%swap3A_921, %swap3A_922, %swap3A_923] {strides = array<i32>} : memref<7x8x768xf32, #tpu.memory_space<vmem>>, vector<1x1x16xf32>,
        %swap3A_925 = vector.shape_cast %swap3A_924 : vector<1x1x16xf32> to vector<16xf32>
        %swap3A_926 = vector.shape_cast %add3A_918 : vector<16xf32> to vector<1x1x16xf32>
        tpu.vector_store %arg6[%swap3A_921, %swap3A_922, %swap3A_923], %swap3A_926 {strides = array<i32>} : memref<7x8x768xf32, #tpu.memory_space<vmem>>, vector<1x1x16xf32>,
        %get3A_927 = arith.constant 6 : i32
        %get3A_928 = arith.constant 3 : i32
        %get3A_929 = arith.index_cast %get3A_927 : i32 to index
        %get3A_930 = arith.index_cast %get3A_928 : i32 to index
        %get3A_931 = arith.index_cast %mul3A_70 : i32 to index
        %get3A_932 = tpu.vector_load %arg6[%get3A_929, %get3A_930, %get3A_931] {strides = array<i32>} : memref<7x8x768xf32, #tpu.memory_space<vmem>>, vector<1x1x16xf32>,
        %get3A_933 = vector.shape_cast %get3A_932 : vector<1x1x16xf32> to vector<16xf32>
        %add3A_934 = arith.addf %get3A_933, %get3A_878 : vector<16xf32>
        %swap3A_935 = arith.constant 6 : i32
        %swap3A_936 = arith.constant 3 : i32
        %swap3A_937 = arith.index_cast %swap3A_935 : i32 to index
        %swap3A_938 = arith.index_cast %swap3A_936 : i32 to index
        %swap3A_939 = arith.index_cast %mul3A_70 : i32 to index
        %swap3A_940 = tpu.vector_load %arg6[%swap3A_937, %swap3A_938, %swap3A_939] {strides = array<i32>} : memref<7x8x768xf32, #tpu.memory_space<vmem>>, vector<1x1x16xf32>,
        %swap3A_941 = vector.shape_cast %swap3A_940 : vector<1x1x16xf32> to vector<16xf32>
        %swap3A_942 = vector.shape_cast %add3A_934 : vector<16xf32> to vector<1x1x16xf32>
        tpu.vector_store %arg6[%swap3A_937, %swap3A_938, %swap3A_939], %swap3A_942 {strides = array<i32>} : memref<7x8x768xf32, #tpu.memory_space<vmem>>, vector<1x1x16xf32>,
        %get3A_943 = arith.constant 6 : i32
        %get3A_944 = arith.constant 4 : i32
        %get3A_945 = arith.index_cast %get3A_943 : i32 to index
        %get3A_946 = arith.index_cast %get3A_944 : i32 to index
        %get3A_947 = arith.index_cast %mul3A_70 : i32 to index
        %get3A_948 = tpu.vector_load %arg6[%get3A_945, %get3A_946, %get3A_947] {strides = array<i32>} : memref<7x8x768xf32, #tpu.memory_space<vmem>>, vector<1x1x16xf32>,
        %get3A_949 = vector.shape_cast %get3A_948 : vector<1x1x16xf32> to vector<16xf32>
        %add3A_950 = arith.addf %get3A_949, %get3A_878 : vector<16xf32>
        %swap3A_951 = arith.constant 6 : i32
        %swap3A_952 = arith.constant 4 : i32
        %swap3A_953 = arith.index_cast %swap3A_951 : i32 to index
        %swap3A_954 = arith.index_cast %swap3A_952 : i32 to index
        %swap3A_955 = arith.index_cast %mul3A_70 : i32 to index
        %swap3A_956 = tpu.vector_load %arg6[%swap3A_953, %swap3A_954, %swap3A_955] {strides = array<i32>} : memref<7x8x768xf32, #tpu.memory_space<vmem>>, vector<1x1x16xf32>,
        %swap3A_957 = vector.shape_cast %swap3A_956 : vector<1x1x16xf32> to vector<16xf32>
        %swap3A_958 = vector.shape_cast %add3A_950 : vector<16xf32> to vector<1x1x16xf32>
        tpu.vector_store %arg6[%swap3A_953, %swap3A_954, %swap3A_955], %swap3A_958 {strides = array<i32>} : memref<7x8x768xf32, #tpu.memory_space<vmem>>, vector<1x1x16xf32>,
        %get3A_959 = arith.constant 6 : i32
        %get3A_960 = arith.constant 5 : i32
        %get3A_961 = arith.index_cast %get3A_959 : i32 to index
        %get3A_962 = arith.index_cast %get3A_960 : i32 to index
        %get3A_963 = arith.index_cast %mul3A_70 : i32 to index
        %get3A_964 = tpu.vector_load %arg6[%get3A_961, %get3A_962, %get3A_963] {strides = array<i32>} : memref<7x8x768xf32, #tpu.memory_space<vmem>>, vector<1x1x16xf32>,
        %get3A_965 = vector.shape_cast %get3A_964 : vector<1x1x16xf32> to vector<16xf32>
        %add3A_966 = arith.addf %get3A_965, %get3A_878 : vector<16xf32>
        %swap3A_967 = arith.constant 6 : i32
        %swap3A_968 = arith.constant 5 : i32
        %swap3A_969 = arith.index_cast %swap3A_967 : i32 to index
        %swap3A_970 = arith.index_cast %swap3A_968 : i32 to index
        %swap3A_971 = arith.index_cast %mul3A_70 : i32 to index
        %swap3A_972 = tpu.vector_load %arg6[%swap3A_969, %swap3A_970, %swap3A_971] {strides = array<i32>} : memref<7x8x768xf32, #tpu.memory_space<vmem>>, vector<1x1x16xf32>,
        %swap3A_973 = vector.shape_cast %swap3A_972 : vector<1x1x16xf32> to vector<16xf32>
        %swap3A_974 = vector.shape_cast %add3A_966 : vector<16xf32> to vector<1x1x16xf32>
        tpu.vector_store %arg6[%swap3A_969, %swap3A_970, %swap3A_971], %swap3A_974 {strides = array<i32>} : memref<7x8x768xf32, #tpu.memory_space<vmem>>, vector<1x1x16xf32>,
        %get3A_975 = arith.constant 6 : i32
        %get3A_976 = arith.constant 6 : i32
        %get3A_977 = arith.index_cast %get3A_975 : i32 to index
        %get3A_978 = arith.index_cast %get3A_976 : i32 to index
        %get3A_979 = arith.index_cast %mul3A_70 : i32 to index
        %get3A_980 = tpu.vector_load %arg6[%get3A_977, %get3A_978, %get3A_979] {strides = array<i32>} : memref<7x8x768xf32, #tpu.memory_space<vmem>>, vector<1x1x16xf32>,
        %get3A_981 = vector.shape_cast %get3A_980 : vector<1x1x16xf32> to vector<16xf32>
        %add3A_982 = arith.addf %get3A_981, %get3A_878 : vector<16xf32>
        %swap3A_983 = arith.constant 6 : i32
        %swap3A_984 = arith.constant 6 : i32
        %swap3A_985 = arith.index_cast %swap3A_983 : i32 to index
        %swap3A_986 = arith.index_cast %swap3A_984 : i32 to index
        %swap3A_987 = arith.index_cast %mul3A_70 : i32 to index
        %swap3A_988 = tpu.vector_load %arg6[%swap3A_985, %swap3A_986, %swap3A_987] {strides = array<i32>} : memref<7x8x768xf32, #tpu.memory_space<vmem>>, vector<1x1x16xf32>,
        %swap3A_989 = vector.shape_cast %swap3A_988 : vector<1x1x16xf32> to vector<16xf32>
        %swap3A_990 = vector.shape_cast %add3A_982 : vector<16xf32> to vector<1x1x16xf32>
        tpu.vector_store %arg6[%swap3A_985, %swap3A_986, %swap3A_987], %swap3A_990 {strides = array<i32>} : memref<7x8x768xf32, #tpu.memory_space<vmem>>, vector<1x1x16xf32>,
        %get3A_991 = arith.constant 6 : i32
        %get3A_992 = arith.constant 7 : i32
        %get3A_993 = arith.index_cast %get3A_991 : i32 to index
        %get3A_994 = arith.index_cast %get3A_992 : i32 to index
        %get3A_995 = arith.index_cast %mul3A_70 : i32 to index
        %get3A_996 = tpu.vector_load %arg6[%get3A_993, %get3A_994, %get3A_995] {strides = array<i32>} : memref<7x8x768xf32, #tpu.memory_space<vmem>>, vector<1x1x16xf32>,
        %get3A_997 = vector.shape_cast %get3A_996 : vector<1x1x16xf32> to vector<16xf32>
        %add3A_998 = arith.addf %get3A_997, %get3A_878 : vector<16xf32>
        %swap3A_999 = arith.constant 6 : i32
        %swap3A_1000 = arith.constant 7 : i32
        %swap3A_1001 = arith.index_cast %swap3A_999 : i32 to index
        %swap3A_1002 = arith.index_cast %swap3A_1000 : i32 to index
        %swap3A_1003 = arith.index_cast %mul3A_70 : i32 to index
        %swap3A_1004 = tpu.vector_load %arg6[%swap3A_1001, %swap3A_1002, %swap3A_1003] {strides = array<i32>} : memref<7x8x768xf32, #tpu.memory_space<vmem>>, vector<1x1x16xf32>,
        %swap3A_1005 = vector.shape_cast %swap3A_1004 : vector<1x1x16xf32> to vector<16xf32>
        %swap3A_1006 = vector.shape_cast %add3A_998 : vector<16xf32> to vector<1x1x16xf32>
        tpu.vector_store %arg6[%swap3A_1001, %swap3A_1002, %swap3A_1003], %swap3A_1006 {strides = array<i32>} : memref<7x8x768xf32, #tpu.memory_space<vmem>>, vector<1x1x16xf32>,
        %scan3A_1007 = arith.constant 0 : i32
        scf.yield %scan3A_1007 : i32
      }
      %scan3A_52 = arith.constant 48 : i32
      %add3A_53 = arith.constant 1 : i32
      %add3A_54 = arith.addi %mul3A_13, %add3A_53 : i32
      %dma_start3A_55 = arith.constant 0 : i32
      %dma_start3A_56 = arith.constant 0 : i32
      %dma_start3A_57 = tpu.memref_slice %arg5[%add3A_54, %dma_start3A_55, %dma_start3A_56] : memref<197x8x768xf32, #tpu.memory_space<hbm>> -> memref<7x8x768xf32, #tpu.memory_space<hbm>>
      %dma_start3A_58 = arith.constant 0 : i32
      %dma_start3A_59 = arith.constant 0 : i32
      %dma_start3A_60 = tpu.memref_slice %arg5[%add3A_54, %dma_start3A_58, %dma_start3A_59] : memref<197x8x768xf32, #tpu.memory_space<hbm>> -> memref<7x8x768xf32, #tpu.memory_space<hbm>>
      tpu.enqueue_dma source(%arg6 : memref<7x8x768xf32, #tpu.memory_space<vmem>>) target(%dma_start3A_60 : memref<7x8x768xf32, #tpu.memory_space<hbm>>) target_semaphore(%arg14 : memref<!tpu.dma_semaphore, #tpu.memory_space<semaphore_mem>>)
      %dma_wait3A_61 = arith.constant 0 : i32
      %dma_wait3A_62 = arith.constant 0 : i32
      %dma_wait3A_63 = tpu.memref_slice %arg5[%add3A_54, %dma_wait3A_61, %dma_wait3A_62] : memref<197x8x768xf32, #tpu.memory_space<hbm>> -> memref<7x8x768xf32, #tpu.memory_space<hbm>>
      %dma_wait3A_64 = arith.constant 0 : i32
      %dma_wait3A_65 = arith.constant 0 : i32
      %dma_wait3A_66 = tpu.memref_slice %arg5[%add3A_54, %dma_wait3A_64, %dma_wait3A_65] : memref<197x8x768xf32, #tpu.memory_space<hbm>> -> memref<7x8x768xf32, #tpu.memory_space<hbm>>
      tpu.wait_dma2 semaphore(%arg14 : memref<!tpu.dma_semaphore, #tpu.memory_space<semaphore_mem>>) src(%arg6 : memref<7x8x768xf32, #tpu.memory_space<vmem>>) dst(%dma_wait3A_66 : memref<7x8x768xf32, #tpu.memory_space<hbm>>)
    } else {
    }
    %eq3A = arith.constant 27 : i32
    %eq3A_3 = arith.cmpi eq, %add3A, %eq3A : i32
    %convert_element_type3A_4 = arith.extui %eq3A_3 : i1 to i32
    %cond3A_5 = arith.constant 0 : i32
    %cond3A_6 = arith.cmpi ne, %convert_element_type3A_4, %cond3A_5 : i32
    scf.if %cond3A_6 {
      "tpu.region"() ({
        %run_scoped3A = tpu.sem_alloc : memref<!tpu.dma_semaphore, #tpu.memory_space<semaphore_mem>>
        %dma_start3A_48 = arith.constant 0 : i32
        %dma_start3A_49 = arith.constant 0 : i32
        %dma_start3A_50 = tpu.memref_slice %arg8[%dma_start3A_48, %dma_start3A_49] : memref<16x768xf32, #tpu.memory_space<vmem>> -> memref<8x768xf32, #tpu.memory_space<vmem>>
        %dma_start3A_51 = arith.constant 184 : i32
        %dma_start3A_52 = arith.constant 0 : i32
        %dma_start3A_53 = tpu.memref_slice %arg4[%dma_start3A_51, %dma_start3A_52] : memref<197x768xf32, #tpu.memory_space<hbm>> -> memref<8x768xf32, #tpu.memory_space<hbm>>
        %dma_start3A_54 = arith.constant 0 : i32
        %dma_start3A_55 = arith.constant 0 : i32
        %dma_start3A_56 = tpu.memref_slice %arg8[%dma_start3A_54, %dma_start3A_55] : memref<16x768xf32, #tpu.memory_space<vmem>> -> memref<8x768xf32, #tpu.memory_space<vmem>>
        %dma_start3A_57 = arith.constant 184 : i32
        %dma_start3A_58 = arith.constant 0 : i32
        %dma_start3A_59 = tpu.memref_slice %arg4[%dma_start3A_57, %dma_start3A_58] : memref<197x768xf32, #tpu.memory_space<hbm>> -> memref<8x768xf32, #tpu.memory_space<hbm>>
        tpu.enqueue_dma source(%dma_start3A_59 : memref<8x768xf32, #tpu.memory_space<hbm>>) target(%dma_start3A_56 : memref<8x768xf32, #tpu.memory_space<vmem>>) target_semaphore(%run_scoped3A : memref<!tpu.dma_semaphore, #tpu.memory_space<semaphore_mem>>)
        %dma_wait3A_60 = arith.constant 0 : i32
        %dma_wait3A_61 = arith.constant 0 : i32
        %dma_wait3A_62 = tpu.memref_slice %arg8[%dma_wait3A_60, %dma_wait3A_61] : memref<16x768xf32, #tpu.memory_space<vmem>> -> memref<8x768xf32, #tpu.memory_space<vmem>>
        %dma_wait3A_63 = arith.constant 184 : i32
        %dma_wait3A_64 = arith.constant 0 : i32
        %dma_wait3A_65 = tpu.memref_slice %arg4[%dma_wait3A_63, %dma_wait3A_64] : memref<197x768xf32, #tpu.memory_space<hbm>> -> memref<8x768xf32, #tpu.memory_space<hbm>>
        %dma_wait3A_66 = arith.constant 0 : i32
        %dma_wait3A_67 = arith.constant 0 : i32
        %dma_wait3A_68 = tpu.memref_slice %arg8[%dma_wait3A_66, %dma_wait3A_67] : memref<16x768xf32, #tpu.memory_space<vmem>> -> memref<8x768xf32, #tpu.memory_space<vmem>>
        %dma_wait3A_69 = arith.constant 184 : i32
        %dma_wait3A_70 = arith.constant 0 : i32
        %dma_wait3A_71 = tpu.memref_slice %arg4[%dma_wait3A_69, %dma_wait3A_70] : memref<197x768xf32, #tpu.memory_space<hbm>> -> memref<8x768xf32, #tpu.memory_space<hbm>>
        tpu.wait_dma2 semaphore(%run_scoped3A : memref<!tpu.dma_semaphore, #tpu.memory_space<semaphore_mem>>) src(%dma_wait3A_71 : memref<8x768xf32, #tpu.memory_space<hbm>>) dst(%dma_wait3A_68 : memref<8x768xf32, #tpu.memory_space<vmem>>)
        tpu.yield
      }) : () -> ()
      "tpu.region"() ({
        %run_scoped3A = tpu.sem_alloc : memref<!tpu.dma_semaphore, #tpu.memory_space<semaphore_mem>>
        %dma_start3A_48 = arith.constant 192 : i32
        %dma_start3A_49 = arith.constant 0 : i32
        %dma_start3A_50 = tpu.memref_slice %arg4[%dma_start3A_48, %dma_start3A_49] : memref<197x768xf32, #tpu.memory_space<hbm>> -> memref<5x768xf32, #tpu.memory_space<hbm>>
        %dma_start3A_51 = arith.constant 192 : i32
        %dma_start3A_52 = arith.constant 0 : i32
        %dma_start3A_53 = tpu.memref_slice %arg4[%dma_start3A_51, %dma_start3A_52] : memref<197x768xf32, #tpu.memory_space<hbm>> -> memref<5x768xf32, #tpu.memory_space<hbm>>
        tpu.enqueue_dma source(%dma_start3A_53 : memref<5x768xf32, #tpu.memory_space<hbm>>) target(%arg9 : memref<5x768xf32, #tpu.memory_space<vmem>>) target_semaphore(%run_scoped3A : memref<!tpu.dma_semaphore, #tpu.memory_space<semaphore_mem>>)
        %dma_wait3A_54 = arith.constant 192 : i32
        %dma_wait3A_55 = arith.constant 0 : i32
        %dma_wait3A_56 = tpu.memref_slice %arg4[%dma_wait3A_54, %dma_wait3A_55] : memref<197x768xf32, #tpu.memory_space<hbm>> -> memref<5x768xf32, #tpu.memory_space<hbm>>
        %dma_wait3A_57 = arith.constant 192 : i32
        %dma_wait3A_58 = arith.constant 0 : i32
        %dma_wait3A_59 = tpu.memref_slice %arg4[%dma_wait3A_57, %dma_wait3A_58] : memref<197x768xf32, #tpu.memory_space<hbm>> -> memref<5x768xf32, #tpu.memory_space<hbm>>
        tpu.wait_dma2 semaphore(%run_scoped3A : memref<!tpu.dma_semaphore, #tpu.memory_space<semaphore_mem>>) src(%dma_wait3A_59 : memref<5x768xf32, #tpu.memory_space<hbm>>) dst(%arg9 : memref<5x768xf32, #tpu.memory_space<vmem>>)
        tpu.yield
      }) : () -> ()
      %dma_start3A = arith.constant 189 : i32
      %dma_start3A_12 = arith.constant 56 : i32
      %dma_start3A_13 = arith.constant 0 : i32
      %dma_start3A_14 = tpu.memref_slice %arg2[%dma_start3A, %dma_start3A_12, %dma_start3A_13] : memref<196x64x768xf32, #tpu.memory_space<hbm>> -> memref<7x8x768xf32, #tpu.memory_space<hbm>>
      %dma_start3A_15 = arith.constant 189 : i32
      %dma_start3A_16 = arith.constant 56 : i32
      %dma_start3A_17 = arith.constant 0 : i32
      %dma_start3A_18 = tpu.memref_slice %arg2[%dma_start3A_15, %dma_start3A_16, %dma_start3A_17] : memref<196x64x768xf32, #tpu.memory_space<hbm>> -> memref<7x8x768xf32, #tpu.memory_space<hbm>>
      tpu.enqueue_dma source(%dma_start3A_18 : memref<7x8x768xf32, #tpu.memory_space<hbm>>) target(%arg6 : memref<7x8x768xf32, #tpu.memory_space<vmem>>) target_semaphore(%arg12 : memref<!tpu.dma_semaphore, #tpu.memory_space<semaphore_mem>>)
      %dma_wait3A = arith.constant 189 : i32
      %dma_wait3A_19 = arith.constant 56 : i32
      %dma_wait3A_20 = arith.constant 0 : i32
      %dma_wait3A_21 = tpu.memref_slice %arg2[%dma_wait3A, %dma_wait3A_19, %dma_wait3A_20] : memref<196x64x768xf32, #tpu.memory_space<hbm>> -> memref<7x8x768xf32, #tpu.memory_space<hbm>>
      %dma_wait3A_22 = arith.constant 189 : i32
      %dma_wait3A_23 = arith.constant 56 : i32
      %dma_wait3A_24 = arith.constant 0 : i32
      %dma_wait3A_25 = tpu.memref_slice %arg2[%dma_wait3A_22, %dma_wait3A_23, %dma_wait3A_24] : memref<196x64x768xf32, #tpu.memory_space<hbm>> -> memref<7x8x768xf32, #tpu.memory_space<hbm>>
      tpu.wait_dma2 semaphore(%arg12 : memref<!tpu.dma_semaphore, #tpu.memory_space<semaphore_mem>>) src(%dma_wait3A_25 : memref<7x8x768xf32, #tpu.memory_space<hbm>>) dst(%arg6 : memref<7x8x768xf32, #tpu.memory_space<vmem>>)
      %scan3A = arith.constant 0 : i32
      %scan3A_26 = arith.constant 0 : i32
      %scan3A_27 = arith.constant 48 : i32
      %scan3A_28 = arith.addi %scan3A_26, %scan3A_27 : i32
      %scan3A_29 = arith.constant 1 : i32
      %scan3A_30 = scf.for %scan3A_48 = %scan3A_26 to %scan3A_28 step %scan3A_29 iter_args(%scan3A_49 = %scan3A) -> (i32)  : i32 {
        %mul3A_50 = arith.constant 16 : i32
        %mul3A_51 = arith.muli %scan3A_48, %mul3A_50 : i32
        %get3A = arith.constant 6 : i32
        %get3A_52 = arith.index_cast %get3A : i32 to index
        %get3A_53 = arith.index_cast %mul3A_51 : i32 to index
        %get3A_54 = tpu.vector_load %arg8[%get3A_52, %get3A_53] {strides = array<i32>} : memref<16x768xf32, #tpu.memory_space<vmem>>, vector<1x16xf32>,
        %get3A_55 = vector.shape_cast %get3A_54 : vector<1x16xf32> to vector<16xf32>
        %get3A_56 = arith.constant 0 : i32
        %get3A_57 = arith.constant 0 : i32
        %get3A_58 = arith.index_cast %get3A_56 : i32 to index
        %get3A_59 = arith.index_cast %get3A_57 : i32 to index
        %get3A_60 = arith.index_cast %mul3A_51 : i32 to index
        %get3A_61 = tpu.vector_load %arg6[%get3A_58, %get3A_59, %get3A_60] {strides = array<i32>} : memref<7x8x768xf32, #tpu.memory_space<vmem>>, vector<1x1x16xf32>,
        %get3A_62 = vector.shape_cast %get3A_61 : vector<1x1x16xf32> to vector<16xf32>
        %add3A_63 = arith.addf %get3A_62, %get3A_55 : vector<16xf32>
        %swap3A = arith.constant 0 : i32
        %swap3A_64 = arith.constant 0 : i32
        %swap3A_65 = arith.index_cast %swap3A : i32 to index
        %swap3A_66 = arith.index_cast %swap3A_64 : i32 to index
        %swap3A_67 = arith.index_cast %mul3A_51 : i32 to index
        %swap3A_68 = tpu.vector_load %arg6[%swap3A_65, %swap3A_66, %swap3A_67] {strides = array<i32>} : memref<7x8x768xf32, #tpu.memory_space<vmem>>, vector<1x1x16xf32>,
        %swap3A_69 = vector.shape_cast %swap3A_68 : vector<1x1x16xf32> to vector<16xf32>
        %swap3A_70 = vector.shape_cast %add3A_63 : vector<16xf32> to vector<1x1x16xf32>
        tpu.vector_store %arg6[%swap3A_65, %swap3A_66, %swap3A_67], %swap3A_70 {strides = array<i32>} : memref<7x8x768xf32, #tpu.memory_space<vmem>>, vector<1x1x16xf32>,
        %get3A_71 = arith.constant 0 : i32
        %get3A_72 = arith.constant 1 : i32
        %get3A_73 = arith.index_cast %get3A_71 : i32 to index
        %get3A_74 = arith.index_cast %get3A_72 : i32 to index
        %get3A_75 = arith.index_cast %mul3A_51 : i32 to index
        %get3A_76 = tpu.vector_load %arg6[%get3A_73, %get3A_74, %get3A_75] {strides = array<i32>} : memref<7x8x768xf32, #tpu.memory_space<vmem>>, vector<1x1x16xf32>,
        %get3A_77 = vector.shape_cast %get3A_76 : vector<1x1x16xf32> to vector<16xf32>
        %add3A_78 = arith.addf %get3A_77, %get3A_55 : vector<16xf32>
        %swap3A_79 = arith.constant 0 : i32
        %swap3A_80 = arith.constant 1 : i32
        %swap3A_81 = arith.index_cast %swap3A_79 : i32 to index
        %swap3A_82 = arith.index_cast %swap3A_80 : i32 to index
        %swap3A_83 = arith.index_cast %mul3A_51 : i32 to index
        %swap3A_84 = tpu.vector_load %arg6[%swap3A_81, %swap3A_82, %swap3A_83] {strides = array<i32>} : memref<7x8x768xf32, #tpu.memory_space<vmem>>, vector<1x1x16xf32>,
        %swap3A_85 = vector.shape_cast %swap3A_84 : vector<1x1x16xf32> to vector<16xf32>
        %swap3A_86 = vector.shape_cast %add3A_78 : vector<16xf32> to vector<1x1x16xf32>
        tpu.vector_store %arg6[%swap3A_81, %swap3A_82, %swap3A_83], %swap3A_86 {strides = array<i32>} : memref<7x8x768xf32, #tpu.memory_space<vmem>>, vector<1x1x16xf32>,
        %get3A_87 = arith.constant 0 : i32
        %get3A_88 = arith.constant 2 : i32
        %get3A_89 = arith.index_cast %get3A_87 : i32 to index
        %get3A_90 = arith.index_cast %get3A_88 : i32 to index
        %get3A_91 = arith.index_cast %mul3A_51 : i32 to index
        %get3A_92 = tpu.vector_load %arg6[%get3A_89, %get3A_90, %get3A_91] {strides = array<i32>} : memref<7x8x768xf32, #tpu.memory_space<vmem>>, vector<1x1x16xf32>,
        %get3A_93 = vector.shape_cast %get3A_92 : vector<1x1x16xf32> to vector<16xf32>
        %add3A_94 = arith.addf %get3A_93, %get3A_55 : vector<16xf32>
        %swap3A_95 = arith.constant 0 : i32
        %swap3A_96 = arith.constant 2 : i32
        %swap3A_97 = arith.index_cast %swap3A_95 : i32 to index
        %swap3A_98 = arith.index_cast %swap3A_96 : i32 to index
        %swap3A_99 = arith.index_cast %mul3A_51 : i32 to index
        %swap3A_100 = tpu.vector_load %arg6[%swap3A_97, %swap3A_98, %swap3A_99] {strides = array<i32>} : memref<7x8x768xf32, #tpu.memory_space<vmem>>, vector<1x1x16xf32>,
        %swap3A_101 = vector.shape_cast %swap3A_100 : vector<1x1x16xf32> to vector<16xf32>
        %swap3A_102 = vector.shape_cast %add3A_94 : vector<16xf32> to vector<1x1x16xf32>
        tpu.vector_store %arg6[%swap3A_97, %swap3A_98, %swap3A_99], %swap3A_102 {strides = array<i32>} : memref<7x8x768xf32, #tpu.memory_space<vmem>>, vector<1x1x16xf32>,
        %get3A_103 = arith.constant 0 : i32
        %get3A_104 = arith.constant 3 : i32
        %get3A_105 = arith.index_cast %get3A_103 : i32 to index
        %get3A_106 = arith.index_cast %get3A_104 : i32 to index
        %get3A_107 = arith.index_cast %mul3A_51 : i32 to index
        %get3A_108 = tpu.vector_load %arg6[%get3A_105, %get3A_106, %get3A_107] {strides = array<i32>} : memref<7x8x768xf32, #tpu.memory_space<vmem>>, vector<1x1x16xf32>,
        %get3A_109 = vector.shape_cast %get3A_108 : vector<1x1x16xf32> to vector<16xf32>
        %add3A_110 = arith.addf %get3A_109, %get3A_55 : vector<16xf32>
        %swap3A_111 = arith.constant 0 : i32
        %swap3A_112 = arith.constant 3 : i32
        %swap3A_113 = arith.index_cast %swap3A_111 : i32 to index
        %swap3A_114 = arith.index_cast %swap3A_112 : i32 to index
        %swap3A_115 = arith.index_cast %mul3A_51 : i32 to index
        %swap3A_116 = tpu.vector_load %arg6[%swap3A_113, %swap3A_114, %swap3A_115] {strides = array<i32>} : memref<7x8x768xf32, #tpu.memory_space<vmem>>, vector<1x1x16xf32>,
        %swap3A_117 = vector.shape_cast %swap3A_116 : vector<1x1x16xf32> to vector<16xf32>
        %swap3A_118 = vector.shape_cast %add3A_110 : vector<16xf32> to vector<1x1x16xf32>
        tpu.vector_store %arg6[%swap3A_113, %swap3A_114, %swap3A_115], %swap3A_118 {strides = array<i32>} : memref<7x8x768xf32, #tpu.memory_space<vmem>>, vector<1x1x16xf32>,
        %get3A_119 = arith.constant 0 : i32
        %get3A_120 = arith.constant 4 : i32
        %get3A_121 = arith.index_cast %get3A_119 : i32 to index
        %get3A_122 = arith.index_cast %get3A_120 : i32 to index
        %get3A_123 = arith.index_cast %mul3A_51 : i32 to index
        %get3A_124 = tpu.vector_load %arg6[%get3A_121, %get3A_122, %get3A_123] {strides = array<i32>} : memref<7x8x768xf32, #tpu.memory_space<vmem>>, vector<1x1x16xf32>,
        %get3A_125 = vector.shape_cast %get3A_124 : vector<1x1x16xf32> to vector<16xf32>
        %add3A_126 = arith.addf %get3A_125, %get3A_55 : vector<16xf32>
        %swap3A_127 = arith.constant 0 : i32
        %swap3A_128 = arith.constant 4 : i32
        %swap3A_129 = arith.index_cast %swap3A_127 : i32 to index
        %swap3A_130 = arith.index_cast %swap3A_128 : i32 to index
        %swap3A_131 = arith.index_cast %mul3A_51 : i32 to index
        %swap3A_132 = tpu.vector_load %arg6[%swap3A_129, %swap3A_130, %swap3A_131] {strides = array<i32>} : memref<7x8x768xf32, #tpu.memory_space<vmem>>, vector<1x1x16xf32>,
        %swap3A_133 = vector.shape_cast %swap3A_132 : vector<1x1x16xf32> to vector<16xf32>
        %swap3A_134 = vector.shape_cast %add3A_126 : vector<16xf32> to vector<1x1x16xf32>
        tpu.vector_store %arg6[%swap3A_129, %swap3A_130, %swap3A_131], %swap3A_134 {strides = array<i32>} : memref<7x8x768xf32, #tpu.memory_space<vmem>>, vector<1x1x16xf32>,
        %get3A_135 = arith.constant 0 : i32
        %get3A_136 = arith.constant 5 : i32
        %get3A_137 = arith.index_cast %get3A_135 : i32 to index
        %get3A_138 = arith.index_cast %get3A_136 : i32 to index
        %get3A_139 = arith.index_cast %mul3A_51 : i32 to index
        %get3A_140 = tpu.vector_load %arg6[%get3A_137, %get3A_138, %get3A_139] {strides = array<i32>} : memref<7x8x768xf32, #tpu.memory_space<vmem>>, vector<1x1x16xf32>,
        %get3A_141 = vector.shape_cast %get3A_140 : vector<1x1x16xf32> to vector<16xf32>
        %add3A_142 = arith.addf %get3A_141, %get3A_55 : vector<16xf32>
        %swap3A_143 = arith.constant 0 : i32
        %swap3A_144 = arith.constant 5 : i32
        %swap3A_145 = arith.index_cast %swap3A_143 : i32 to index
        %swap3A_146 = arith.index_cast %swap3A_144 : i32 to index
        %swap3A_147 = arith.index_cast %mul3A_51 : i32 to index
        %swap3A_148 = tpu.vector_load %arg6[%swap3A_145, %swap3A_146, %swap3A_147] {strides = array<i32>} : memref<7x8x768xf32, #tpu.memory_space<vmem>>, vector<1x1x16xf32>,
        %swap3A_149 = vector.shape_cast %swap3A_148 : vector<1x1x16xf32> to vector<16xf32>
        %swap3A_150 = vector.shape_cast %add3A_142 : vector<16xf32> to vector<1x1x16xf32>
        tpu.vector_store %arg6[%swap3A_145, %swap3A_146, %swap3A_147], %swap3A_150 {strides = array<i32>} : memref<7x8x768xf32, #tpu.memory_space<vmem>>, vector<1x1x16xf32>,
        %get3A_151 = arith.constant 0 : i32
        %get3A_152 = arith.constant 6 : i32
        %get3A_153 = arith.index_cast %get3A_151 : i32 to index
        %get3A_154 = arith.index_cast %get3A_152 : i32 to index
        %get3A_155 = arith.index_cast %mul3A_51 : i32 to index
        %get3A_156 = tpu.vector_load %arg6[%get3A_153, %get3A_154, %get3A_155] {strides = array<i32>} : memref<7x8x768xf32, #tpu.memory_space<vmem>>, vector<1x1x16xf32>,
        %get3A_157 = vector.shape_cast %get3A_156 : vector<1x1x16xf32> to vector<16xf32>
        %add3A_158 = arith.addf %get3A_157, %get3A_55 : vector<16xf32>
        %swap3A_159 = arith.constant 0 : i32
        %swap3A_160 = arith.constant 6 : i32
        %swap3A_161 = arith.index_cast %swap3A_159 : i32 to index
        %swap3A_162 = arith.index_cast %swap3A_160 : i32 to index
        %swap3A_163 = arith.index_cast %mul3A_51 : i32 to index
        %swap3A_164 = tpu.vector_load %arg6[%swap3A_161, %swap3A_162, %swap3A_163] {strides = array<i32>} : memref<7x8x768xf32, #tpu.memory_space<vmem>>, vector<1x1x16xf32>,
        %swap3A_165 = vector.shape_cast %swap3A_164 : vector<1x1x16xf32> to vector<16xf32>
        %swap3A_166 = vector.shape_cast %add3A_158 : vector<16xf32> to vector<1x1x16xf32>
        tpu.vector_store %arg6[%swap3A_161, %swap3A_162, %swap3A_163], %swap3A_166 {strides = array<i32>} : memref<7x8x768xf32, #tpu.memory_space<vmem>>, vector<1x1x16xf32>,
        %get3A_167 = arith.constant 0 : i32
        %get3A_168 = arith.constant 7 : i32
        %get3A_169 = arith.index_cast %get3A_167 : i32 to index
        %get3A_170 = arith.index_cast %get3A_168 : i32 to index
        %get3A_171 = arith.index_cast %mul3A_51 : i32 to index
        %get3A_172 = tpu.vector_load %arg6[%get3A_169, %get3A_170, %get3A_171] {strides = array<i32>} : memref<7x8x768xf32, #tpu.memory_space<vmem>>, vector<1x1x16xf32>,
        %get3A_173 = vector.shape_cast %get3A_172 : vector<1x1x16xf32> to vector<16xf32>
        %add3A_174 = arith.addf %get3A_173, %get3A_55 : vector<16xf32>
        %swap3A_175 = arith.constant 0 : i32
        %swap3A_176 = arith.constant 7 : i32
        %swap3A_177 = arith.index_cast %swap3A_175 : i32 to index
        %swap3A_178 = arith.index_cast %swap3A_176 : i32 to index
        %swap3A_179 = arith.index_cast %mul3A_51 : i32 to index
        %swap3A_180 = tpu.vector_load %arg6[%swap3A_177, %swap3A_178, %swap3A_179] {strides = array<i32>} : memref<7x8x768xf32, #tpu.memory_space<vmem>>, vector<1x1x16xf32>,
        %swap3A_181 = vector.shape_cast %swap3A_180 : vector<1x1x16xf32> to vector<16xf32>
        %swap3A_182 = vector.shape_cast %add3A_174 : vector<16xf32> to vector<1x1x16xf32>
        tpu.vector_store %arg6[%swap3A_177, %swap3A_178, %swap3A_179], %swap3A_182 {strides = array<i32>} : memref<7x8x768xf32, #tpu.memory_space<vmem>>, vector<1x1x16xf32>,
        %get3A_183 = arith.constant 7 : i32
        %get3A_184 = arith.index_cast %get3A_183 : i32 to index
        %get3A_185 = arith.index_cast %mul3A_51 : i32 to index
        %get3A_186 = tpu.vector_load %arg8[%get3A_184, %get3A_185] {strides = array<i32>} : memref<16x768xf32, #tpu.memory_space<vmem>>, vector<1x16xf32>,
        %get3A_187 = vector.shape_cast %get3A_186 : vector<1x16xf32> to vector<16xf32>
        %get3A_188 = arith.constant 1 : i32
        %get3A_189 = arith.constant 0 : i32
        %get3A_190 = arith.index_cast %get3A_188 : i32 to index
        %get3A_191 = arith.index_cast %get3A_189 : i32 to index
        %get3A_192 = arith.index_cast %mul3A_51 : i32 to index
        %get3A_193 = tpu.vector_load %arg6[%get3A_190, %get3A_191, %get3A_192] {strides = array<i32>} : memref<7x8x768xf32, #tpu.memory_space<vmem>>, vector<1x1x16xf32>,
        %get3A_194 = vector.shape_cast %get3A_193 : vector<1x1x16xf32> to vector<16xf32>
        %add3A_195 = arith.addf %get3A_194, %get3A_187 : vector<16xf32>
        %swap3A_196 = arith.constant 1 : i32
        %swap3A_197 = arith.constant 0 : i32
        %swap3A_198 = arith.index_cast %swap3A_196 : i32 to index
        %swap3A_199 = arith.index_cast %swap3A_197 : i32 to index
        %swap3A_200 = arith.index_cast %mul3A_51 : i32 to index
        %swap3A_201 = tpu.vector_load %arg6[%swap3A_198, %swap3A_199, %swap3A_200] {strides = array<i32>} : memref<7x8x768xf32, #tpu.memory_space<vmem>>, vector<1x1x16xf32>,
        %swap3A_202 = vector.shape_cast %swap3A_201 : vector<1x1x16xf32> to vector<16xf32>
        %swap3A_203 = vector.shape_cast %add3A_195 : vector<16xf32> to vector<1x1x16xf32>
        tpu.vector_store %arg6[%swap3A_198, %swap3A_199, %swap3A_200], %swap3A_203 {strides = array<i32>} : memref<7x8x768xf32, #tpu.memory_space<vmem>>, vector<1x1x16xf32>,
        %get3A_204 = arith.constant 1 : i32
        %get3A_205 = arith.constant 1 : i32
        %get3A_206 = arith.index_cast %get3A_204 : i32 to index
        %get3A_207 = arith.index_cast %get3A_205 : i32 to index
        %get3A_208 = arith.index_cast %mul3A_51 : i32 to index
        %get3A_209 = tpu.vector_load %arg6[%get3A_206, %get3A_207, %get3A_208] {strides = array<i32>} : memref<7x8x768xf32, #tpu.memory_space<vmem>>, vector<1x1x16xf32>,
        %get3A_210 = vector.shape_cast %get3A_209 : vector<1x1x16xf32> to vector<16xf32>
        %add3A_211 = arith.addf %get3A_210, %get3A_187 : vector<16xf32>
        %swap3A_212 = arith.constant 1 : i32
        %swap3A_213 = arith.constant 1 : i32
        %swap3A_214 = arith.index_cast %swap3A_212 : i32 to index
        %swap3A_215 = arith.index_cast %swap3A_213 : i32 to index
        %swap3A_216 = arith.index_cast %mul3A_51 : i32 to index
        %swap3A_217 = tpu.vector_load %arg6[%swap3A_214, %swap3A_215, %swap3A_216] {strides = array<i32>} : memref<7x8x768xf32, #tpu.memory_space<vmem>>, vector<1x1x16xf32>,
        %swap3A_218 = vector.shape_cast %swap3A_217 : vector<1x1x16xf32> to vector<16xf32>
        %swap3A_219 = vector.shape_cast %add3A_211 : vector<16xf32> to vector<1x1x16xf32>
        tpu.vector_store %arg6[%swap3A_214, %swap3A_215, %swap3A_216], %swap3A_219 {strides = array<i32>} : memref<7x8x768xf32, #tpu.memory_space<vmem>>, vector<1x1x16xf32>,
        %get3A_220 = arith.constant 1 : i32
        %get3A_221 = arith.constant 2 : i32
        %get3A_222 = arith.index_cast %get3A_220 : i32 to index
        %get3A_223 = arith.index_cast %get3A_221 : i32 to index
        %get3A_224 = arith.index_cast %mul3A_51 : i32 to index
        %get3A_225 = tpu.vector_load %arg6[%get3A_222, %get3A_223, %get3A_224] {strides = array<i32>} : memref<7x8x768xf32, #tpu.memory_space<vmem>>, vector<1x1x16xf32>,
        %get3A_226 = vector.shape_cast %get3A_225 : vector<1x1x16xf32> to vector<16xf32>
        %add3A_227 = arith.addf %get3A_226, %get3A_187 : vector<16xf32>
        %swap3A_228 = arith.constant 1 : i32
        %swap3A_229 = arith.constant 2 : i32
        %swap3A_230 = arith.index_cast %swap3A_228 : i32 to index
        %swap3A_231 = arith.index_cast %swap3A_229 : i32 to index
        %swap3A_232 = arith.index_cast %mul3A_51 : i32 to index
        %swap3A_233 = tpu.vector_load %arg6[%swap3A_230, %swap3A_231, %swap3A_232] {strides = array<i32>} : memref<7x8x768xf32, #tpu.memory_space<vmem>>, vector<1x1x16xf32>,
        %swap3A_234 = vector.shape_cast %swap3A_233 : vector<1x1x16xf32> to vector<16xf32>
        %swap3A_235 = vector.shape_cast %add3A_227 : vector<16xf32> to vector<1x1x16xf32>
        tpu.vector_store %arg6[%swap3A_230, %swap3A_231, %swap3A_232], %swap3A_235 {strides = array<i32>} : memref<7x8x768xf32, #tpu.memory_space<vmem>>, vector<1x1x16xf32>,
        %get3A_236 = arith.constant 1 : i32
        %get3A_237 = arith.constant 3 : i32
        %get3A_238 = arith.index_cast %get3A_236 : i32 to index
        %get3A_239 = arith.index_cast %get3A_237 : i32 to index
        %get3A_240 = arith.index_cast %mul3A_51 : i32 to index
        %get3A_241 = tpu.vector_load %arg6[%get3A_238, %get3A_239, %get3A_240] {strides = array<i32>} : memref<7x8x768xf32, #tpu.memory_space<vmem>>, vector<1x1x16xf32>,
        %get3A_242 = vector.shape_cast %get3A_241 : vector<1x1x16xf32> to vector<16xf32>
        %add3A_243 = arith.addf %get3A_242, %get3A_187 : vector<16xf32>
        %swap3A_244 = arith.constant 1 : i32
        %swap3A_245 = arith.constant 3 : i32
        %swap3A_246 = arith.index_cast %swap3A_244 : i32 to index
        %swap3A_247 = arith.index_cast %swap3A_245 : i32 to index
        %swap3A_248 = arith.index_cast %mul3A_51 : i32 to index
        %swap3A_249 = tpu.vector_load %arg6[%swap3A_246, %swap3A_247, %swap3A_248] {strides = array<i32>} : memref<7x8x768xf32, #tpu.memory_space<vmem>>, vector<1x1x16xf32>,
        %swap3A_250 = vector.shape_cast %swap3A_249 : vector<1x1x16xf32> to vector<16xf32>
        %swap3A_251 = vector.shape_cast %add3A_243 : vector<16xf32> to vector<1x1x16xf32>
        tpu.vector_store %arg6[%swap3A_246, %swap3A_247, %swap3A_248], %swap3A_251 {strides = array<i32>} : memref<7x8x768xf32, #tpu.memory_space<vmem>>, vector<1x1x16xf32>,
        %get3A_252 = arith.constant 1 : i32
        %get3A_253 = arith.constant 4 : i32
        %get3A_254 = arith.index_cast %get3A_252 : i32 to index
        %get3A_255 = arith.index_cast %get3A_253 : i32 to index
        %get3A_256 = arith.index_cast %mul3A_51 : i32 to index
        %get3A_257 = tpu.vector_load %arg6[%get3A_254, %get3A_255, %get3A_256] {strides = array<i32>} : memref<7x8x768xf32, #tpu.memory_space<vmem>>, vector<1x1x16xf32>,
        %get3A_258 = vector.shape_cast %get3A_257 : vector<1x1x16xf32> to vector<16xf32>
        %add3A_259 = arith.addf %get3A_258, %get3A_187 : vector<16xf32>
        %swap3A_260 = arith.constant 1 : i32
        %swap3A_261 = arith.constant 4 : i32
        %swap3A_262 = arith.index_cast %swap3A_260 : i32 to index
        %swap3A_263 = arith.index_cast %swap3A_261 : i32 to index
        %swap3A_264 = arith.index_cast %mul3A_51 : i32 to index
        %swap3A_265 = tpu.vector_load %arg6[%swap3A_262, %swap3A_263, %swap3A_264] {strides = array<i32>} : memref<7x8x768xf32, #tpu.memory_space<vmem>>, vector<1x1x16xf32>,
        %swap3A_266 = vector.shape_cast %swap3A_265 : vector<1x1x16xf32> to vector<16xf32>
        %swap3A_267 = vector.shape_cast %add3A_259 : vector<16xf32> to vector<1x1x16xf32>
        tpu.vector_store %arg6[%swap3A_262, %swap3A_263, %swap3A_264], %swap3A_267 {strides = array<i32>} : memref<7x8x768xf32, #tpu.memory_space<vmem>>, vector<1x1x16xf32>,
        %get3A_268 = arith.constant 1 : i32
        %get3A_269 = arith.constant 5 : i32
        %get3A_270 = arith.index_cast %get3A_268 : i32 to index
        %get3A_271 = arith.index_cast %get3A_269 : i32 to index
        %get3A_272 = arith.index_cast %mul3A_51 : i32 to index
        %get3A_273 = tpu.vector_load %arg6[%get3A_270, %get3A_271, %get3A_272] {strides = array<i32>} : memref<7x8x768xf32, #tpu.memory_space<vmem>>, vector<1x1x16xf32>,
        %get3A_274 = vector.shape_cast %get3A_273 : vector<1x1x16xf32> to vector<16xf32>
        %add3A_275 = arith.addf %get3A_274, %get3A_187 : vector<16xf32>
        %swap3A_276 = arith.constant 1 : i32
        %swap3A_277 = arith.constant 5 : i32
        %swap3A_278 = arith.index_cast %swap3A_276 : i32 to index
        %swap3A_279 = arith.index_cast %swap3A_277 : i32 to index
        %swap3A_280 = arith.index_cast %mul3A_51 : i32 to index
        %swap3A_281 = tpu.vector_load %arg6[%swap3A_278, %swap3A_279, %swap3A_280] {strides = array<i32>} : memref<7x8x768xf32, #tpu.memory_space<vmem>>, vector<1x1x16xf32>,
        %swap3A_282 = vector.shape_cast %swap3A_281 : vector<1x1x16xf32> to vector<16xf32>
        %swap3A_283 = vector.shape_cast %add3A_275 : vector<16xf32> to vector<1x1x16xf32>
        tpu.vector_store %arg6[%swap3A_278, %swap3A_279, %swap3A_280], %swap3A_283 {strides = array<i32>} : memref<7x8x768xf32, #tpu.memory_space<vmem>>, vector<1x1x16xf32>,
        %get3A_284 = arith.constant 1 : i32
        %get3A_285 = arith.constant 6 : i32
        %get3A_286 = arith.index_cast %get3A_284 : i32 to index
        %get3A_287 = arith.index_cast %get3A_285 : i32 to index
        %get3A_288 = arith.index_cast %mul3A_51 : i32 to index
        %get3A_289 = tpu.vector_load %arg6[%get3A_286, %get3A_287, %get3A_288] {strides = array<i32>} : memref<7x8x768xf32, #tpu.memory_space<vmem>>, vector<1x1x16xf32>,
        %get3A_290 = vector.shape_cast %get3A_289 : vector<1x1x16xf32> to vector<16xf32>
        %add3A_291 = arith.addf %get3A_290, %get3A_187 : vector<16xf32>
        %swap3A_292 = arith.constant 1 : i32
        %swap3A_293 = arith.constant 6 : i32
        %swap3A_294 = arith.index_cast %swap3A_292 : i32 to index
        %swap3A_295 = arith.index_cast %swap3A_293 : i32 to index
        %swap3A_296 = arith.index_cast %mul3A_51 : i32 to index
        %swap3A_297 = tpu.vector_load %arg6[%swap3A_294, %swap3A_295, %swap3A_296] {strides = array<i32>} : memref<7x8x768xf32, #tpu.memory_space<vmem>>, vector<1x1x16xf32>,
        %swap3A_298 = vector.shape_cast %swap3A_297 : vector<1x1x16xf32> to vector<16xf32>
        %swap3A_299 = vector.shape_cast %add3A_291 : vector<16xf32> to vector<1x1x16xf32>
        tpu.vector_store %arg6[%swap3A_294, %swap3A_295, %swap3A_296], %swap3A_299 {strides = array<i32>} : memref<7x8x768xf32, #tpu.memory_space<vmem>>, vector<1x1x16xf32>,
        %get3A_300 = arith.constant 1 : i32
        %get3A_301 = arith.constant 7 : i32
        %get3A_302 = arith.index_cast %get3A_300 : i32 to index
        %get3A_303 = arith.index_cast %get3A_301 : i32 to index
        %get3A_304 = arith.index_cast %mul3A_51 : i32 to index
        %get3A_305 = tpu.vector_load %arg6[%get3A_302, %get3A_303, %get3A_304] {strides = array<i32>} : memref<7x8x768xf32, #tpu.memory_space<vmem>>, vector<1x1x16xf32>,
        %get3A_306 = vector.shape_cast %get3A_305 : vector<1x1x16xf32> to vector<16xf32>
        %add3A_307 = arith.addf %get3A_306, %get3A_187 : vector<16xf32>
        %swap3A_308 = arith.constant 1 : i32
        %swap3A_309 = arith.constant 7 : i32
        %swap3A_310 = arith.index_cast %swap3A_308 : i32 to index
        %swap3A_311 = arith.index_cast %swap3A_309 : i32 to index
        %swap3A_312 = arith.index_cast %mul3A_51 : i32 to index
        %swap3A_313 = tpu.vector_load %arg6[%swap3A_310, %swap3A_311, %swap3A_312] {strides = array<i32>} : memref<7x8x768xf32, #tpu.memory_space<vmem>>, vector<1x1x16xf32>,
        %swap3A_314 = vector.shape_cast %swap3A_313 : vector<1x1x16xf32> to vector<16xf32>
        %swap3A_315 = vector.shape_cast %add3A_307 : vector<16xf32> to vector<1x1x16xf32>
        tpu.vector_store %arg6[%swap3A_310, %swap3A_311, %swap3A_312], %swap3A_315 {strides = array<i32>} : memref<7x8x768xf32, #tpu.memory_space<vmem>>, vector<1x1x16xf32>,
        %get3A_316 = arith.constant 0 : i32
        %get3A_317 = arith.index_cast %get3A_316 : i32 to index
        %get3A_318 = arith.index_cast %mul3A_51 : i32 to index
        %get3A_319 = tpu.vector_load %arg9[%get3A_317, %get3A_318] {strides = array<i32>} : memref<5x768xf32, #tpu.memory_space<vmem>>, vector<1x16xf32>,
        %get3A_320 = vector.shape_cast %get3A_319 : vector<1x16xf32> to vector<16xf32>
        %get3A_321 = arith.constant 2 : i32
        %get3A_322 = arith.constant 0 : i32
        %get3A_323 = arith.index_cast %get3A_321 : i32 to index
        %get3A_324 = arith.index_cast %get3A_322 : i32 to index
        %get3A_325 = arith.index_cast %mul3A_51 : i32 to index
        %get3A_326 = tpu.vector_load %arg6[%get3A_323, %get3A_324, %get3A_325] {strides = array<i32>} : memref<7x8x768xf32, #tpu.memory_space<vmem>>, vector<1x1x16xf32>,
        %get3A_327 = vector.shape_cast %get3A_326 : vector<1x1x16xf32> to vector<16xf32>
        %add3A_328 = arith.addf %get3A_327, %get3A_320 : vector<16xf32>
        %swap3A_329 = arith.constant 2 : i32
        %swap3A_330 = arith.constant 0 : i32
        %swap3A_331 = arith.index_cast %swap3A_329 : i32 to index
        %swap3A_332 = arith.index_cast %swap3A_330 : i32 to index
        %swap3A_333 = arith.index_cast %mul3A_51 : i32 to index
        %swap3A_334 = tpu.vector_load %arg6[%swap3A_331, %swap3A_332, %swap3A_333] {strides = array<i32>} : memref<7x8x768xf32, #tpu.memory_space<vmem>>, vector<1x1x16xf32>,
        %swap3A_335 = vector.shape_cast %swap3A_334 : vector<1x1x16xf32> to vector<16xf32>
        %swap3A_336 = vector.shape_cast %add3A_328 : vector<16xf32> to vector<1x1x16xf32>
        tpu.vector_store %arg6[%swap3A_331, %swap3A_332, %swap3A_333], %swap3A_336 {strides = array<i32>} : memref<7x8x768xf32, #tpu.memory_space<vmem>>, vector<1x1x16xf32>,
        %get3A_337 = arith.constant 2 : i32
        %get3A_338 = arith.constant 1 : i32
        %get3A_339 = arith.index_cast %get3A_337 : i32 to index
        %get3A_340 = arith.index_cast %get3A_338 : i32 to index
        %get3A_341 = arith.index_cast %mul3A_51 : i32 to index
        %get3A_342 = tpu.vector_load %arg6[%get3A_339, %get3A_340, %get3A_341] {strides = array<i32>} : memref<7x8x768xf32, #tpu.memory_space<vmem>>, vector<1x1x16xf32>,
        %get3A_343 = vector.shape_cast %get3A_342 : vector<1x1x16xf32> to vector<16xf32>
        %add3A_344 = arith.addf %get3A_343, %get3A_320 : vector<16xf32>
        %swap3A_345 = arith.constant 2 : i32
        %swap3A_346 = arith.constant 1 : i32
        %swap3A_347 = arith.index_cast %swap3A_345 : i32 to index
        %swap3A_348 = arith.index_cast %swap3A_346 : i32 to index
        %swap3A_349 = arith.index_cast %mul3A_51 : i32 to index
        %swap3A_350 = tpu.vector_load %arg6[%swap3A_347, %swap3A_348, %swap3A_349] {strides = array<i32>} : memref<7x8x768xf32, #tpu.memory_space<vmem>>, vector<1x1x16xf32>,
        %swap3A_351 = vector.shape_cast %swap3A_350 : vector<1x1x16xf32> to vector<16xf32>
        %swap3A_352 = vector.shape_cast %add3A_344 : vector<16xf32> to vector<1x1x16xf32>
        tpu.vector_store %arg6[%swap3A_347, %swap3A_348, %swap3A_349], %swap3A_352 {strides = array<i32>} : memref<7x8x768xf32, #tpu.memory_space<vmem>>, vector<1x1x16xf32>,
        %get3A_353 = arith.constant 2 : i32
        %get3A_354 = arith.constant 2 : i32
        %get3A_355 = arith.index_cast %get3A_353 : i32 to index
        %get3A_356 = arith.index_cast %get3A_354 : i32 to index
        %get3A_357 = arith.index_cast %mul3A_51 : i32 to index
        %get3A_358 = tpu.vector_load %arg6[%get3A_355, %get3A_356, %get3A_357] {strides = array<i32>} : memref<7x8x768xf32, #tpu.memory_space<vmem>>, vector<1x1x16xf32>,
        %get3A_359 = vector.shape_cast %get3A_358 : vector<1x1x16xf32> to vector<16xf32>
        %add3A_360 = arith.addf %get3A_359, %get3A_320 : vector<16xf32>
        %swap3A_361 = arith.constant 2 : i32
        %swap3A_362 = arith.constant 2 : i32
        %swap3A_363 = arith.index_cast %swap3A_361 : i32 to index
        %swap3A_364 = arith.index_cast %swap3A_362 : i32 to index
        %swap3A_365 = arith.index_cast %mul3A_51 : i32 to index
        %swap3A_366 = tpu.vector_load %arg6[%swap3A_363, %swap3A_364, %swap3A_365] {strides = array<i32>} : memref<7x8x768xf32, #tpu.memory_space<vmem>>, vector<1x1x16xf32>,
        %swap3A_367 = vector.shape_cast %swap3A_366 : vector<1x1x16xf32> to vector<16xf32>
        %swap3A_368 = vector.shape_cast %add3A_360 : vector<16xf32> to vector<1x1x16xf32>
        tpu.vector_store %arg6[%swap3A_363, %swap3A_364, %swap3A_365], %swap3A_368 {strides = array<i32>} : memref<7x8x768xf32, #tpu.memory_space<vmem>>, vector<1x1x16xf32>,
        %get3A_369 = arith.constant 2 : i32
        %get3A_370 = arith.constant 3 : i32
        %get3A_371 = arith.index_cast %get3A_369 : i32 to index
        %get3A_372 = arith.index_cast %get3A_370 : i32 to index
        %get3A_373 = arith.index_cast %mul3A_51 : i32 to index
        %get3A_374 = tpu.vector_load %arg6[%get3A_371, %get3A_372, %get3A_373] {strides = array<i32>} : memref<7x8x768xf32, #tpu.memory_space<vmem>>, vector<1x1x16xf32>,
        %get3A_375 = vector.shape_cast %get3A_374 : vector<1x1x16xf32> to vector<16xf32>
        %add3A_376 = arith.addf %get3A_375, %get3A_320 : vector<16xf32>
        %swap3A_377 = arith.constant 2 : i32
        %swap3A_378 = arith.constant 3 : i32
        %swap3A_379 = arith.index_cast %swap3A_377 : i32 to index
        %swap3A_380 = arith.index_cast %swap3A_378 : i32 to index
        %swap3A_381 = arith.index_cast %mul3A_51 : i32 to index
        %swap3A_382 = tpu.vector_load %arg6[%swap3A_379, %swap3A_380, %swap3A_381] {strides = array<i32>} : memref<7x8x768xf32, #tpu.memory_space<vmem>>, vector<1x1x16xf32>,
        %swap3A_383 = vector.shape_cast %swap3A_382 : vector<1x1x16xf32> to vector<16xf32>
        %swap3A_384 = vector.shape_cast %add3A_376 : vector<16xf32> to vector<1x1x16xf32>
        tpu.vector_store %arg6[%swap3A_379, %swap3A_380, %swap3A_381], %swap3A_384 {strides = array<i32>} : memref<7x8x768xf32, #tpu.memory_space<vmem>>, vector<1x1x16xf32>,
        %get3A_385 = arith.constant 2 : i32
        %get3A_386 = arith.constant 4 : i32
        %get3A_387 = arith.index_cast %get3A_385 : i32 to index
        %get3A_388 = arith.index_cast %get3A_386 : i32 to index
        %get3A_389 = arith.index_cast %mul3A_51 : i32 to index
        %get3A_390 = tpu.vector_load %arg6[%get3A_387, %get3A_388, %get3A_389] {strides = array<i32>} : memref<7x8x768xf32, #tpu.memory_space<vmem>>, vector<1x1x16xf32>,
        %get3A_391 = vector.shape_cast %get3A_390 : vector<1x1x16xf32> to vector<16xf32>
        %add3A_392 = arith.addf %get3A_391, %get3A_320 : vector<16xf32>
        %swap3A_393 = arith.constant 2 : i32
        %swap3A_394 = arith.constant 4 : i32
        %swap3A_395 = arith.index_cast %swap3A_393 : i32 to index
        %swap3A_396 = arith.index_cast %swap3A_394 : i32 to index
        %swap3A_397 = arith.index_cast %mul3A_51 : i32 to index
        %swap3A_398 = tpu.vector_load %arg6[%swap3A_395, %swap3A_396, %swap3A_397] {strides = array<i32>} : memref<7x8x768xf32, #tpu.memory_space<vmem>>, vector<1x1x16xf32>,
        %swap3A_399 = vector.shape_cast %swap3A_398 : vector<1x1x16xf32> to vector<16xf32>
        %swap3A_400 = vector.shape_cast %add3A_392 : vector<16xf32> to vector<1x1x16xf32>
        tpu.vector_store %arg6[%swap3A_395, %swap3A_396, %swap3A_397], %swap3A_400 {strides = array<i32>} : memref<7x8x768xf32, #tpu.memory_space<vmem>>, vector<1x1x16xf32>,
        %get3A_401 = arith.constant 2 : i32
        %get3A_402 = arith.constant 5 : i32
        %get3A_403 = arith.index_cast %get3A_401 : i32 to index
        %get3A_404 = arith.index_cast %get3A_402 : i32 to index
        %get3A_405 = arith.index_cast %mul3A_51 : i32 to index
        %get3A_406 = tpu.vector_load %arg6[%get3A_403, %get3A_404, %get3A_405] {strides = array<i32>} : memref<7x8x768xf32, #tpu.memory_space<vmem>>, vector<1x1x16xf32>,
        %get3A_407 = vector.shape_cast %get3A_406 : vector<1x1x16xf32> to vector<16xf32>
        %add3A_408 = arith.addf %get3A_407, %get3A_320 : vector<16xf32>
        %swap3A_409 = arith.constant 2 : i32
        %swap3A_410 = arith.constant 5 : i32
        %swap3A_411 = arith.index_cast %swap3A_409 : i32 to index
        %swap3A_412 = arith.index_cast %swap3A_410 : i32 to index
        %swap3A_413 = arith.index_cast %mul3A_51 : i32 to index
        %swap3A_414 = tpu.vector_load %arg6[%swap3A_411, %swap3A_412, %swap3A_413] {strides = array<i32>} : memref<7x8x768xf32, #tpu.memory_space<vmem>>, vector<1x1x16xf32>,
        %swap3A_415 = vector.shape_cast %swap3A_414 : vector<1x1x16xf32> to vector<16xf32>
        %swap3A_416 = vector.shape_cast %add3A_408 : vector<16xf32> to vector<1x1x16xf32>
        tpu.vector_store %arg6[%swap3A_411, %swap3A_412, %swap3A_413], %swap3A_416 {strides = array<i32>} : memref<7x8x768xf32, #tpu.memory_space<vmem>>, vector<1x1x16xf32>,
        %get3A_417 = arith.constant 2 : i32
        %get3A_418 = arith.constant 6 : i32
        %get3A_419 = arith.index_cast %get3A_417 : i32 to index
        %get3A_420 = arith.index_cast %get3A_418 : i32 to index
        %get3A_421 = arith.index_cast %mul3A_51 : i32 to index
        %get3A_422 = tpu.vector_load %arg6[%get3A_419, %get3A_420, %get3A_421] {strides = array<i32>} : memref<7x8x768xf32, #tpu.memory_space<vmem>>, vector<1x1x16xf32>,
        %get3A_423 = vector.shape_cast %get3A_422 : vector<1x1x16xf32> to vector<16xf32>
        %add3A_424 = arith.addf %get3A_423, %get3A_320 : vector<16xf32>
        %swap3A_425 = arith.constant 2 : i32
        %swap3A_426 = arith.constant 6 : i32
        %swap3A_427 = arith.index_cast %swap3A_425 : i32 to index
        %swap3A_428 = arith.index_cast %swap3A_426 : i32 to index
        %swap3A_429 = arith.index_cast %mul3A_51 : i32 to index
        %swap3A_430 = tpu.vector_load %arg6[%swap3A_427, %swap3A_428, %swap3A_429] {strides = array<i32>} : memref<7x8x768xf32, #tpu.memory_space<vmem>>, vector<1x1x16xf32>,
        %swap3A_431 = vector.shape_cast %swap3A_430 : vector<1x1x16xf32> to vector<16xf32>
        %swap3A_432 = vector.shape_cast %add3A_424 : vector<16xf32> to vector<1x1x16xf32>
        tpu.vector_store %arg6[%swap3A_427, %swap3A_428, %swap3A_429], %swap3A_432 {strides = array<i32>} : memref<7x8x768xf32, #tpu.memory_space<vmem>>, vector<1x1x16xf32>,
        %get3A_433 = arith.constant 2 : i32
        %get3A_434 = arith.constant 7 : i32
        %get3A_435 = arith.index_cast %get3A_433 : i32 to index
        %get3A_436 = arith.index_cast %get3A_434 : i32 to index
        %get3A_437 = arith.index_cast %mul3A_51 : i32 to index
        %get3A_438 = tpu.vector_load %arg6[%get3A_435, %get3A_436, %get3A_437] {strides = array<i32>} : memref<7x8x768xf32, #tpu.memory_space<vmem>>, vector<1x1x16xf32>,
        %get3A_439 = vector.shape_cast %get3A_438 : vector<1x1x16xf32> to vector<16xf32>
        %add3A_440 = arith.addf %get3A_439, %get3A_320 : vector<16xf32>
        %swap3A_441 = arith.constant 2 : i32
        %swap3A_442 = arith.constant 7 : i32
        %swap3A_443 = arith.index_cast %swap3A_441 : i32 to index
        %swap3A_444 = arith.index_cast %swap3A_442 : i32 to index
        %swap3A_445 = arith.index_cast %mul3A_51 : i32 to index
        %swap3A_446 = tpu.vector_load %arg6[%swap3A_443, %swap3A_444, %swap3A_445] {strides = array<i32>} : memref<7x8x768xf32, #tpu.memory_space<vmem>>, vector<1x1x16xf32>,
        %swap3A_447 = vector.shape_cast %swap3A_446 : vector<1x1x16xf32> to vector<16xf32>
        %swap3A_448 = vector.shape_cast %add3A_440 : vector<16xf32> to vector<1x1x16xf32>
        tpu.vector_store %arg6[%swap3A_443, %swap3A_444, %swap3A_445], %swap3A_448 {strides = array<i32>} : memref<7x8x768xf32, #tpu.memory_space<vmem>>, vector<1x1x16xf32>,
        %get3A_449 = arith.constant 1 : i32
        %get3A_450 = arith.index_cast %get3A_449 : i32 to index
        %get3A_451 = arith.index_cast %mul3A_51 : i32 to index
        %get3A_452 = tpu.vector_load %arg9[%get3A_450, %get3A_451] {strides = array<i32>} : memref<5x768xf32, #tpu.memory_space<vmem>>, vector<1x16xf32>,
        %get3A_453 = vector.shape_cast %get3A_452 : vector<1x16xf32> to vector<16xf32>
        %get3A_454 = arith.constant 3 : i32
        %get3A_455 = arith.constant 0 : i32
        %get3A_456 = arith.index_cast %get3A_454 : i32 to index
        %get3A_457 = arith.index_cast %get3A_455 : i32 to index
        %get3A_458 = arith.index_cast %mul3A_51 : i32 to index
        %get3A_459 = tpu.vector_load %arg6[%get3A_456, %get3A_457, %get3A_458] {strides = array<i32>} : memref<7x8x768xf32, #tpu.memory_space<vmem>>, vector<1x1x16xf32>,
        %get3A_460 = vector.shape_cast %get3A_459 : vector<1x1x16xf32> to vector<16xf32>
        %add3A_461 = arith.addf %get3A_460, %get3A_453 : vector<16xf32>
        %swap3A_462 = arith.constant 3 : i32
        %swap3A_463 = arith.constant 0 : i32
        %swap3A_464 = arith.index_cast %swap3A_462 : i32 to index
        %swap3A_465 = arith.index_cast %swap3A_463 : i32 to index
        %swap3A_466 = arith.index_cast %mul3A_51 : i32 to index
        %swap3A_467 = tpu.vector_load %arg6[%swap3A_464, %swap3A_465, %swap3A_466] {strides = array<i32>} : memref<7x8x768xf32, #tpu.memory_space<vmem>>, vector<1x1x16xf32>,
        %swap3A_468 = vector.shape_cast %swap3A_467 : vector<1x1x16xf32> to vector<16xf32>
        %swap3A_469 = vector.shape_cast %add3A_461 : vector<16xf32> to vector<1x1x16xf32>
        tpu.vector_store %arg6[%swap3A_464, %swap3A_465, %swap3A_466], %swap3A_469 {strides = array<i32>} : memref<7x8x768xf32, #tpu.memory_space<vmem>>, vector<1x1x16xf32>,
        %get3A_470 = arith.constant 3 : i32
        %get3A_471 = arith.constant 1 : i32
        %get3A_472 = arith.index_cast %get3A_470 : i32 to index
        %get3A_473 = arith.index_cast %get3A_471 : i32 to index
        %get3A_474 = arith.index_cast %mul3A_51 : i32 to index
        %get3A_475 = tpu.vector_load %arg6[%get3A_472, %get3A_473, %get3A_474] {strides = array<i32>} : memref<7x8x768xf32, #tpu.memory_space<vmem>>, vector<1x1x16xf32>,
        %get3A_476 = vector.shape_cast %get3A_475 : vector<1x1x16xf32> to vector<16xf32>
        %add3A_477 = arith.addf %get3A_476, %get3A_453 : vector<16xf32>
        %swap3A_478 = arith.constant 3 : i32
        %swap3A_479 = arith.constant 1 : i32
        %swap3A_480 = arith.index_cast %swap3A_478 : i32 to index
        %swap3A_481 = arith.index_cast %swap3A_479 : i32 to index
        %swap3A_482 = arith.index_cast %mul3A_51 : i32 to index
        %swap3A_483 = tpu.vector_load %arg6[%swap3A_480, %swap3A_481, %swap3A_482] {strides = array<i32>} : memref<7x8x768xf32, #tpu.memory_space<vmem>>, vector<1x1x16xf32>,
        %swap3A_484 = vector.shape_cast %swap3A_483 : vector<1x1x16xf32> to vector<16xf32>
        %swap3A_485 = vector.shape_cast %add3A_477 : vector<16xf32> to vector<1x1x16xf32>
        tpu.vector_store %arg6[%swap3A_480, %swap3A_481, %swap3A_482], %swap3A_485 {strides = array<i32>} : memref<7x8x768xf32, #tpu.memory_space<vmem>>, vector<1x1x16xf32>,
        %get3A_486 = arith.constant 3 : i32
        %get3A_487 = arith.constant 2 : i32
        %get3A_488 = arith.index_cast %get3A_486 : i32 to index
        %get3A_489 = arith.index_cast %get3A_487 : i32 to index
        %get3A_490 = arith.index_cast %mul3A_51 : i32 to index
        %get3A_491 = tpu.vector_load %arg6[%get3A_488, %get3A_489, %get3A_490] {strides = array<i32>} : memref<7x8x768xf32, #tpu.memory_space<vmem>>, vector<1x1x16xf32>,
        %get3A_492 = vector.shape_cast %get3A_491 : vector<1x1x16xf32> to vector<16xf32>
        %add3A_493 = arith.addf %get3A_492, %get3A_453 : vector<16xf32>
        %swap3A_494 = arith.constant 3 : i32
        %swap3A_495 = arith.constant 2 : i32
        %swap3A_496 = arith.index_cast %swap3A_494 : i32 to index
        %swap3A_497 = arith.index_cast %swap3A_495 : i32 to index
        %swap3A_498 = arith.index_cast %mul3A_51 : i32 to index
        %swap3A_499 = tpu.vector_load %arg6[%swap3A_496, %swap3A_497, %swap3A_498] {strides = array<i32>} : memref<7x8x768xf32, #tpu.memory_space<vmem>>, vector<1x1x16xf32>,
        %swap3A_500 = vector.shape_cast %swap3A_499 : vector<1x1x16xf32> to vector<16xf32>
        %swap3A_501 = vector.shape_cast %add3A_493 : vector<16xf32> to vector<1x1x16xf32>
        tpu.vector_store %arg6[%swap3A_496, %swap3A_497, %swap3A_498], %swap3A_501 {strides = array<i32>} : memref<7x8x768xf32, #tpu.memory_space<vmem>>, vector<1x1x16xf32>,
        %get3A_502 = arith.constant 3 : i32
        %get3A_503 = arith.constant 3 : i32
        %get3A_504 = arith.index_cast %get3A_502 : i32 to index
        %get3A_505 = arith.index_cast %get3A_503 : i32 to index
        %get3A_506 = arith.index_cast %mul3A_51 : i32 to index
        %get3A_507 = tpu.vector_load %arg6[%get3A_504, %get3A_505, %get3A_506] {strides = array<i32>} : memref<7x8x768xf32, #tpu.memory_space<vmem>>, vector<1x1x16xf32>,
        %get3A_508 = vector.shape_cast %get3A_507 : vector<1x1x16xf32> to vector<16xf32>
        %add3A_509 = arith.addf %get3A_508, %get3A_453 : vector<16xf32>
        %swap3A_510 = arith.constant 3 : i32
        %swap3A_511 = arith.constant 3 : i32
        %swap3A_512 = arith.index_cast %swap3A_510 : i32 to index
        %swap3A_513 = arith.index_cast %swap3A_511 : i32 to index
        %swap3A_514 = arith.index_cast %mul3A_51 : i32 to index
        %swap3A_515 = tpu.vector_load %arg6[%swap3A_512, %swap3A_513, %swap3A_514] {strides = array<i32>} : memref<7x8x768xf32, #tpu.memory_space<vmem>>, vector<1x1x16xf32>,
        %swap3A_516 = vector.shape_cast %swap3A_515 : vector<1x1x16xf32> to vector<16xf32>
        %swap3A_517 = vector.shape_cast %add3A_509 : vector<16xf32> to vector<1x1x16xf32>
        tpu.vector_store %arg6[%swap3A_512, %swap3A_513, %swap3A_514], %swap3A_517 {strides = array<i32>} : memref<7x8x768xf32, #tpu.memory_space<vmem>>, vector<1x1x16xf32>,
        %get3A_518 = arith.constant 3 : i32
        %get3A_519 = arith.constant 4 : i32
        %get3A_520 = arith.index_cast %get3A_518 : i32 to index
        %get3A_521 = arith.index_cast %get3A_519 : i32 to index
        %get3A_522 = arith.index_cast %mul3A_51 : i32 to index
        %get3A_523 = tpu.vector_load %arg6[%get3A_520, %get3A_521, %get3A_522] {strides = array<i32>} : memref<7x8x768xf32, #tpu.memory_space<vmem>>, vector<1x1x16xf32>,
        %get3A_524 = vector.shape_cast %get3A_523 : vector<1x1x16xf32> to vector<16xf32>
        %add3A_525 = arith.addf %get3A_524, %get3A_453 : vector<16xf32>
        %swap3A_526 = arith.constant 3 : i32
        %swap3A_527 = arith.constant 4 : i32
        %swap3A_528 = arith.index_cast %swap3A_526 : i32 to index
        %swap3A_529 = arith.index_cast %swap3A_527 : i32 to index
        %swap3A_530 = arith.index_cast %mul3A_51 : i32 to index
        %swap3A_531 = tpu.vector_load %arg6[%swap3A_528, %swap3A_529, %swap3A_530] {strides = array<i32>} : memref<7x8x768xf32, #tpu.memory_space<vmem>>, vector<1x1x16xf32>,
        %swap3A_532 = vector.shape_cast %swap3A_531 : vector<1x1x16xf32> to vector<16xf32>
        %swap3A_533 = vector.shape_cast %add3A_525 : vector<16xf32> to vector<1x1x16xf32>
        tpu.vector_store %arg6[%swap3A_528, %swap3A_529, %swap3A_530], %swap3A_533 {strides = array<i32>} : memref<7x8x768xf32, #tpu.memory_space<vmem>>, vector<1x1x16xf32>,
        %get3A_534 = arith.constant 3 : i32
        %get3A_535 = arith.constant 5 : i32
        %get3A_536 = arith.index_cast %get3A_534 : i32 to index
        %get3A_537 = arith.index_cast %get3A_535 : i32 to index
        %get3A_538 = arith.index_cast %mul3A_51 : i32 to index
        %get3A_539 = tpu.vector_load %arg6[%get3A_536, %get3A_537, %get3A_538] {strides = array<i32>} : memref<7x8x768xf32, #tpu.memory_space<vmem>>, vector<1x1x16xf32>,
        %get3A_540 = vector.shape_cast %get3A_539 : vector<1x1x16xf32> to vector<16xf32>
        %add3A_541 = arith.addf %get3A_540, %get3A_453 : vector<16xf32>
        %swap3A_542 = arith.constant 3 : i32
        %swap3A_543 = arith.constant 5 : i32
        %swap3A_544 = arith.index_cast %swap3A_542 : i32 to index
        %swap3A_545 = arith.index_cast %swap3A_543 : i32 to index
        %swap3A_546 = arith.index_cast %mul3A_51 : i32 to index
        %swap3A_547 = tpu.vector_load %arg6[%swap3A_544, %swap3A_545, %swap3A_546] {strides = array<i32>} : memref<7x8x768xf32, #tpu.memory_space<vmem>>, vector<1x1x16xf32>,
        %swap3A_548 = vector.shape_cast %swap3A_547 : vector<1x1x16xf32> to vector<16xf32>
        %swap3A_549 = vector.shape_cast %add3A_541 : vector<16xf32> to vector<1x1x16xf32>
        tpu.vector_store %arg6[%swap3A_544, %swap3A_545, %swap3A_546], %swap3A_549 {strides = array<i32>} : memref<7x8x768xf32, #tpu.memory_space<vmem>>, vector<1x1x16xf32>,
        %get3A_550 = arith.constant 3 : i32
        %get3A_551 = arith.constant 6 : i32
        %get3A_552 = arith.index_cast %get3A_550 : i32 to index
        %get3A_553 = arith.index_cast %get3A_551 : i32 to index
        %get3A_554 = arith.index_cast %mul3A_51 : i32 to index
        %get3A_555 = tpu.vector_load %arg6[%get3A_552, %get3A_553, %get3A_554] {strides = array<i32>} : memref<7x8x768xf32, #tpu.memory_space<vmem>>, vector<1x1x16xf32>,
        %get3A_556 = vector.shape_cast %get3A_555 : vector<1x1x16xf32> to vector<16xf32>
        %add3A_557 = arith.addf %get3A_556, %get3A_453 : vector<16xf32>
        %swap3A_558 = arith.constant 3 : i32
        %swap3A_559 = arith.constant 6 : i32
        %swap3A_560 = arith.index_cast %swap3A_558 : i32 to index
        %swap3A_561 = arith.index_cast %swap3A_559 : i32 to index
        %swap3A_562 = arith.index_cast %mul3A_51 : i32 to index
        %swap3A_563 = tpu.vector_load %arg6[%swap3A_560, %swap3A_561, %swap3A_562] {strides = array<i32>} : memref<7x8x768xf32, #tpu.memory_space<vmem>>, vector<1x1x16xf32>,
        %swap3A_564 = vector.shape_cast %swap3A_563 : vector<1x1x16xf32> to vector<16xf32>
        %swap3A_565 = vector.shape_cast %add3A_557 : vector<16xf32> to vector<1x1x16xf32>
        tpu.vector_store %arg6[%swap3A_560, %swap3A_561, %swap3A_562], %swap3A_565 {strides = array<i32>} : memref<7x8x768xf32, #tpu.memory_space<vmem>>, vector<1x1x16xf32>,
        %get3A_566 = arith.constant 3 : i32
        %get3A_567 = arith.constant 7 : i32
        %get3A_568 = arith.index_cast %get3A_566 : i32 to index
        %get3A_569 = arith.index_cast %get3A_567 : i32 to index
        %get3A_570 = arith.index_cast %mul3A_51 : i32 to index
        %get3A_571 = tpu.vector_load %arg6[%get3A_568, %get3A_569, %get3A_570] {strides = array<i32>} : memref<7x8x768xf32, #tpu.memory_space<vmem>>, vector<1x1x16xf32>,
        %get3A_572 = vector.shape_cast %get3A_571 : vector<1x1x16xf32> to vector<16xf32>
        %add3A_573 = arith.addf %get3A_572, %get3A_453 : vector<16xf32>
        %swap3A_574 = arith.constant 3 : i32
        %swap3A_575 = arith.constant 7 : i32
        %swap3A_576 = arith.index_cast %swap3A_574 : i32 to index
        %swap3A_577 = arith.index_cast %swap3A_575 : i32 to index
        %swap3A_578 = arith.index_cast %mul3A_51 : i32 to index
        %swap3A_579 = tpu.vector_load %arg6[%swap3A_576, %swap3A_577, %swap3A_578] {strides = array<i32>} : memref<7x8x768xf32, #tpu.memory_space<vmem>>, vector<1x1x16xf32>,
        %swap3A_580 = vector.shape_cast %swap3A_579 : vector<1x1x16xf32> to vector<16xf32>
        %swap3A_581 = vector.shape_cast %add3A_573 : vector<16xf32> to vector<1x1x16xf32>
        tpu.vector_store %arg6[%swap3A_576, %swap3A_577, %swap3A_578], %swap3A_581 {strides = array<i32>} : memref<7x8x768xf32, #tpu.memory_space<vmem>>, vector<1x1x16xf32>,
        %get3A_582 = arith.constant 2 : i32
        %get3A_583 = arith.index_cast %get3A_582 : i32 to index
        %get3A_584 = arith.index_cast %mul3A_51 : i32 to index
        %get3A_585 = tpu.vector_load %arg9[%get3A_583, %get3A_584] {strides = array<i32>} : memref<5x768xf32, #tpu.memory_space<vmem>>, vector<1x16xf32>,
        %get3A_586 = vector.shape_cast %get3A_585 : vector<1x16xf32> to vector<16xf32>
        %get3A_587 = arith.constant 4 : i32
        %get3A_588 = arith.constant 0 : i32
        %get3A_589 = arith.index_cast %get3A_587 : i32 to index
        %get3A_590 = arith.index_cast %get3A_588 : i32 to index
        %get3A_591 = arith.index_cast %mul3A_51 : i32 to index
        %get3A_592 = tpu.vector_load %arg6[%get3A_589, %get3A_590, %get3A_591] {strides = array<i32>} : memref<7x8x768xf32, #tpu.memory_space<vmem>>, vector<1x1x16xf32>,
        %get3A_593 = vector.shape_cast %get3A_592 : vector<1x1x16xf32> to vector<16xf32>
        %add3A_594 = arith.addf %get3A_593, %get3A_586 : vector<16xf32>
        %swap3A_595 = arith.constant 4 : i32
        %swap3A_596 = arith.constant 0 : i32
        %swap3A_597 = arith.index_cast %swap3A_595 : i32 to index
        %swap3A_598 = arith.index_cast %swap3A_596 : i32 to index
        %swap3A_599 = arith.index_cast %mul3A_51 : i32 to index
        %swap3A_600 = tpu.vector_load %arg6[%swap3A_597, %swap3A_598, %swap3A_599] {strides = array<i32>} : memref<7x8x768xf32, #tpu.memory_space<vmem>>, vector<1x1x16xf32>,
        %swap3A_601 = vector.shape_cast %swap3A_600 : vector<1x1x16xf32> to vector<16xf32>
        %swap3A_602 = vector.shape_cast %add3A_594 : vector<16xf32> to vector<1x1x16xf32>
        tpu.vector_store %arg6[%swap3A_597, %swap3A_598, %swap3A_599], %swap3A_602 {strides = array<i32>} : memref<7x8x768xf32, #tpu.memory_space<vmem>>, vector<1x1x16xf32>,
        %get3A_603 = arith.constant 4 : i32
        %get3A_604 = arith.constant 1 : i32
        %get3A_605 = arith.index_cast %get3A_603 : i32 to index
        %get3A_606 = arith.index_cast %get3A_604 : i32 to index
        %get3A_607 = arith.index_cast %mul3A_51 : i32 to index
        %get3A_608 = tpu.vector_load %arg6[%get3A_605, %get3A_606, %get3A_607] {strides = array<i32>} : memref<7x8x768xf32, #tpu.memory_space<vmem>>, vector<1x1x16xf32>,
        %get3A_609 = vector.shape_cast %get3A_608 : vector<1x1x16xf32> to vector<16xf32>
        %add3A_610 = arith.addf %get3A_609, %get3A_586 : vector<16xf32>
        %swap3A_611 = arith.constant 4 : i32
        %swap3A_612 = arith.constant 1 : i32
        %swap3A_613 = arith.index_cast %swap3A_611 : i32 to index
        %swap3A_614 = arith.index_cast %swap3A_612 : i32 to index
        %swap3A_615 = arith.index_cast %mul3A_51 : i32 to index
        %swap3A_616 = tpu.vector_load %arg6[%swap3A_613, %swap3A_614, %swap3A_615] {strides = array<i32>} : memref<7x8x768xf32, #tpu.memory_space<vmem>>, vector<1x1x16xf32>,
        %swap3A_617 = vector.shape_cast %swap3A_616 : vector<1x1x16xf32> to vector<16xf32>
        %swap3A_618 = vector.shape_cast %add3A_610 : vector<16xf32> to vector<1x1x16xf32>
        tpu.vector_store %arg6[%swap3A_613, %swap3A_614, %swap3A_615], %swap3A_618 {strides = array<i32>} : memref<7x8x768xf32, #tpu.memory_space<vmem>>, vector<1x1x16xf32>,
        %get3A_619 = arith.constant 4 : i32
        %get3A_620 = arith.constant 2 : i32
        %get3A_621 = arith.index_cast %get3A_619 : i32 to index
        %get3A_622 = arith.index_cast %get3A_620 : i32 to index
        %get3A_623 = arith.index_cast %mul3A_51 : i32 to index
        %get3A_624 = tpu.vector_load %arg6[%get3A_621, %get3A_622, %get3A_623] {strides = array<i32>} : memref<7x8x768xf32, #tpu.memory_space<vmem>>, vector<1x1x16xf32>,
        %get3A_625 = vector.shape_cast %get3A_624 : vector<1x1x16xf32> to vector<16xf32>
        %add3A_626 = arith.addf %get3A_625, %get3A_586 : vector<16xf32>
        %swap3A_627 = arith.constant 4 : i32
        %swap3A_628 = arith.constant 2 : i32
        %swap3A_629 = arith.index_cast %swap3A_627 : i32 to index
        %swap3A_630 = arith.index_cast %swap3A_628 : i32 to index
        %swap3A_631 = arith.index_cast %mul3A_51 : i32 to index
        %swap3A_632 = tpu.vector_load %arg6[%swap3A_629, %swap3A_630, %swap3A_631] {strides = array<i32>} : memref<7x8x768xf32, #tpu.memory_space<vmem>>, vector<1x1x16xf32>,
        %swap3A_633 = vector.shape_cast %swap3A_632 : vector<1x1x16xf32> to vector<16xf32>
        %swap3A_634 = vector.shape_cast %add3A_626 : vector<16xf32> to vector<1x1x16xf32>
        tpu.vector_store %arg6[%swap3A_629, %swap3A_630, %swap3A_631], %swap3A_634 {strides = array<i32>} : memref<7x8x768xf32, #tpu.memory_space<vmem>>, vector<1x1x16xf32>,
        %get3A_635 = arith.constant 4 : i32
        %get3A_636 = arith.constant 3 : i32
        %get3A_637 = arith.index_cast %get3A_635 : i32 to index
        %get3A_638 = arith.index_cast %get3A_636 : i32 to index
        %get3A_639 = arith.index_cast %mul3A_51 : i32 to index
        %get3A_640 = tpu.vector_load %arg6[%get3A_637, %get3A_638, %get3A_639] {strides = array<i32>} : memref<7x8x768xf32, #tpu.memory_space<vmem>>, vector<1x1x16xf32>,
        %get3A_641 = vector.shape_cast %get3A_640 : vector<1x1x16xf32> to vector<16xf32>
        %add3A_642 = arith.addf %get3A_641, %get3A_586 : vector<16xf32>
        %swap3A_643 = arith.constant 4 : i32
        %swap3A_644 = arith.constant 3 : i32
        %swap3A_645 = arith.index_cast %swap3A_643 : i32 to index
        %swap3A_646 = arith.index_cast %swap3A_644 : i32 to index
        %swap3A_647 = arith.index_cast %mul3A_51 : i32 to index
        %swap3A_648 = tpu.vector_load %arg6[%swap3A_645, %swap3A_646, %swap3A_647] {strides = array<i32>} : memref<7x8x768xf32, #tpu.memory_space<vmem>>, vector<1x1x16xf32>,
        %swap3A_649 = vector.shape_cast %swap3A_648 : vector<1x1x16xf32> to vector<16xf32>
        %swap3A_650 = vector.shape_cast %add3A_642 : vector<16xf32> to vector<1x1x16xf32>
        tpu.vector_store %arg6[%swap3A_645, %swap3A_646, %swap3A_647], %swap3A_650 {strides = array<i32>} : memref<7x8x768xf32, #tpu.memory_space<vmem>>, vector<1x1x16xf32>,
        %get3A_651 = arith.constant 4 : i32
        %get3A_652 = arith.constant 4 : i32
        %get3A_653 = arith.index_cast %get3A_651 : i32 to index
        %get3A_654 = arith.index_cast %get3A_652 : i32 to index
        %get3A_655 = arith.index_cast %mul3A_51 : i32 to index
        %get3A_656 = tpu.vector_load %arg6[%get3A_653, %get3A_654, %get3A_655] {strides = array<i32>} : memref<7x8x768xf32, #tpu.memory_space<vmem>>, vector<1x1x16xf32>,
        %get3A_657 = vector.shape_cast %get3A_656 : vector<1x1x16xf32> to vector<16xf32>
        %add3A_658 = arith.addf %get3A_657, %get3A_586 : vector<16xf32>
        %swap3A_659 = arith.constant 4 : i32
        %swap3A_660 = arith.constant 4 : i32
        %swap3A_661 = arith.index_cast %swap3A_659 : i32 to index
        %swap3A_662 = arith.index_cast %swap3A_660 : i32 to index
        %swap3A_663 = arith.index_cast %mul3A_51 : i32 to index
        %swap3A_664 = tpu.vector_load %arg6[%swap3A_661, %swap3A_662, %swap3A_663] {strides = array<i32>} : memref<7x8x768xf32, #tpu.memory_space<vmem>>, vector<1x1x16xf32>,
        %swap3A_665 = vector.shape_cast %swap3A_664 : vector<1x1x16xf32> to vector<16xf32>
        %swap3A_666 = vector.shape_cast %add3A_658 : vector<16xf32> to vector<1x1x16xf32>
        tpu.vector_store %arg6[%swap3A_661, %swap3A_662, %swap3A_663], %swap3A_666 {strides = array<i32>} : memref<7x8x768xf32, #tpu.memory_space<vmem>>, vector<1x1x16xf32>,
        %get3A_667 = arith.constant 4 : i32
        %get3A_668 = arith.constant 5 : i32
        %get3A_669 = arith.index_cast %get3A_667 : i32 to index
        %get3A_670 = arith.index_cast %get3A_668 : i32 to index
        %get3A_671 = arith.index_cast %mul3A_51 : i32 to index
        %get3A_672 = tpu.vector_load %arg6[%get3A_669, %get3A_670, %get3A_671] {strides = array<i32>} : memref<7x8x768xf32, #tpu.memory_space<vmem>>, vector<1x1x16xf32>,
        %get3A_673 = vector.shape_cast %get3A_672 : vector<1x1x16xf32> to vector<16xf32>
        %add3A_674 = arith.addf %get3A_673, %get3A_586 : vector<16xf32>
        %swap3A_675 = arith.constant 4 : i32
        %swap3A_676 = arith.constant 5 : i32
        %swap3A_677 = arith.index_cast %swap3A_675 : i32 to index
        %swap3A_678 = arith.index_cast %swap3A_676 : i32 to index
        %swap3A_679 = arith.index_cast %mul3A_51 : i32 to index
        %swap3A_680 = tpu.vector_load %arg6[%swap3A_677, %swap3A_678, %swap3A_679] {strides = array<i32>} : memref<7x8x768xf32, #tpu.memory_space<vmem>>, vector<1x1x16xf32>,
        %swap3A_681 = vector.shape_cast %swap3A_680 : vector<1x1x16xf32> to vector<16xf32>
        %swap3A_682 = vector.shape_cast %add3A_674 : vector<16xf32> to vector<1x1x16xf32>
        tpu.vector_store %arg6[%swap3A_677, %swap3A_678, %swap3A_679], %swap3A_682 {strides = array<i32>} : memref<7x8x768xf32, #tpu.memory_space<vmem>>, vector<1x1x16xf32>,
        %get3A_683 = arith.constant 4 : i32
        %get3A_684 = arith.constant 6 : i32
        %get3A_685 = arith.index_cast %get3A_683 : i32 to index
        %get3A_686 = arith.index_cast %get3A_684 : i32 to index
        %get3A_687 = arith.index_cast %mul3A_51 : i32 to index
        %get3A_688 = tpu.vector_load %arg6[%get3A_685, %get3A_686, %get3A_687] {strides = array<i32>} : memref<7x8x768xf32, #tpu.memory_space<vmem>>, vector<1x1x16xf32>,
        %get3A_689 = vector.shape_cast %get3A_688 : vector<1x1x16xf32> to vector<16xf32>
        %add3A_690 = arith.addf %get3A_689, %get3A_586 : vector<16xf32>
        %swap3A_691 = arith.constant 4 : i32
        %swap3A_692 = arith.constant 6 : i32
        %swap3A_693 = arith.index_cast %swap3A_691 : i32 to index
        %swap3A_694 = arith.index_cast %swap3A_692 : i32 to index
        %swap3A_695 = arith.index_cast %mul3A_51 : i32 to index
        %swap3A_696 = tpu.vector_load %arg6[%swap3A_693, %swap3A_694, %swap3A_695] {strides = array<i32>} : memref<7x8x768xf32, #tpu.memory_space<vmem>>, vector<1x1x16xf32>,
        %swap3A_697 = vector.shape_cast %swap3A_696 : vector<1x1x16xf32> to vector<16xf32>
        %swap3A_698 = vector.shape_cast %add3A_690 : vector<16xf32> to vector<1x1x16xf32>
        tpu.vector_store %arg6[%swap3A_693, %swap3A_694, %swap3A_695], %swap3A_698 {strides = array<i32>} : memref<7x8x768xf32, #tpu.memory_space<vmem>>, vector<1x1x16xf32>,
        %get3A_699 = arith.constant 4 : i32
        %get3A_700 = arith.constant 7 : i32
        %get3A_701 = arith.index_cast %get3A_699 : i32 to index
        %get3A_702 = arith.index_cast %get3A_700 : i32 to index
        %get3A_703 = arith.index_cast %mul3A_51 : i32 to index
        %get3A_704 = tpu.vector_load %arg6[%get3A_701, %get3A_702, %get3A_703] {strides = array<i32>} : memref<7x8x768xf32, #tpu.memory_space<vmem>>, vector<1x1x16xf32>,
        %get3A_705 = vector.shape_cast %get3A_704 : vector<1x1x16xf32> to vector<16xf32>
        %add3A_706 = arith.addf %get3A_705, %get3A_586 : vector<16xf32>
        %swap3A_707 = arith.constant 4 : i32
        %swap3A_708 = arith.constant 7 : i32
        %swap3A_709 = arith.index_cast %swap3A_707 : i32 to index
        %swap3A_710 = arith.index_cast %swap3A_708 : i32 to index
        %swap3A_711 = arith.index_cast %mul3A_51 : i32 to index
        %swap3A_712 = tpu.vector_load %arg6[%swap3A_709, %swap3A_710, %swap3A_711] {strides = array<i32>} : memref<7x8x768xf32, #tpu.memory_space<vmem>>, vector<1x1x16xf32>,
        %swap3A_713 = vector.shape_cast %swap3A_712 : vector<1x1x16xf32> to vector<16xf32>
        %swap3A_714 = vector.shape_cast %add3A_706 : vector<16xf32> to vector<1x1x16xf32>
        tpu.vector_store %arg6[%swap3A_709, %swap3A_710, %swap3A_711], %swap3A_714 {strides = array<i32>} : memref<7x8x768xf32, #tpu.memory_space<vmem>>, vector<1x1x16xf32>,
        %get3A_715 = arith.constant 3 : i32
        %get3A_716 = arith.index_cast %get3A_715 : i32 to index
        %get3A_717 = arith.index_cast %mul3A_51 : i32 to index
        %get3A_718 = tpu.vector_load %arg9[%get3A_716, %get3A_717] {strides = array<i32>} : memref<5x768xf32, #tpu.memory_space<vmem>>, vector<1x16xf32>,
        %get3A_719 = vector.shape_cast %get3A_718 : vector<1x16xf32> to vector<16xf32>
        %get3A_720 = arith.constant 5 : i32
        %get3A_721 = arith.constant 0 : i32
        %get3A_722 = arith.index_cast %get3A_720 : i32 to index
        %get3A_723 = arith.index_cast %get3A_721 : i32 to index
        %get3A_724 = arith.index_cast %mul3A_51 : i32 to index
        %get3A_725 = tpu.vector_load %arg6[%get3A_722, %get3A_723, %get3A_724] {strides = array<i32>} : memref<7x8x768xf32, #tpu.memory_space<vmem>>, vector<1x1x16xf32>,
        %get3A_726 = vector.shape_cast %get3A_725 : vector<1x1x16xf32> to vector<16xf32>
        %add3A_727 = arith.addf %get3A_726, %get3A_719 : vector<16xf32>
        %swap3A_728 = arith.constant 5 : i32
        %swap3A_729 = arith.constant 0 : i32
        %swap3A_730 = arith.index_cast %swap3A_728 : i32 to index
        %swap3A_731 = arith.index_cast %swap3A_729 : i32 to index
        %swap3A_732 = arith.index_cast %mul3A_51 : i32 to index
        %swap3A_733 = tpu.vector_load %arg6[%swap3A_730, %swap3A_731, %swap3A_732] {strides = array<i32>} : memref<7x8x768xf32, #tpu.memory_space<vmem>>, vector<1x1x16xf32>,
        %swap3A_734 = vector.shape_cast %swap3A_733 : vector<1x1x16xf32> to vector<16xf32>
        %swap3A_735 = vector.shape_cast %add3A_727 : vector<16xf32> to vector<1x1x16xf32>
        tpu.vector_store %arg6[%swap3A_730, %swap3A_731, %swap3A_732], %swap3A_735 {strides = array<i32>} : memref<7x8x768xf32, #tpu.memory_space<vmem>>, vector<1x1x16xf32>,
        %get3A_736 = arith.constant 5 : i32
        %get3A_737 = arith.constant 1 : i32
        %get3A_738 = arith.index_cast %get3A_736 : i32 to index
        %get3A_739 = arith.index_cast %get3A_737 : i32 to index
        %get3A_740 = arith.index_cast %mul3A_51 : i32 to index
        %get3A_741 = tpu.vector_load %arg6[%get3A_738, %get3A_739, %get3A_740] {strides = array<i32>} : memref<7x8x768xf32, #tpu.memory_space<vmem>>, vector<1x1x16xf32>,
        %get3A_742 = vector.shape_cast %get3A_741 : vector<1x1x16xf32> to vector<16xf32>
        %add3A_743 = arith.addf %get3A_742, %get3A_719 : vector<16xf32>
        %swap3A_744 = arith.constant 5 : i32
        %swap3A_745 = arith.constant 1 : i32
        %swap3A_746 = arith.index_cast %swap3A_744 : i32 to index
        %swap3A_747 = arith.index_cast %swap3A_745 : i32 to index
        %swap3A_748 = arith.index_cast %mul3A_51 : i32 to index
        %swap3A_749 = tpu.vector_load %arg6[%swap3A_746, %swap3A_747, %swap3A_748] {strides = array<i32>} : memref<7x8x768xf32, #tpu.memory_space<vmem>>, vector<1x1x16xf32>,
        %swap3A_750 = vector.shape_cast %swap3A_749 : vector<1x1x16xf32> to vector<16xf32>
        %swap3A_751 = vector.shape_cast %add3A_743 : vector<16xf32> to vector<1x1x16xf32>
        tpu.vector_store %arg6[%swap3A_746, %swap3A_747, %swap3A_748], %swap3A_751 {strides = array<i32>} : memref<7x8x768xf32, #tpu.memory_space<vmem>>, vector<1x1x16xf32>,
        %get3A_752 = arith.constant 5 : i32
        %get3A_753 = arith.constant 2 : i32
        %get3A_754 = arith.index_cast %get3A_752 : i32 to index
        %get3A_755 = arith.index_cast %get3A_753 : i32 to index
        %get3A_756 = arith.index_cast %mul3A_51 : i32 to index
        %get3A_757 = tpu.vector_load %arg6[%get3A_754, %get3A_755, %get3A_756] {strides = array<i32>} : memref<7x8x768xf32, #tpu.memory_space<vmem>>, vector<1x1x16xf32>,
        %get3A_758 = vector.shape_cast %get3A_757 : vector<1x1x16xf32> to vector<16xf32>
        %add3A_759 = arith.addf %get3A_758, %get3A_719 : vector<16xf32>
        %swap3A_760 = arith.constant 5 : i32
        %swap3A_761 = arith.constant 2 : i32
        %swap3A_762 = arith.index_cast %swap3A_760 : i32 to index
        %swap3A_763 = arith.index_cast %swap3A_761 : i32 to index
        %swap3A_764 = arith.index_cast %mul3A_51 : i32 to index
        %swap3A_765 = tpu.vector_load %arg6[%swap3A_762, %swap3A_763, %swap3A_764] {strides = array<i32>} : memref<7x8x768xf32, #tpu.memory_space<vmem>>, vector<1x1x16xf32>,
        %swap3A_766 = vector.shape_cast %swap3A_765 : vector<1x1x16xf32> to vector<16xf32>
        %swap3A_767 = vector.shape_cast %add3A_759 : vector<16xf32> to vector<1x1x16xf32>
        tpu.vector_store %arg6[%swap3A_762, %swap3A_763, %swap3A_764], %swap3A_767 {strides = array<i32>} : memref<7x8x768xf32, #tpu.memory_space<vmem>>, vector<1x1x16xf32>,
        %get3A_768 = arith.constant 5 : i32
        %get3A_769 = arith.constant 3 : i32
        %get3A_770 = arith.index_cast %get3A_768 : i32 to index
        %get3A_771 = arith.index_cast %get3A_769 : i32 to index
        %get3A_772 = arith.index_cast %mul3A_51 : i32 to index
        %get3A_773 = tpu.vector_load %arg6[%get3A_770, %get3A_771, %get3A_772] {strides = array<i32>} : memref<7x8x768xf32, #tpu.memory_space<vmem>>, vector<1x1x16xf32>,
        %get3A_774 = vector.shape_cast %get3A_773 : vector<1x1x16xf32> to vector<16xf32>
        %add3A_775 = arith.addf %get3A_774, %get3A_719 : vector<16xf32>
        %swap3A_776 = arith.constant 5 : i32
        %swap3A_777 = arith.constant 3 : i32
        %swap3A_778 = arith.index_cast %swap3A_776 : i32 to index
        %swap3A_779 = arith.index_cast %swap3A_777 : i32 to index
        %swap3A_780 = arith.index_cast %mul3A_51 : i32 to index
        %swap3A_781 = tpu.vector_load %arg6[%swap3A_778, %swap3A_779, %swap3A_780] {strides = array<i32>} : memref<7x8x768xf32, #tpu.memory_space<vmem>>, vector<1x1x16xf32>,
        %swap3A_782 = vector.shape_cast %swap3A_781 : vector<1x1x16xf32> to vector<16xf32>
        %swap3A_783 = vector.shape_cast %add3A_775 : vector<16xf32> to vector<1x1x16xf32>
        tpu.vector_store %arg6[%swap3A_778, %swap3A_779, %swap3A_780], %swap3A_783 {strides = array<i32>} : memref<7x8x768xf32, #tpu.memory_space<vmem>>, vector<1x1x16xf32>,
        %get3A_784 = arith.constant 5 : i32
        %get3A_785 = arith.constant 4 : i32
        %get3A_786 = arith.index_cast %get3A_784 : i32 to index
        %get3A_787 = arith.index_cast %get3A_785 : i32 to index
        %get3A_788 = arith.index_cast %mul3A_51 : i32 to index
        %get3A_789 = tpu.vector_load %arg6[%get3A_786, %get3A_787, %get3A_788] {strides = array<i32>} : memref<7x8x768xf32, #tpu.memory_space<vmem>>, vector<1x1x16xf32>,
        %get3A_790 = vector.shape_cast %get3A_789 : vector<1x1x16xf32> to vector<16xf32>
        %add3A_791 = arith.addf %get3A_790, %get3A_719 : vector<16xf32>
        %swap3A_792 = arith.constant 5 : i32
        %swap3A_793 = arith.constant 4 : i32
        %swap3A_794 = arith.index_cast %swap3A_792 : i32 to index
        %swap3A_795 = arith.index_cast %swap3A_793 : i32 to index
        %swap3A_796 = arith.index_cast %mul3A_51 : i32 to index
        %swap3A_797 = tpu.vector_load %arg6[%swap3A_794, %swap3A_795, %swap3A_796] {strides = array<i32>} : memref<7x8x768xf32, #tpu.memory_space<vmem>>, vector<1x1x16xf32>,
        %swap3A_798 = vector.shape_cast %swap3A_797 : vector<1x1x16xf32> to vector<16xf32>
        %swap3A_799 = vector.shape_cast %add3A_791 : vector<16xf32> to vector<1x1x16xf32>
        tpu.vector_store %arg6[%swap3A_794, %swap3A_795, %swap3A_796], %swap3A_799 {strides = array<i32>} : memref<7x8x768xf32, #tpu.memory_space<vmem>>, vector<1x1x16xf32>,
        %get3A_800 = arith.constant 5 : i32
        %get3A_801 = arith.constant 5 : i32
        %get3A_802 = arith.index_cast %get3A_800 : i32 to index
        %get3A_803 = arith.index_cast %get3A_801 : i32 to index
        %get3A_804 = arith.index_cast %mul3A_51 : i32 to index
        %get3A_805 = tpu.vector_load %arg6[%get3A_802, %get3A_803, %get3A_804] {strides = array<i32>} : memref<7x8x768xf32, #tpu.memory_space<vmem>>, vector<1x1x16xf32>,
        %get3A_806 = vector.shape_cast %get3A_805 : vector<1x1x16xf32> to vector<16xf32>
        %add3A_807 = arith.addf %get3A_806, %get3A_719 : vector<16xf32>
        %swap3A_808 = arith.constant 5 : i32
        %swap3A_809 = arith.constant 5 : i32
        %swap3A_810 = arith.index_cast %swap3A_808 : i32 to index
        %swap3A_811 = arith.index_cast %swap3A_809 : i32 to index
        %swap3A_812 = arith.index_cast %mul3A_51 : i32 to index
        %swap3A_813 = tpu.vector_load %arg6[%swap3A_810, %swap3A_811, %swap3A_812] {strides = array<i32>} : memref<7x8x768xf32, #tpu.memory_space<vmem>>, vector<1x1x16xf32>,
        %swap3A_814 = vector.shape_cast %swap3A_813 : vector<1x1x16xf32> to vector<16xf32>
        %swap3A_815 = vector.shape_cast %add3A_807 : vector<16xf32> to vector<1x1x16xf32>
        tpu.vector_store %arg6[%swap3A_810, %swap3A_811, %swap3A_812], %swap3A_815 {strides = array<i32>} : memref<7x8x768xf32, #tpu.memory_space<vmem>>, vector<1x1x16xf32>,
        %get3A_816 = arith.constant 5 : i32
        %get3A_817 = arith.constant 6 : i32
        %get3A_818 = arith.index_cast %get3A_816 : i32 to index
        %get3A_819 = arith.index_cast %get3A_817 : i32 to index
        %get3A_820 = arith.index_cast %mul3A_51 : i32 to index
        %get3A_821 = tpu.vector_load %arg6[%get3A_818, %get3A_819, %get3A_820] {strides = array<i32>} : memref<7x8x768xf32, #tpu.memory_space<vmem>>, vector<1x1x16xf32>,
        %get3A_822 = vector.shape_cast %get3A_821 : vector<1x1x16xf32> to vector<16xf32>
        %add3A_823 = arith.addf %get3A_822, %get3A_719 : vector<16xf32>
        %swap3A_824 = arith.constant 5 : i32
        %swap3A_825 = arith.constant 6 : i32
        %swap3A_826 = arith.index_cast %swap3A_824 : i32 to index
        %swap3A_827 = arith.index_cast %swap3A_825 : i32 to index
        %swap3A_828 = arith.index_cast %mul3A_51 : i32 to index
        %swap3A_829 = tpu.vector_load %arg6[%swap3A_826, %swap3A_827, %swap3A_828] {strides = array<i32>} : memref<7x8x768xf32, #tpu.memory_space<vmem>>, vector<1x1x16xf32>,
        %swap3A_830 = vector.shape_cast %swap3A_829 : vector<1x1x16xf32> to vector<16xf32>
        %swap3A_831 = vector.shape_cast %add3A_823 : vector<16xf32> to vector<1x1x16xf32>
        tpu.vector_store %arg6[%swap3A_826, %swap3A_827, %swap3A_828], %swap3A_831 {strides = array<i32>} : memref<7x8x768xf32, #tpu.memory_space<vmem>>, vector<1x1x16xf32>,
        %get3A_832 = arith.constant 5 : i32
        %get3A_833 = arith.constant 7 : i32
        %get3A_834 = arith.index_cast %get3A_832 : i32 to index
        %get3A_835 = arith.index_cast %get3A_833 : i32 to index
        %get3A_836 = arith.index_cast %mul3A_51 : i32 to index
        %get3A_837 = tpu.vector_load %arg6[%get3A_834, %get3A_835, %get3A_836] {strides = array<i32>} : memref<7x8x768xf32, #tpu.memory_space<vmem>>, vector<1x1x16xf32>,
        %get3A_838 = vector.shape_cast %get3A_837 : vector<1x1x16xf32> to vector<16xf32>
        %add3A_839 = arith.addf %get3A_838, %get3A_719 : vector<16xf32>
        %swap3A_840 = arith.constant 5 : i32
        %swap3A_841 = arith.constant 7 : i32
        %swap3A_842 = arith.index_cast %swap3A_840 : i32 to index
        %swap3A_843 = arith.index_cast %swap3A_841 : i32 to index
        %swap3A_844 = arith.index_cast %mul3A_51 : i32 to index
        %swap3A_845 = tpu.vector_load %arg6[%swap3A_842, %swap3A_843, %swap3A_844] {strides = array<i32>} : memref<7x8x768xf32, #tpu.memory_space<vmem>>, vector<1x1x16xf32>,
        %swap3A_846 = vector.shape_cast %swap3A_845 : vector<1x1x16xf32> to vector<16xf32>
        %swap3A_847 = vector.shape_cast %add3A_839 : vector<16xf32> to vector<1x1x16xf32>
        tpu.vector_store %arg6[%swap3A_842, %swap3A_843, %swap3A_844], %swap3A_847 {strides = array<i32>} : memref<7x8x768xf32, #tpu.memory_space<vmem>>, vector<1x1x16xf32>,
        %get3A_848 = arith.constant 4 : i32
        %get3A_849 = arith.index_cast %get3A_848 : i32 to index
        %get3A_850 = arith.index_cast %mul3A_51 : i32 to index
        %get3A_851 = tpu.vector_load %arg9[%get3A_849, %get3A_850] {strides = array<i32>} : memref<5x768xf32, #tpu.memory_space<vmem>>, vector<1x16xf32>,
        %get3A_852 = vector.shape_cast %get3A_851 : vector<1x16xf32> to vector<16xf32>
        %get3A_853 = arith.constant 6 : i32
        %get3A_854 = arith.constant 0 : i32
        %get3A_855 = arith.index_cast %get3A_853 : i32 to index
        %get3A_856 = arith.index_cast %get3A_854 : i32 to index
        %get3A_857 = arith.index_cast %mul3A_51 : i32 to index
        %get3A_858 = tpu.vector_load %arg6[%get3A_855, %get3A_856, %get3A_857] {strides = array<i32>} : memref<7x8x768xf32, #tpu.memory_space<vmem>>, vector<1x1x16xf32>,
        %get3A_859 = vector.shape_cast %get3A_858 : vector<1x1x16xf32> to vector<16xf32>
        %add3A_860 = arith.addf %get3A_859, %get3A_852 : vector<16xf32>
        %swap3A_861 = arith.constant 6 : i32
        %swap3A_862 = arith.constant 0 : i32
        %swap3A_863 = arith.index_cast %swap3A_861 : i32 to index
        %swap3A_864 = arith.index_cast %swap3A_862 : i32 to index
        %swap3A_865 = arith.index_cast %mul3A_51 : i32 to index
        %swap3A_866 = tpu.vector_load %arg6[%swap3A_863, %swap3A_864, %swap3A_865] {strides = array<i32>} : memref<7x8x768xf32, #tpu.memory_space<vmem>>, vector<1x1x16xf32>,
        %swap3A_867 = vector.shape_cast %swap3A_866 : vector<1x1x16xf32> to vector<16xf32>
        %swap3A_868 = vector.shape_cast %add3A_860 : vector<16xf32> to vector<1x1x16xf32>
        tpu.vector_store %arg6[%swap3A_863, %swap3A_864, %swap3A_865], %swap3A_868 {strides = array<i32>} : memref<7x8x768xf32, #tpu.memory_space<vmem>>, vector<1x1x16xf32>,
        %get3A_869 = arith.constant 6 : i32
        %get3A_870 = arith.constant 1 : i32
        %get3A_871 = arith.index_cast %get3A_869 : i32 to index
        %get3A_872 = arith.index_cast %get3A_870 : i32 to index
        %get3A_873 = arith.index_cast %mul3A_51 : i32 to index
        %get3A_874 = tpu.vector_load %arg6[%get3A_871, %get3A_872, %get3A_873] {strides = array<i32>} : memref<7x8x768xf32, #tpu.memory_space<vmem>>, vector<1x1x16xf32>,
        %get3A_875 = vector.shape_cast %get3A_874 : vector<1x1x16xf32> to vector<16xf32>
        %add3A_876 = arith.addf %get3A_875, %get3A_852 : vector<16xf32>
        %swap3A_877 = arith.constant 6 : i32
        %swap3A_878 = arith.constant 1 : i32
        %swap3A_879 = arith.index_cast %swap3A_877 : i32 to index
        %swap3A_880 = arith.index_cast %swap3A_878 : i32 to index
        %swap3A_881 = arith.index_cast %mul3A_51 : i32 to index
        %swap3A_882 = tpu.vector_load %arg6[%swap3A_879, %swap3A_880, %swap3A_881] {strides = array<i32>} : memref<7x8x768xf32, #tpu.memory_space<vmem>>, vector<1x1x16xf32>,
        %swap3A_883 = vector.shape_cast %swap3A_882 : vector<1x1x16xf32> to vector<16xf32>
        %swap3A_884 = vector.shape_cast %add3A_876 : vector<16xf32> to vector<1x1x16xf32>
        tpu.vector_store %arg6[%swap3A_879, %swap3A_880, %swap3A_881], %swap3A_884 {strides = array<i32>} : memref<7x8x768xf32, #tpu.memory_space<vmem>>, vector<1x1x16xf32>,
        %get3A_885 = arith.constant 6 : i32
        %get3A_886 = arith.constant 2 : i32
        %get3A_887 = arith.index_cast %get3A_885 : i32 to index
        %get3A_888 = arith.index_cast %get3A_886 : i32 to index
        %get3A_889 = arith.index_cast %mul3A_51 : i32 to index
        %get3A_890 = tpu.vector_load %arg6[%get3A_887, %get3A_888, %get3A_889] {strides = array<i32>} : memref<7x8x768xf32, #tpu.memory_space<vmem>>, vector<1x1x16xf32>,
        %get3A_891 = vector.shape_cast %get3A_890 : vector<1x1x16xf32> to vector<16xf32>
        %add3A_892 = arith.addf %get3A_891, %get3A_852 : vector<16xf32>
        %swap3A_893 = arith.constant 6 : i32
        %swap3A_894 = arith.constant 2 : i32
        %swap3A_895 = arith.index_cast %swap3A_893 : i32 to index
        %swap3A_896 = arith.index_cast %swap3A_894 : i32 to index
        %swap3A_897 = arith.index_cast %mul3A_51 : i32 to index
        %swap3A_898 = tpu.vector_load %arg6[%swap3A_895, %swap3A_896, %swap3A_897] {strides = array<i32>} : memref<7x8x768xf32, #tpu.memory_space<vmem>>, vector<1x1x16xf32>,
        %swap3A_899 = vector.shape_cast %swap3A_898 : vector<1x1x16xf32> to vector<16xf32>
        %swap3A_900 = vector.shape_cast %add3A_892 : vector<16xf32> to vector<1x1x16xf32>
        tpu.vector_store %arg6[%swap3A_895, %swap3A_896, %swap3A_897], %swap3A_900 {strides = array<i32>} : memref<7x8x768xf32, #tpu.memory_space<vmem>>, vector<1x1x16xf32>,
        %get3A_901 = arith.constant 6 : i32
        %get3A_902 = arith.constant 3 : i32
        %get3A_903 = arith.index_cast %get3A_901 : i32 to index
        %get3A_904 = arith.index_cast %get3A_902 : i32 to index
        %get3A_905 = arith.index_cast %mul3A_51 : i32 to index
        %get3A_906 = tpu.vector_load %arg6[%get3A_903, %get3A_904, %get3A_905] {strides = array<i32>} : memref<7x8x768xf32, #tpu.memory_space<vmem>>, vector<1x1x16xf32>,
        %get3A_907 = vector.shape_cast %get3A_906 : vector<1x1x16xf32> to vector<16xf32>
        %add3A_908 = arith.addf %get3A_907, %get3A_852 : vector<16xf32>
        %swap3A_909 = arith.constant 6 : i32
        %swap3A_910 = arith.constant 3 : i32
        %swap3A_911 = arith.index_cast %swap3A_909 : i32 to index
        %swap3A_912 = arith.index_cast %swap3A_910 : i32 to index
        %swap3A_913 = arith.index_cast %mul3A_51 : i32 to index
        %swap3A_914 = tpu.vector_load %arg6[%swap3A_911, %swap3A_912, %swap3A_913] {strides = array<i32>} : memref<7x8x768xf32, #tpu.memory_space<vmem>>, vector<1x1x16xf32>,
        %swap3A_915 = vector.shape_cast %swap3A_914 : vector<1x1x16xf32> to vector<16xf32>
        %swap3A_916 = vector.shape_cast %add3A_908 : vector<16xf32> to vector<1x1x16xf32>
        tpu.vector_store %arg6[%swap3A_911, %swap3A_912, %swap3A_913], %swap3A_916 {strides = array<i32>} : memref<7x8x768xf32, #tpu.memory_space<vmem>>, vector<1x1x16xf32>,
        %get3A_917 = arith.constant 6 : i32
        %get3A_918 = arith.constant 4 : i32
        %get3A_919 = arith.index_cast %get3A_917 : i32 to index
        %get3A_920 = arith.index_cast %get3A_918 : i32 to index
        %get3A_921 = arith.index_cast %mul3A_51 : i32 to index
        %get3A_922 = tpu.vector_load %arg6[%get3A_919, %get3A_920, %get3A_921] {strides = array<i32>} : memref<7x8x768xf32, #tpu.memory_space<vmem>>, vector<1x1x16xf32>,
        %get3A_923 = vector.shape_cast %get3A_922 : vector<1x1x16xf32> to vector<16xf32>
        %add3A_924 = arith.addf %get3A_923, %get3A_852 : vector<16xf32>
        %swap3A_925 = arith.constant 6 : i32
        %swap3A_926 = arith.constant 4 : i32
        %swap3A_927 = arith.index_cast %swap3A_925 : i32 to index
        %swap3A_928 = arith.index_cast %swap3A_926 : i32 to index
        %swap3A_929 = arith.index_cast %mul3A_51 : i32 to index
        %swap3A_930 = tpu.vector_load %arg6[%swap3A_927, %swap3A_928, %swap3A_929] {strides = array<i32>} : memref<7x8x768xf32, #tpu.memory_space<vmem>>, vector<1x1x16xf32>,
        %swap3A_931 = vector.shape_cast %swap3A_930 : vector<1x1x16xf32> to vector<16xf32>
        %swap3A_932 = vector.shape_cast %add3A_924 : vector<16xf32> to vector<1x1x16xf32>
        tpu.vector_store %arg6[%swap3A_927, %swap3A_928, %swap3A_929], %swap3A_932 {strides = array<i32>} : memref<7x8x768xf32, #tpu.memory_space<vmem>>, vector<1x1x16xf32>,
        %get3A_933 = arith.constant 6 : i32
        %get3A_934 = arith.constant 5 : i32
        %get3A_935 = arith.index_cast %get3A_933 : i32 to index
        %get3A_936 = arith.index_cast %get3A_934 : i32 to index
        %get3A_937 = arith.index_cast %mul3A_51 : i32 to index
        %get3A_938 = tpu.vector_load %arg6[%get3A_935, %get3A_936, %get3A_937] {strides = array<i32>} : memref<7x8x768xf32, #tpu.memory_space<vmem>>, vector<1x1x16xf32>,
        %get3A_939 = vector.shape_cast %get3A_938 : vector<1x1x16xf32> to vector<16xf32>
        %add3A_940 = arith.addf %get3A_939, %get3A_852 : vector<16xf32>
        %swap3A_941 = arith.constant 6 : i32
        %swap3A_942 = arith.constant 5 : i32
        %swap3A_943 = arith.index_cast %swap3A_941 : i32 to index
        %swap3A_944 = arith.index_cast %swap3A_942 : i32 to index
        %swap3A_945 = arith.index_cast %mul3A_51 : i32 to index
        %swap3A_946 = tpu.vector_load %arg6[%swap3A_943, %swap3A_944, %swap3A_945] {strides = array<i32>} : memref<7x8x768xf32, #tpu.memory_space<vmem>>, vector<1x1x16xf32>,
        %swap3A_947 = vector.shape_cast %swap3A_946 : vector<1x1x16xf32> to vector<16xf32>
        %swap3A_948 = vector.shape_cast %add3A_940 : vector<16xf32> to vector<1x1x16xf32>
        tpu.vector_store %arg6[%swap3A_943, %swap3A_944, %swap3A_945], %swap3A_948 {strides = array<i32>} : memref<7x8x768xf32, #tpu.memory_space<vmem>>, vector<1x1x16xf32>,
        %get3A_949 = arith.constant 6 : i32
        %get3A_950 = arith.constant 6 : i32
        %get3A_951 = arith.index_cast %get3A_949 : i32 to index
        %get3A_952 = arith.index_cast %get3A_950 : i32 to index
        %get3A_953 = arith.index_cast %mul3A_51 : i32 to index
        %get3A_954 = tpu.vector_load %arg6[%get3A_951, %get3A_952, %get3A_953] {strides = array<i32>} : memref<7x8x768xf32, #tpu.memory_space<vmem>>, vector<1x1x16xf32>,
        %get3A_955 = vector.shape_cast %get3A_954 : vector<1x1x16xf32> to vector<16xf32>
        %add3A_956 = arith.addf %get3A_955, %get3A_852 : vector<16xf32>
        %swap3A_957 = arith.constant 6 : i32
        %swap3A_958 = arith.constant 6 : i32
        %swap3A_959 = arith.index_cast %swap3A_957 : i32 to index
        %swap3A_960 = arith.index_cast %swap3A_958 : i32 to index
        %swap3A_961 = arith.index_cast %mul3A_51 : i32 to index
        %swap3A_962 = tpu.vector_load %arg6[%swap3A_959, %swap3A_960, %swap3A_961] {strides = array<i32>} : memref<7x8x768xf32, #tpu.memory_space<vmem>>, vector<1x1x16xf32>,
        %swap3A_963 = vector.shape_cast %swap3A_962 : vector<1x1x16xf32> to vector<16xf32>
        %swap3A_964 = vector.shape_cast %add3A_956 : vector<16xf32> to vector<1x1x16xf32>
        tpu.vector_store %arg6[%swap3A_959, %swap3A_960, %swap3A_961], %swap3A_964 {strides = array<i32>} : memref<7x8x768xf32, #tpu.memory_space<vmem>>, vector<1x1x16xf32>,
        %get3A_965 = arith.constant 6 : i32
        %get3A_966 = arith.constant 7 : i32
        %get3A_967 = arith.index_cast %get3A_965 : i32 to index
        %get3A_968 = arith.index_cast %get3A_966 : i32 to index
        %get3A_969 = arith.index_cast %mul3A_51 : i32 to index
        %get3A_970 = tpu.vector_load %arg6[%get3A_967, %get3A_968, %get3A_969] {strides = array<i32>} : memref<7x8x768xf32, #tpu.memory_space<vmem>>, vector<1x1x16xf32>,
        %get3A_971 = vector.shape_cast %get3A_970 : vector<1x1x16xf32> to vector<16xf32>
        %add3A_972 = arith.addf %get3A_971, %get3A_852 : vector<16xf32>
        %swap3A_973 = arith.constant 6 : i32
        %swap3A_974 = arith.constant 7 : i32
        %swap3A_975 = arith.index_cast %swap3A_973 : i32 to index
        %swap3A_976 = arith.index_cast %swap3A_974 : i32 to index
        %swap3A_977 = arith.index_cast %mul3A_51 : i32 to index
        %swap3A_978 = tpu.vector_load %arg6[%swap3A_975, %swap3A_976, %swap3A_977] {strides = array<i32>} : memref<7x8x768xf32, #tpu.memory_space<vmem>>, vector<1x1x16xf32>,
        %swap3A_979 = vector.shape_cast %swap3A_978 : vector<1x1x16xf32> to vector<16xf32>
        %swap3A_980 = vector.shape_cast %add3A_972 : vector<16xf32> to vector<1x1x16xf32>
        tpu.vector_store %arg6[%swap3A_975, %swap3A_976, %swap3A_977], %swap3A_980 {strides = array<i32>} : memref<7x8x768xf32, #tpu.memory_space<vmem>>, vector<1x1x16xf32>,
        %scan3A_981 = arith.constant 0 : i32
        scf.yield %scan3A_981 : i32
      }
      %scan3A_31 = arith.constant 48 : i32
      %dma_start3A_32 = arith.constant 190 : i32
      %dma_start3A_33 = arith.constant 0 : i32
      %dma_start3A_34 = arith.constant 0 : i32
      %dma_start3A_35 = tpu.memref_slice %arg5[%dma_start3A_32, %dma_start3A_33, %dma_start3A_34] : memref<197x8x768xf32, #tpu.memory_space<hbm>> -> memref<7x8x768xf32, #tpu.memory_space<hbm>>
      %dma_start3A_36 = arith.constant 190 : i32
      %dma_start3A_37 = arith.constant 0 : i32
      %dma_start3A_38 = arith.constant 0 : i32
      %dma_start3A_39 = tpu.memref_slice %arg5[%dma_start3A_36, %dma_start3A_37, %dma_start3A_38] : memref<197x8x768xf32, #tpu.memory_space<hbm>> -> memref<7x8x768xf32, #tpu.memory_space<hbm>>
      tpu.enqueue_dma source(%arg6 : memref<7x8x768xf32, #tpu.memory_space<vmem>>) target(%dma_start3A_39 : memref<7x8x768xf32, #tpu.memory_space<hbm>>) target_semaphore(%arg14 : memref<!tpu.dma_semaphore, #tpu.memory_space<semaphore_mem>>)
      %dma_wait3A_40 = arith.constant 190 : i32
      %dma_wait3A_41 = arith.constant 0 : i32
      %dma_wait3A_42 = arith.constant 0 : i32
      %dma_wait3A_43 = tpu.memref_slice %arg5[%dma_wait3A_40, %dma_wait3A_41, %dma_wait3A_42] : memref<197x8x768xf32, #tpu.memory_space<hbm>> -> memref<7x8x768xf32, #tpu.memory_space<hbm>>
      %dma_wait3A_44 = arith.constant 190 : i32
      %dma_wait3A_45 = arith.constant 0 : i32
      %dma_wait3A_46 = arith.constant 0 : i32
      %dma_wait3A_47 = tpu.memref_slice %arg5[%dma_wait3A_44, %dma_wait3A_45, %dma_wait3A_46] : memref<197x8x768xf32, #tpu.memory_space<hbm>> -> memref<7x8x768xf32, #tpu.memory_space<hbm>>
      tpu.wait_dma2 semaphore(%arg14 : memref<!tpu.dma_semaphore, #tpu.memory_space<semaphore_mem>>) src(%arg6 : memref<7x8x768xf32, #tpu.memory_space<vmem>>) dst(%dma_wait3A_47 : memref<7x8x768xf32, #tpu.memory_space<hbm>>)
    } else {
    }
    %eq3A_7 = arith.constant 28 : i32
    %eq3A_8 = arith.cmpi eq, %add3A, %eq3A_7 : i32
    %convert_element_type3A_9 = arith.extui %eq3A_8 : i1 to i32
    %cond3A_10 = arith.constant 0 : i32
    %cond3A_11 = arith.cmpi ne, %convert_element_type3A_9, %cond3A_10 : i32
    scf.if %cond3A_11 {
      "tpu.region"() ({
        %run_scoped3A = tpu.sem_alloc : memref<!tpu.dma_semaphore, #tpu.memory_space<semaphore_mem>>
        %dma_start3A_32 = arith.constant 0 : i32
        %dma_start3A_33 = arith.constant 0 : i32
        %dma_start3A_34 = tpu.memref_slice %arg8[%dma_start3A_32, %dma_start3A_33] : memref<16x768xf32, #tpu.memory_space<vmem>> -> memref<8x768xf32, #tpu.memory_space<vmem>>
        %dma_start3A_35 = arith.constant 0 : i32
        %dma_start3A_36 = arith.constant 0 : i32
        %dma_start3A_37 = tpu.memref_slice %arg4[%dma_start3A_35, %dma_start3A_36] : memref<197x768xf32, #tpu.memory_space<hbm>> -> memref<8x768xf32, #tpu.memory_space<hbm>>
        %dma_start3A_38 = arith.constant 0 : i32
        %dma_start3A_39 = arith.constant 0 : i32
        %dma_start3A_40 = tpu.memref_slice %arg8[%dma_start3A_38, %dma_start3A_39] : memref<16x768xf32, #tpu.memory_space<vmem>> -> memref<8x768xf32, #tpu.memory_space<vmem>>
        %dma_start3A_41 = arith.constant 0 : i32
        %dma_start3A_42 = arith.constant 0 : i32
        %dma_start3A_43 = tpu.memref_slice %arg4[%dma_start3A_41, %dma_start3A_42] : memref<197x768xf32, #tpu.memory_space<hbm>> -> memref<8x768xf32, #tpu.memory_space<hbm>>
        tpu.enqueue_dma source(%dma_start3A_43 : memref<8x768xf32, #tpu.memory_space<hbm>>) target(%dma_start3A_40 : memref<8x768xf32, #tpu.memory_space<vmem>>) target_semaphore(%run_scoped3A : memref<!tpu.dma_semaphore, #tpu.memory_space<semaphore_mem>>)
        %dma_wait3A_44 = arith.constant 0 : i32
        %dma_wait3A_45 = arith.constant 0 : i32
        %dma_wait3A_46 = tpu.memref_slice %arg8[%dma_wait3A_44, %dma_wait3A_45] : memref<16x768xf32, #tpu.memory_space<vmem>> -> memref<8x768xf32, #tpu.memory_space<vmem>>
        %dma_wait3A_47 = arith.constant 0 : i32
        %dma_wait3A_48 = arith.constant 0 : i32
        %dma_wait3A_49 = tpu.memref_slice %arg4[%dma_wait3A_47, %dma_wait3A_48] : memref<197x768xf32, #tpu.memory_space<hbm>> -> memref<8x768xf32, #tpu.memory_space<hbm>>
        %dma_wait3A_50 = arith.constant 0 : i32
        %dma_wait3A_51 = arith.constant 0 : i32
        %dma_wait3A_52 = tpu.memref_slice %arg8[%dma_wait3A_50, %dma_wait3A_51] : memref<16x768xf32, #tpu.memory_space<vmem>> -> memref<8x768xf32, #tpu.memory_space<vmem>>
        %dma_wait3A_53 = arith.constant 0 : i32
        %dma_wait3A_54 = arith.constant 0 : i32
        %dma_wait3A_55 = tpu.memref_slice %arg4[%dma_wait3A_53, %dma_wait3A_54] : memref<197x768xf32, #tpu.memory_space<hbm>> -> memref<8x768xf32, #tpu.memory_space<hbm>>
        tpu.wait_dma2 semaphore(%run_scoped3A : memref<!tpu.dma_semaphore, #tpu.memory_space<semaphore_mem>>) src(%dma_wait3A_55 : memref<8x768xf32, #tpu.memory_space<hbm>>) dst(%dma_wait3A_52 : memref<8x768xf32, #tpu.memory_space<vmem>>)
        tpu.yield
      }) : () -> ()
      "tpu.region"() ({
        %run_scoped3A = tpu.sem_alloc : memref<!tpu.dma_semaphore, #tpu.memory_space<semaphore_mem>>
        tpu.enqueue_dma source(%arg3 : memref<1x768xf32, #tpu.memory_space<hbm>>) target(%arg10 : memref<1x768xf32, #tpu.memory_space<vmem>>) target_semaphore(%run_scoped3A : memref<!tpu.dma_semaphore, #tpu.memory_space<semaphore_mem>>)
        tpu.wait_dma2 semaphore(%run_scoped3A : memref<!tpu.dma_semaphore, #tpu.memory_space<semaphore_mem>>) src(%arg3 : memref<1x768xf32, #tpu.memory_space<hbm>>) dst(%arg10 : memref<1x768xf32, #tpu.memory_space<vmem>>)
        tpu.yield
      }) : () -> ()
      %scan3A = arith.constant 0 : i32
      %scan3A_12 = arith.constant 0 : i32
      %scan3A_13 = arith.constant 48 : i32
      %scan3A_14 = arith.addi %scan3A_12, %scan3A_13 : i32
      %scan3A_15 = arith.constant 1 : i32
      %scan3A_16 = scf.for %scan3A_32 = %scan3A_12 to %scan3A_14 step %scan3A_15 iter_args(%scan3A_33 = %scan3A) -> (i32)  : i32 {
        %mul3A_34 = arith.constant 16 : i32
        %mul3A_35 = arith.muli %scan3A_32, %mul3A_34 : i32
        %get3A = arith.constant 0 : i32
        %get3A_36 = arith.index_cast %get3A : i32 to index
        %get3A_37 = arith.index_cast %mul3A_35 : i32 to index
        %get3A_38 = tpu.vector_load %arg10[%get3A_36, %get3A_37] {strides = array<i32>} : memref<1x768xf32, #tpu.memory_space<vmem>>, vector<1x16xf32>,
        %get3A_39 = vector.shape_cast %get3A_38 : vector<1x16xf32> to vector<16xf32>
        %get3A_40 = arith.constant 0 : i32
        %get3A_41 = arith.index_cast %get3A_40 : i32 to index
        %get3A_42 = arith.index_cast %mul3A_35 : i32 to index
        %get3A_43 = tpu.vector_load %arg8[%get3A_41, %get3A_42] {strides = array<i32>} : memref<16x768xf32, #tpu.memory_space<vmem>>, vector<1x16xf32>,
        %get3A_44 = vector.shape_cast %get3A_43 : vector<1x16xf32> to vector<16xf32>
        %add3A_45 = arith.addf %get3A_39, %get3A_44 : vector<16xf32>
        %swap3A = arith.constant 0 : i32
        %swap3A_46 = arith.constant 0 : i32
        %swap3A_47 = arith.index_cast %swap3A : i32 to index
        %swap3A_48 = arith.index_cast %swap3A_46 : i32 to index
        %swap3A_49 = arith.index_cast %mul3A_35 : i32 to index
        %swap3A_50 = tpu.vector_load %arg11[%swap3A_47, %swap3A_48, %swap3A_49] {strides = array<i32>} : memref<1x8x768xf32, #tpu.memory_space<vmem>>, vector<1x1x16xf32>,
        %swap3A_51 = vector.shape_cast %swap3A_50 : vector<1x1x16xf32> to vector<16xf32>
        %swap3A_52 = vector.shape_cast %add3A_45 : vector<16xf32> to vector<1x1x16xf32>
        tpu.vector_store %arg11[%swap3A_47, %swap3A_48, %swap3A_49], %swap3A_52 {strides = array<i32>} : memref<1x8x768xf32, #tpu.memory_space<vmem>>, vector<1x1x16xf32>,
        %swap3A_53 = arith.constant 0 : i32
        %swap3A_54 = arith.constant 1 : i32
        %swap3A_55 = arith.index_cast %swap3A_53 : i32 to index
        %swap3A_56 = arith.index_cast %swap3A_54 : i32 to index
        %swap3A_57 = arith.index_cast %mul3A_35 : i32 to index
        %swap3A_58 = tpu.vector_load %arg11[%swap3A_55, %swap3A_56, %swap3A_57] {strides = array<i32>} : memref<1x8x768xf32, #tpu.memory_space<vmem>>, vector<1x1x16xf32>,
        %swap3A_59 = vector.shape_cast %swap3A_58 : vector<1x1x16xf32> to vector<16xf32>
        %swap3A_60 = vector.shape_cast %add3A_45 : vector<16xf32> to vector<1x1x16xf32>
        tpu.vector_store %arg11[%swap3A_55, %swap3A_56, %swap3A_57], %swap3A_60 {strides = array<i32>} : memref<1x8x768xf32, #tpu.memory_space<vmem>>, vector<1x1x16xf32>,
        %swap3A_61 = arith.constant 0 : i32
        %swap3A_62 = arith.constant 2 : i32
        %swap3A_63 = arith.index_cast %swap3A_61 : i32 to index
        %swap3A_64 = arith.index_cast %swap3A_62 : i32 to index
        %swap3A_65 = arith.index_cast %mul3A_35 : i32 to index
        %swap3A_66 = tpu.vector_load %arg11[%swap3A_63, %swap3A_64, %swap3A_65] {strides = array<i32>} : memref<1x8x768xf32, #tpu.memory_space<vmem>>, vector<1x1x16xf32>,
        %swap3A_67 = vector.shape_cast %swap3A_66 : vector<1x1x16xf32> to vector<16xf32>
        %swap3A_68 = vector.shape_cast %add3A_45 : vector<16xf32> to vector<1x1x16xf32>
        tpu.vector_store %arg11[%swap3A_63, %swap3A_64, %swap3A_65], %swap3A_68 {strides = array<i32>} : memref<1x8x768xf32, #tpu.memory_space<vmem>>, vector<1x1x16xf32>,
        %swap3A_69 = arith.constant 0 : i32
        %swap3A_70 = arith.constant 3 : i32
        %swap3A_71 = arith.index_cast %swap3A_69 : i32 to index
        %swap3A_72 = arith.index_cast %swap3A_70 : i32 to index
        %swap3A_73 = arith.index_cast %mul3A_35 : i32 to index
        %swap3A_74 = tpu.vector_load %arg11[%swap3A_71, %swap3A_72, %swap3A_73] {strides = array<i32>} : memref<1x8x768xf32, #tpu.memory_space<vmem>>, vector<1x1x16xf32>,
        %swap3A_75 = vector.shape_cast %swap3A_74 : vector<1x1x16xf32> to vector<16xf32>
        %swap3A_76 = vector.shape_cast %add3A_45 : vector<16xf32> to vector<1x1x16xf32>
        tpu.vector_store %arg11[%swap3A_71, %swap3A_72, %swap3A_73], %swap3A_76 {strides = array<i32>} : memref<1x8x768xf32, #tpu.memory_space<vmem>>, vector<1x1x16xf32>,
        %swap3A_77 = arith.constant 0 : i32
        %swap3A_78 = arith.constant 4 : i32
        %swap3A_79 = arith.index_cast %swap3A_77 : i32 to index
        %swap3A_80 = arith.index_cast %swap3A_78 : i32 to index
        %swap3A_81 = arith.index_cast %mul3A_35 : i32 to index
        %swap3A_82 = tpu.vector_load %arg11[%swap3A_79, %swap3A_80, %swap3A_81] {strides = array<i32>} : memref<1x8x768xf32, #tpu.memory_space<vmem>>, vector<1x1x16xf32>,
        %swap3A_83 = vector.shape_cast %swap3A_82 : vector<1x1x16xf32> to vector<16xf32>
        %swap3A_84 = vector.shape_cast %add3A_45 : vector<16xf32> to vector<1x1x16xf32>
        tpu.vector_store %arg11[%swap3A_79, %swap3A_80, %swap3A_81], %swap3A_84 {strides = array<i32>} : memref<1x8x768xf32, #tpu.memory_space<vmem>>, vector<1x1x16xf32>,
        %swap3A_85 = arith.constant 0 : i32
        %swap3A_86 = arith.constant 5 : i32
        %swap3A_87 = arith.index_cast %swap3A_85 : i32 to index
        %swap3A_88 = arith.index_cast %swap3A_86 : i32 to index
        %swap3A_89 = arith.index_cast %mul3A_35 : i32 to index
        %swap3A_90 = tpu.vector_load %arg11[%swap3A_87, %swap3A_88, %swap3A_89] {strides = array<i32>} : memref<1x8x768xf32, #tpu.memory_space<vmem>>, vector<1x1x16xf32>,
        %swap3A_91 = vector.shape_cast %swap3A_90 : vector<1x1x16xf32> to vector<16xf32>
        %swap3A_92 = vector.shape_cast %add3A_45 : vector<16xf32> to vector<1x1x16xf32>
        tpu.vector_store %arg11[%swap3A_87, %swap3A_88, %swap3A_89], %swap3A_92 {strides = array<i32>} : memref<1x8x768xf32, #tpu.memory_space<vmem>>, vector<1x1x16xf32>,
        %swap3A_93 = arith.constant 0 : i32
        %swap3A_94 = arith.constant 6 : i32
        %swap3A_95 = arith.index_cast %swap3A_93 : i32 to index
        %swap3A_96 = arith.index_cast %swap3A_94 : i32 to index
        %swap3A_97 = arith.index_cast %mul3A_35 : i32 to index
        %swap3A_98 = tpu.vector_load %arg11[%swap3A_95, %swap3A_96, %swap3A_97] {strides = array<i32>} : memref<1x8x768xf32, #tpu.memory_space<vmem>>, vector<1x1x16xf32>,
        %swap3A_99 = vector.shape_cast %swap3A_98 : vector<1x1x16xf32> to vector<16xf32>
        %swap3A_100 = vector.shape_cast %add3A_45 : vector<16xf32> to vector<1x1x16xf32>
        tpu.vector_store %arg11[%swap3A_95, %swap3A_96, %swap3A_97], %swap3A_100 {strides = array<i32>} : memref<1x8x768xf32, #tpu.memory_space<vmem>>, vector<1x1x16xf32>,
        %swap3A_101 = arith.constant 0 : i32
        %swap3A_102 = arith.constant 7 : i32
        %swap3A_103 = arith.index_cast %swap3A_101 : i32 to index
        %swap3A_104 = arith.index_cast %swap3A_102 : i32 to index
        %swap3A_105 = arith.index_cast %mul3A_35 : i32 to index
        %swap3A_106 = tpu.vector_load %arg11[%swap3A_103, %swap3A_104, %swap3A_105] {strides = array<i32>} : memref<1x8x768xf32, #tpu.memory_space<vmem>>, vector<1x1x16xf32>,
        %swap3A_107 = vector.shape_cast %swap3A_106 : vector<1x1x16xf32> to vector<16xf32>
        %swap3A_108 = vector.shape_cast %add3A_45 : vector<16xf32> to vector<1x1x16xf32>
        tpu.vector_store %arg11[%swap3A_103, %swap3A_104, %swap3A_105], %swap3A_108 {strides = array<i32>} : memref<1x8x768xf32, #tpu.memory_space<vmem>>, vector<1x1x16xf32>,
        %scan3A_109 = arith.constant 0 : i32
        scf.yield %scan3A_109 : i32
      }
      %scan3A_17 = arith.constant 48 : i32
      %dma_start3A = arith.constant 0 : i32
      %dma_start3A_18 = arith.constant 0 : i32
      %dma_start3A_19 = arith.constant 0 : i32
      %dma_start3A_20 = tpu.memref_slice %arg5[%dma_start3A, %dma_start3A_18, %dma_start3A_19] : memref<197x8x768xf32, #tpu.memory_space<hbm>> -> memref<1x8x768xf32, #tpu.memory_space<hbm>>
      %dma_start3A_21 = arith.constant 0 : i32
      %dma_start3A_22 = arith.constant 0 : i32
      %dma_start3A_23 = arith.constant 0 : i32
      %dma_start3A_24 = tpu.memref_slice %arg5[%dma_start3A_21, %dma_start3A_22, %dma_start3A_23] : memref<197x8x768xf32, #tpu.memory_space<hbm>> -> memref<1x8x768xf32, #tpu.memory_space<hbm>>
      tpu.enqueue_dma source(%arg11 : memref<1x8x768xf32, #tpu.memory_space<vmem>>) target(%dma_start3A_24 : memref<1x8x768xf32, #tpu.memory_space<hbm>>) target_semaphore(%arg14 : memref<!tpu.dma_semaphore, #tpu.memory_space<semaphore_mem>>)
      %dma_wait3A = arith.constant 0 : i32
      %dma_wait3A_25 = arith.constant 0 : i32
      %dma_wait3A_26 = arith.constant 0 : i32
      %dma_wait3A_27 = tpu.memref_slice %arg5[%dma_wait3A, %dma_wait3A_25, %dma_wait3A_26] : memref<197x8x768xf32, #tpu.memory_space<hbm>> -> memref<1x8x768xf32, #tpu.memory_space<hbm>>
      %dma_wait3A_28 = arith.constant 0 : i32
      %dma_wait3A_29 = arith.constant 0 : i32
      %dma_wait3A_30 = arith.constant 0 : i32
      %dma_wait3A_31 = tpu.memref_slice %arg5[%dma_wait3A_28, %dma_wait3A_29, %dma_wait3A_30] : memref<197x8x768xf32, #tpu.memory_space<hbm>> -> memref<1x8x768xf32, #tpu.memory_space<hbm>>
      tpu.wait_dma2 semaphore(%arg14 : memref<!tpu.dma_semaphore, #tpu.memory_space<semaphore_mem>>) src(%arg11 : memref<1x8x768xf32, #tpu.memory_space<vmem>>) dst(%dma_wait3A_31 : memref<1x8x768xf32, #tpu.memory_space<hbm>>)
    } else {
    }
    return
  }
}

module attributes {stable_mosaic.version = 14 : i64} {
  func.func @_tc_body(%arg0: i32, %arg1: memref<196x8x768xf32, #tpu.memory_space<vmem>>, %arg2: memref<1x768xf32, #tpu.memory_space<vmem>>, %arg3: memref<197x768xf32, #tpu.memory_space<vmem>>, %arg4: memref<197x8x768xf32, #tpu.memory_space<vmem>>) attributes {dimension_semantics = [#tpu.dimension_semantics<parallel>], iteration_bounds = array<i64: 7>, scalar_prefetch = 0 : i64, scratch_operands = 0 : i64, tpu.core_type = #tpu.core_type<tc>, window_params = [{transform_indices = @transform_0, window_bounds = array<i64: 196, 8, 768>}, {pipeline_mode = #tpu.pipeline_mode<synchronous>, transform_indices = @transform_1, window_bounds = array<i64: 1, 768>}, {pipeline_mode = #tpu.pipeline_mode<synchronous>, transform_indices = @transform_2, window_bounds = array<i64: 197, 768>}, {transform_indices = @transform_3, window_bounds = array<i64: 197, 8, 768>}]} {
    %get3A = arith.constant 0 : index
    %get3A_0 = arith.constant 0 : index
    %get3A_1 = arith.constant 0 : index
    %get3A_2 = vector.load %arg1[%get3A, %get3A_0, %get3A_1] : memref<196x8x768xf32, #tpu.memory_space<vmem>>, vector<196x8x768xf32>
    %get3A_3 = arith.constant 1 : index
    %get3A_4 = arith.constant 0 : index
    %get3A_5 = vector.load %arg3[%get3A_3, %get3A_4] : memref<197x768xf32, #tpu.memory_space<vmem>>, vector<196x768xf32>
    %broadcast_in_dim3A = vector.shape_cast %get3A_5 : vector<196x768xf32> to vector<196x1x768xf32>
    %add3A = vector.broadcast %broadcast_in_dim3A : vector<196x1x768xf32> to vector<196x8x768xf32>
    %add3A_6 = arith.addf %get3A_2, %add3A : vector<196x8x768xf32>
    %swap3A = arith.constant 1 : index
    %swap3A_7 = arith.constant 0 : index
    %swap3A_8 = arith.constant 0 : index
    %swap3A_9 = vector.load %arg4[%swap3A, %swap3A_7, %swap3A_8] : memref<197x8x768xf32, #tpu.memory_space<vmem>>, vector<196x8x768xf32>
    tpu.vector_store %arg4[%swap3A, %swap3A_7, %swap3A_8], %add3A_6 {strides = array<i32>} : memref<197x8x768xf32, #tpu.memory_space<vmem>>, vector<196x8x768xf32>,
    %get3A_10 = arith.constant 0 : index
    %get3A_11 = arith.constant 0 : index
    %get3A_12 = vector.load %arg2[%get3A_10, %get3A_11] : memref<1x768xf32, #tpu.memory_space<vmem>>, vector<1x768xf32>
    %get3A_13 = arith.constant 0 : index
    %get3A_14 = arith.constant 0 : index
    %get3A_15 = vector.load %arg3[%get3A_13, %get3A_14] : memref<197x768xf32, #tpu.memory_space<vmem>>, vector<1x768xf32>
    %add3A_16 = arith.addf %get3A_12, %get3A_15 : vector<1x768xf32>
    %broadcast_in_dim3A_17 = vector.shape_cast %add3A_16 : vector<1x768xf32> to vector<1x1x768xf32>
    %broadcast_in_dim3A_18 = vector.shape_cast %broadcast_in_dim3A_17 : vector<1x1x768xf32> to vector<1x1x768xf32>
    %broadcast_in_dim3A_19 = vector.broadcast %broadcast_in_dim3A_18 : vector<1x1x768xf32> to vector<1x8x768xf32>
    %swap3A_20 = arith.constant 0 : index
    %swap3A_21 = arith.constant 0 : index
    %swap3A_22 = arith.constant 0 : index
    %swap3A_23 = vector.load %arg4[%swap3A_20, %swap3A_21, %swap3A_22] : memref<197x8x768xf32, #tpu.memory_space<vmem>>, vector<1x8x768xf32>
    tpu.vector_store %arg4[%swap3A_20, %swap3A_21, %swap3A_22], %broadcast_in_dim3A_19 {strides = array<i32>} : memref<197x8x768xf32, #tpu.memory_space<vmem>>, vector<1x8x768xf32>,
    return
  }
  func.func @transform_0(%arg0: i32) -> (i32, i32, i32) {
    %c0_i32 = arith.constant 0 : i32
    %c0_i32_0 = arith.constant 0 : i32
    %c0_i32_1 = arith.constant 0 : i32
    return %c0_i32, %arg0, %c0_i32_0 : i32, i32, i32
  }
  func.func @transform_1(%arg0: i32) -> (i32, i32) {
    %c0_i32 = arith.constant 0 : i32
    %c0_i32_0 = arith.constant 0 : i32
    %c0_i32_1 = arith.constant 0 : i32
    return %c0_i32, %c0_i32_0 : i32, i32
  }
  func.func @transform_2(%arg0: i32) -> (i32, i32) {
    %c0_i32 = arith.constant 0 : i32
    %c0_i32_0 = arith.constant 0 : i32
    %c0_i32_1 = arith.constant 0 : i32
    return %c0_i32, %c0_i32_0 : i32, i32
  }
  func.func @transform_3(%arg0: i32) -> (i32, i32, i32) {
    %c0_i32 = arith.constant 0 : i32
    %c0_i32_0 = arith.constant 0 : i32
    %c0_i32_1 = arith.constant 0 : i32
    return %c0_i32, %arg0, %c0_i32_0 : i32, i32, i32
  }
}

</mosaic_0001>

<sc_bundles>
// kernel: kernel.4.cloned.1.call-start
scs
__scs_entry_jumppad:
0x0: {  	(pc) =	sbr.rel $0x88, $3  }
0x1: {  	(tag) =	ssettag $0x0;
	lr =	simm.s32 $0x1  }
0x2: {  	[smem:$0x3F9E] =	sst lr;
	_ =	strace $0xD0000000  }
0x3: {  	_ = 	snop  }
0x4: {  	_ = 	snop  }
0x5: {  	_ = 	snop  }
0x6: {  	_ = 	snop  }
0x7: {  	_ = 	snop  }
__scs_overlays_trampoline_lowered:
0x8: {  	[smem:$0x3FAD] =	sst s0  }
0x9: {  	[smem:$0x3FAE] =	sst s1  }
0xa: {  	[smem:$0x3FAF] =	sst s2  }
0xb: {  	[smem:$0x3FB0] =	sst s3  }
0xc: {  	[smem:$0x3FB1] =	sst s4  }
0xd: {  	[smem:$0x3FB2] =	sst s5  }
0xe: {  	[smem:$0x3FB3] =	sst s6  }
0xf: {  	[smem:$0x3FB4] =	sst s7  }
0x10: {  	[smem:$0x3FB5] =	sst s8  }
0x11: {  	[smem:$0x3FB6] =	sst s9;
	s0 =	simm.s32 @!p0 $0x0  }
0x12: {  	s1 =	sld [smem:$0x3F9C];
	s0 =	simm.s32 @p0 $0x1  }
0x13: {  	[smem:$0x3FB7] =	sst s0;
	s0 =	simm.s32 @!p1 $0x0  }
0x14: {  	s2 =	sld [smem:$0x3F9B];
	s0 =	simm.s32 @p1 $0x1  }
0x15: {  	[smem:$0x3FB8] =	sst s0;
	s0 =	simm.s32 @!p2 $0x0  }
0x16: {  	s3 =	sld [smem:$0x3FDB];
	s0 =	simm.s32 @p2 $0x1  }
0x17: {  	s4 =	simm.s32 $0x1BF5;
	[smem:$0x3FBA] =	sst s0  }
0x18: {  	s0 =	sld [smem:$0x3F9D];
	_ =	swait.ge [sflag:s4], $0x0  }
0x19: {  	s7 =	sld [smem:$0x3F9E]  }
0x1a: {  	s8 =	sadd.s32 $0xFFFFE003, lr  }
0x1b: {  	s9 =	sadd.s32 $0xFFFFFEF7, lr;
	s5 =	simm.s32 $0xFFFFFFFF;
	p2 =	slt.u32 s8, $0xFFFFF086  }
0x1c: {  	p1 =	slt.u32 s9, $0xF7A;
	s5 =	simm.s32 @!p2 $0x0  }
0x1d: {  	s5 =	simm.s32 @p1 $0x1;
	p0 =	seq.s32 s7, s2  }
0x1e: {  	s7 =	smul.u32 @!p0 $0xF7A, s2;
	p2 =	seq.s32 @!p0 s5, $0x0  }
0x1f: {  	s9 =	smul.u32 $0xF7A, s1;
	s8 =	simm.s32 @!p0 $0x1BF5;
	p2 =	por !p2, p0  }
0x20: {  	[sflag:s8] =	ssyncset.s32 @!p0 $0xFFFFF086;
	s6 =	sadd.s32 @!p0 s3, s7;
	s7 =	simm.s32 @!p0 $0x108  }
0x21: {  	s3 =	sadd.s32 s3, s9;
	s6 =	sadd.s32 @!p0 $0x88, s6;
	s7 =	simm.s32 @p2 $0x1082  }
0x22: {  	[simem:s7], [sflag:s8] =	dma.local @!p0 [hbm:s6], $0xF7A  }
0x23: {  	s9 =	sor.u32 $0xD0000000, s2;
	s6 =	simm.s32 $0x108;
	_ =	swait.ge @!p0 [sflag:s8], $0x0  }
0x24: {  	s3 =	sadd.s32 $0x88, s3;
	s6 =	simm.s32 @!p1 $0x1082;
	[sflag:s4] =	ssyncset.s32 $0xFFFFF086  }
0x25: {  	[simem:s6], [sflag:s4] =	dma.local [hbm:s3], $0xF7A  }
0x26: {  	[smem:$0x3F9E] =	sst s1;
	(tag) =	ssettag s2;
	_ =	strace s9  }
0x27: {  	s1 =	sld [smem:$0x3FAE]  }
0x28: {  	s2 =	sld [smem:$0x3FAF]  }
0x29: {  	s4 =	sld [smem:$0x3FB1]  }
0x2a: {  	p0 =	seq.s32 s5, $0x0;
	s5 =	sld [smem:$0x3FB2]  }
0x2b: {  	s6 =	sld [smem:$0x3FB3]  }
0x2c: {  	s7 =	sld [smem:$0x3FB4]  }
0x2d: {  	s3 =	simm.s32 $0x108;
	s8 =	sld [smem:$0x3FB5]  }
0x2e: {  	s3 =	simm.s32 @!p0 $0x1082;
	s9 =	sld [smem:$0x3FB6]  }
0x2f: {  	lr =	sadd.s32 s0, s3;
	s0 =	sld [smem:$0x3FAD]  }
0x30: {  	s3 =	sld [smem:$0x3FB0]  }
0x31: {  	[smem:$0x3FB9] =	sst s10  }
0x32: {  	s10 =	sld [smem:$0x3FB7];
	_ =	sdelay $0x3  }
0x33: {  	p0 =	seq.s32 s10, $0x1;
	s10 =	sld [smem:$0x3FB9];
	_ =	sdelay $0x3  }
0x34: {  	[smem:$0x3FB9] =	sst s10  }
0x35: {  	s10 =	sld [smem:$0x3FB8];
	_ =	sdelay $0x3  }
0x36: {  	p1 =	seq.s32 s10, $0x1;
	s10 =	sld [smem:$0x3FB9];
	_ =	sdelay $0x3  }
0x37: {  	[smem:$0x3FB9] =	sst s10  }
0x38: {  	s10 =	sld [smem:$0x3FBA]  }
0x39: {  	_ = 	snop;
	(pc) =	sbr.ind lr, $3  }
0x3a: {  	_ = 	snop  }
0x3b: {  	_ = 	snop  }
0x3c: {  	p2 =	seq.s32 s10, $0x1;
	s10 =	sld [smem:$0x3FB9]  }
0x3d: {  	_ =	shalt  }
0x3e: {  	_ =	shalt  }
0x3f: {  	_ =	shalt  }
0x40: {  	_ =	shalt  }
0x41: {  	_ =	shalt  }
0x42: {  	_ =	shalt  }
0x43: {  	_ =	shalt  }
0x44: {  	_ =	shalt  }
0x45: {  	_ =	shalt  }
0x46: {  	_ =	shalt  }
0x47: {  	_ =	shalt  }
0x48: {  	_ =	shalt  }
0x49: {  	_ =	shalt  }
0x4a: {  	_ =	shalt  }
0x4b: {  	_ =	shalt  }
0x4c: {  	_ =	shalt  }
0x4d: {  	_ =	shalt  }
0x4e: {  	_ =	shalt  }
0x4f: {  	_ =	shalt  }
0x50: {  	_ =	shalt  }
0x51: {  	_ =	shalt  }
0x52: {  	_ =	shalt  }
0x53: {  	_ =	shalt  }
0x54: {  	_ =	shalt  }
0x55: {  	_ =	shalt  }
0x56: {  	_ =	shalt  }
0x57: {  	_ =	shalt  }
0x58: {  	_ =	shalt  }
0x59: {  	_ =	shalt  }
0x5a: {  	_ =	shalt  }
0x5b: {  	_ =	shalt  }
0x5c: {  	_ =	shalt  }
0x5d: {  	_ =	shalt  }
0x5e: {  	_ =	shalt  }
0x5f: {  	_ =	shalt  }
0x60: {  	_ =	shalt  }
0x61: {  	_ =	shalt  }
0x62: {  	_ =	shalt  }
0x63: {  	_ =	shalt  }
0x64: {  	_ =	shalt  }
0x65: {  	_ =	shalt  }
0x66: {  	_ =	shalt  }
0x67: {  	_ =	shalt  }
0x68: {  	_ =	shalt  }
0x69: {  	_ =	shalt  }
0x6a: {  	_ =	shalt  }
0x6b: {  	_ =	shalt  }
0x6c: {  	_ =	shalt  }
0x6d: {  	_ =	shalt  }
0x6e: {  	_ =	shalt  }
0x6f: {  	_ =	shalt  }
0x70: {  	_ =	shalt  }
0x71: {  	_ =	shalt  }
0x72: {  	_ =	shalt  }
0x73: {  	_ =	shalt  }
0x74: {  	_ =	shalt  }
0x75: {  	_ =	shalt  }
0x76: {  	_ =	shalt  }
0x77: {  	_ =	shalt  }
0x78: {  	_ =	shalt  }
0x79: {  	_ =	shalt  }
0x7a: {  	_ =	shalt  }
0x7b: {  	_ =	shalt  }
0x7c: {  	_ =	shalt  }
0x7d: {  	_ =	shalt  }
0x7e: {  	_ =	shalt  }
0x7f: {  	_ =	shalt  }
0x80: {  	_ =	shalt  }
0x81: {  	_ =	shalt  }
0x82: {  	_ =	shalt  }
0x83: {  	_ =	shalt  }
0x84: {  	_ =	shalt  }
0x85: {  	_ =	shalt  }
0x86: {  	_ =	shalt  }
0x87: {  	_ =	shalt  }
.Lfunc_end0:
.L_simem_size_0:
called_computation_lowered:
.L_overlay_start_0:
0x88: {  	s2 =	sld [smem:$0x3FD9]  }
0x89: {  	s3 =	sld [smem:$0x3FFE];
	_ =	sdelay $0x1  }
0x8a: {  	s1 =	srdreg.scid  }
0x8b: {  	s0 =	sand.u32 $0x1, s1  }
0x8c: {  	s17 =	sshll.u32 s0, $0xA;
	s2 =	sadd.s32 s3, s2  }
0x8d: {  	s2 =	sadd.s32 s2, s17  }
0x8e: {  	[smem:$0x3FC5] =	sst s2  }
0x8f: {  	_ = 	snop  }
0x90: {  	s2 =	sld [smem:$0x3FC9]  }
0x91: {  	s18 =	sld [smem:$0x3FC8]  }
0x92: {  	s4 =	sld [smem:$0x3FC7];
	(tm) =	ssettm $0x1  }
0x93: {  	s5 =	sld [smem:$0x3FFB];
	_ =	sdelay $0x3  }
0x94: {  	_ =	strace s5  }
0x95: {  	s5 =	sld [smem:$0x3FFC];
	_ =	sdelay $0x3  }
0x96: {  	_ =	strace s5  }
0x97: {  	s5 =	sld [smem:$0x3FFD];
	_ =	sdelay $0x3  }
0x98: {  	_ =	strace s5  }
0x99: {  	_ =	strace $0x8FFFFFFF  }
0x9a: {  	s19 =	sld [smem:$0x3FDB];
	_ =	sdelay $0x1  }
0x9b: {  	s6 =	simm.s32 $_scs_section_size  }
0x9c: {  	s7 =	simm.s32 $_size__tile_overlayer_lowered;
	s8 =	simm.s32 $_tile_overlayer_lowered  }
0x9d: {  	s22 =	simm.s32 $0x1BFF;
	s21 =	sshll.u32 s8, $0x1;
	s5 =	sadd.s32 s6, s19  }
0x9e: {  	s9 =	simm.s32 $0x0;
	s20 =	sshll.u32 s7, $0x1;
	s7 =	sadd.s32 s21, s5  }
0x9f: {  	[timem:s9], [sflag:s22] =	dma.local [hbm:s7], s20  }
0xa0: {  	_ =	swait.ge [sflag:s22], s20  }
0xa1: {  	s6 =	ssub.s32 $0x0, s20;
	[sflag:s22] =	ssyncset.done $0x0  }
0xa2: {  	[sflag:s22] =	ssyncadd.s32 s6;
	_ =	sdelay $0x1  }
0xa3: {  	s23 =	simm.s32 $0x1B8B  }
0xa4: {  	_ =	swait.ge [sflag:s23], $0x1  }
0xa5: {  	[sflag:s23] =	ssyncset.done $0x0  }
0xa6: {  	s25 =	simm.s32 $0x1B8E;
	s24 =	sld [smem:$0x3FFE];
	[sflag:s23] =	ssyncadd.s32 $0xFFFFFFFF  }
0xa7: {  	s26 =	simm.s32 $execute0_lowered;
	[smem:$0x3FD2] =	sst s25  }
0xa8: {  	s7 =	sshll.u32 s26, $0x1;
	_ =	strace $0x80000046;
	[dreg:$0x1] =	wrdreg $0xFFFFFFFF  }
0xa9: {  	s28 =	simm.s32 $_size_execute0_lowered;
	s5 =	sadd.s32 s5, s7;
	[dreg:$0x0] =	wrdreg $0x0  }
0xaa: {  	s7 =	sshll.u32 s28, $0x1;
	[dreg:$0x2] =	wrdreg s5  }
0xab: {  	[dreg:$0x3] =	wrdreg s7  }
0xac: {  	[dreg:$0x4] =	wrdreg $0xC0  }
0xad: {  	_ =	task [dreg:s9], $0x5FFFF  }
0xae: {  	[dreg:$0x1] =	wrdreg $0xFFFFFFFF  }
0xaf: {  	[dreg:$0x0] =	wrdreg $0x60  }
0xb0: {  	[dreg:$0x2] =	wrdreg s2  }
0xb1: {  	[dreg:$0x3] =	wrdreg s18  }
0xb2: {  	[dreg:$0x4] =	wrdreg s4  }
0xb3: {  	[dreg:$0x5] =	wrdreg s24  }
0xb4: {  	[dreg:$0x6] =	wrdreg $0x9  }
0xb5: {  	_ =	task.clear_ibuf [dreg:s9], $0x7FFFF;
	_ =	strace $0x90000046  }
0xb6: {  	s29 =	simm.s32 $0x9;
	_ =	strace $0x80000048  }
0xb7: {  	_ =	swait.ge [sflag:s29], $0x1  }
0xb8: {  	[sflag:s29] =	ssyncadd.s32 $0xFFFFFFFF  }
0xb9: {  	_ =	strace $0x90000048  }
0xba: {  	_ =	sfence  }
0xbb: {  	s30 =	sld [smem:$0x0];
	_ =	sdelay $0x2  }
0xbc: {  	s31 =	sshll.u32 s1, $0xD;
	s1 =	sshrl.u32 s1, $0x2  }
0xbd: {  	s3 =	sand.u32 $0x4000, s31;
	s1 =	sadd.s32 s1, s30  }
0xbe: {  	s0 =	sor.u32 s3, s0;
	s1 =	sshll.u32 s1, $0x11  }
0xbf: {  	s0 =	sor.u32 s1, s0  }
0xc0: {  	s0 =	sadd.s32 $0x8F2B, s0  }
0xc1: {  	[sflag:s0] =	ssyncadd.remote.s32 $0x1  }
0xc2: {  	_ =	sfence.sel $0xFFFF  }
0xc3: {  	[dreg:$0x0] =	wrdreg $0xFFFFFFFF;
	(pc) =	sbr.abs _section_cstart, $3  }
0xc4: {  	[dreg:$0x1] =	wrdreg $0xFFFFFFFF  }
0xc5: {  	_ =	task.clear_ibuf [dreg:s9], $0x2FFFF;
	_ =	strace $0x9FFFFFFF  }
0xc6: {  	(tm) =	ssettm $0x7FFFFFFF  }
0xc7: {  	_ =	shalt  }
tec
execute0_lowered:
.L_overlay_start_1:
0x0: {  	(tag) =	ssettag $0x1  }
0x1: {  	s12 =	rddreg [dreg:$0x0]  }
0x2: {  	s1 =	rddreg [dreg:$0x1]  }
0x3: {  	s2 =	srdreg.scid;
	s3 =	rddreg [dreg:$0x2]  }
0x4: {  	s0 =	stileid.u32;
	s13 =	rddreg [dreg:$0x3];
	s4 =	simm.s32 $0x0  }
0x5: {  	s5 =	sand.u32 $0x1, s2;
	s20 =	sshll.u32 s0, $0x1;
	[smem:$0x7FF] =	sst s4  }
0x6: {  	s17 =	sor.u32 s5, s20;
	_ =	strace $0x80000047;
	s7 =	ssub.s32 $0x2, s5  }
0x7: {  	s5 =	sadd.s32 $0x800, s13;
	s13 =	sadd.s32 $0x24200, s13;
	s6 =	smul.u32 $0x7, s17  }
0x8: {  	s21 =	sshrl.u32 s7, $0x1;
	s10 =	smul.u32 $0x54000, s17;
	p0 =	sgt.u32 s17, $0x1A  }
0x9: {  	p1 =	seq.s32 s17, $0x1C;
	p2 =	sne.s32 s17, $0x1B;
	s17 =	simm.s32 $0x1800  }
0xa: {  	s14 =	ssub.s32 s7, s21;
	s9 =	sadd.s32 $0x1, s6;
	s23 =	sshrl.u32 s10, $0x3  }
0xb: {  	s14 =	smax.u32 s14, $0x1;
	s8 =	sshrl.u32 s9, $0x3;
	s11 =	sand.u32 $0x7, s9  }
0xc: {  	s24 =	sshll.u32 s9, $0x7;
	s7 =	sadd.s32 s12, s23;
	s9 =	smul.u32 $0x300, s9  }
0xd: {  	s12 =	sadd.s32 $0x11CD00, s12;
	s22 =	smul.u32 $0x300, s8;
	s8 =	sand.u32 $0x380, s24  }
0xe: {  	s7 =	sadd.s32 $0x1500, s7;
	s25 =	sadd.s32 $0x1, s11;
	s16 =	sadd.s32 $0x2, s11  }
0xf: {  	s19 =	sadd.s32 $0x3, s11;
	s23 =	sadd.s32 $0x4, s11;
	s8 =	sor.u32 $0xA800, s8  }
0x10: {  	s15 =	sshrl.u32 s25, $0x3;
	s10 =	sshll.u32 s25, $0x7;
	s18 =	sshrl.u32 s16, $0x3  }
0x11: {  	s20 =	sshrl.u32 s19, $0x3;
	s16 =	sshll.u32 s16, $0x7;
	s28 =	sshll.u32 s19, $0x7  }
0x12: {  	s24 =	sshrl.u32 s23, $0x3;
	s25 =	sadd.s32 $0x5, s11;
	s11 =	sadd.s32 $0x6, s11  }
0x13: {  	s9 =	sadd.s32 s5, s9;
	s19 =	simm.s32 $0x1;
	s15 =	smul.u32 $0x6000, s15  }
0x14: {  	s6 =	sadd.s32 s3, s22;
	s10 =	sand.u32 $0x380, s10;
	s18 =	smul.u32 $0x6000, s18  }
0x15: {  	s20 =	smul.u32 $0x6000, s20;
	s26 =	sand.u32 $0x380, s16;
	s22 =	sshrl.u32 s11, $0x3  }
0x16: {  	s16 =	sand.u32 $0x380, s28;
	s11 =	sshll.u32 s11, $0x7;
	s22 =	smul.u32 $0x6000, s22  }
0x17: {  	s11 =	sand.u32 $0x380, s11;
	s15 =	sshrl.u32 s15, $0x2;
	s18 =	sshrl.u32 s18, $0x2  }
0x18: {  	s29 =	sshrl.u32 s20, $0x2;
	s10 =	sor.u32 s10, s15;
	s30 =	sor.u32 s26, s18  }
0x19: {  	s31 =	sor.u32 s16, s29;
	s15 =	smul.u32 $0x6000, s24;
	s26 =	sshrl.u32 s25, $0x3  }
0x1a: {  	s16 =	sshll.u32 s25, $0x7;
	s20 =	sadd.s32 $0xA800, s10;
	s2 =	sadd.s32 $0xA800, s30  }
0x1b: {  	s21 =	sadd.s32 $0xA800, s31;
	s10 =	sshll.u32 s23, $0x7;
	s18 =	smul.u32 $0x6000, s26  }
0x1c: {  	s28 =	sand.u32 $0x380, s16;
	s30 =	sshrl.u32 s22, $0x2;
	s16 =	simm.s32 $0x3  }
0x1d: {  	s22 =	simm.s32 $0xD800;
	s10 =	sand.u32 $0x380, s10;
	s15 =	sshrl.u32 s15, $0x2  }
.Ltmp0:
0x1e: {  	s11 =	sor.u32 s11, s30;
	v0 =	vmov s20;
	s20 =	simm.s32 $0x2;
	(pc) =	sbr.rel .LBB2_1-.Ltmp0, $4  }
0x1f: {  	v2 =	vmov s21;
	s21 =	simm.s32 $0xF300;
	s10 =	sor.u32 s10, s15;
	s29 =	sshrl.u32 s18, $0x2  }
0x20: {  	s24 =	sadd.s32 $0xA800, s11;
	s11 =	sadd.s32 $0x4800, s3;
	s15 =	sor.u32 s28, s29  }
0x21: {  	v1 =	vmov s2;
	s18 =	simm.s32 $0xC000;
	s31 =	sadd.s32 $0xA800, s10;
	s23 =	sadd.s32 $0xA800, s15  }
0x22: {  	s10 =	sadd.s32 $0x4500, s3;
	v5 =	vmov s24;
	s15 =	simm.s32 $0xA800;
	v3 =	vmov s31;
	v4 =	vmov s23;
	s23 =	simm.s32 $0x0  }
.LBB2_13:
0x23: {  	s23 =	sadd.s32 $0x1, s23  }
0x24: {  	p3 =	sne.s32 s23, s14  }
.Ltmp1:
0x25: {  	_ = 	snop;
	(pc) =	sbr.rel @!p3 .LBB2_14-.Ltmp1, $1  }
0x26: {  	_ =	sdelay $0x3  }
.LBB2_1:
.Ltmp2:
0x27: {  	(pc) =	sbr.rel @p0 .LBB2_5-.Ltmp2, $1  }
0x28: {  	_ =	sdelay $0x3  }
0x29: {  	s24 =	simm.s32 $0x0  }
0x2a: {  	[tilespmem:s15], [sflag:$0x3] =	stream.linear.gather [hbm4b:s6+s24], $0x3000, $0x38;
	[tilespmem:$0x10B00] =	vst v63  }
0x2b: {  	_ =	swait.ge [sflag:s16], $0x3000  }
0x2c: {  	[sflag:s16] =	ssyncset.done $0x0  }
0x2d: {  	[sflag:s16] =	ssyncadd.s32 $0xFFFFD000  }
0x2e: {  	[tilespmem:s24], [sflag:$0x1] =	stream.strided.gather [hbm4b:s7+s17], $0xA800, s18, s17, $0x38;
	[tilespmem:$0x10B00] =	vst v63  }
0x2f: {  	_ =	swait.ge [sflag:s19], $0xA800  }
0x30: {  	[sflag:s19] =	ssyncset.done $0x0  }
0x31: {  	s25 =	simm.s32 $0x0;
	[sflag:s19] =	ssyncadd.s32 $0xFFFF5800  }
.LBB2_3:
0x32: {  	s26 =	sand.u32 $0x1C00, s24;
	s28 =	sand.u32 $0x70, s25  }
0x33: {  	s29 =	sadd.s32 s26, s8;
	s26 =	sor.u32 s28, s26  }
0x34: {  	s29 =	sadd.s32 s28, s29;
	v7 =	vld [tilespmem:s26+$0x0]  }
0x35: {  	v6 =	vld [tilespmem:s29+$0x0]  }
0x36: {  	v8 =	vld [tilespmem:s26+$0x80]  }
0x37: {  	v9 =	vld [tilespmem:s26+$0x100]  }
0x38: {  	v10 =	vld [tilespmem:s26+$0x180]  }
0x39: {  	v11 =	vld [tilespmem:s26+$0x200]  }
0x3a: {  	v12 =	vld [tilespmem:s26+$0x280];
	v7 =	vadd.f32 v7, v6  }
0x3b: {  	v13 =	vld [tilespmem:s26+$0x300];
	v8 =	vadd.f32 v8, v6  }
0x3c: {  	[tilespmem:s26+$0x0] =	vst v7;
	v7 =	vadd.f32 v9, v6  }
0x3d: {  	v56 =	vadd.f32 v10, v6;
	[tilespmem:s26+$0x80] =	vst v8  }
0x3e: {  	[tilespmem:s26+$0x100] =	vst v7;
	v7 =	vadd.f32 v11, v6  }
0x3f: {  	v57 =	vadd.f32 v12, v6;
	[tilespmem:s26+$0x180] =	vst v56  }
0x40: {  	[tilespmem:s26+$0x200] =	vst v7;
	v7 =	vadd.f32 v13, v6  }
0x41: {  	s31 =	sor.u32 s24, s25;
	[tilespmem:s26+$0x280] =	vst v57  }
0x42: {  	s28 =	sor.u32 $0x380, s31;
	[tilespmem:s26+$0x300] =	vst v7  }
0x43: {  	v7 =	vld [tilespmem:s28+$0x0];
	_ =	sdelay $0x4  }
0x44: {  	v6 =	vadd.f32 v7, v6;
	_ =	sdelay $0x1  }
0x45: {  	[tilespmem:s28+$0x0] =	vst v6  }
0x46: {  	v6 =	vld.idx.msk [tilespmem:v0+s26+$0x0 ss:$0x1], $0xffff  }
0x47: {  	v7 =	vld [tilespmem:s26+$0x1800]  }
0x48: {  	v58 =	vld [tilespmem:s26+$0x1880]  }
0x49: {  	v59 =	vld [tilespmem:s26+$0x1900]  }
0x4a: {  	v60 =	vld [tilespmem:s26+$0x1980]  }
0x4b: {  	v61 =	vld [tilespmem:s26+$0x1A00]  }
0x4c: {  	v62 =	vld [tilespmem:s26+$0x1A80];
	v7 =	vadd.f32 v7, v6  }
0x4d: {  	v63 =	vld [tilespmem:s26+$0x1B00];
	v8 =	vadd.f32 v58, v6  }
0x4e: {  	v16 =	vld [tilespmem:s26+$0x1B80];
	[tilespmem:s26+$0x1800] =	vst v7;
	v7 =	vadd.f32 v59, v6  }
0x4f: {  	v17 =	vadd.f32 v60, v6;
	[tilespmem:s26+$0x1880] =	vst v8  }
0x50: {  	[tilespmem:s26+$0x1900] =	vst v7;
	v7 =	vadd.f32 v61, v6  }
0x51: {  	v18 =	vadd.f32 v62, v6;
	[tilespmem:s26+$0x1980] =	vst v17  }
0x52: {  	[tilespmem:s26+$0x1A00] =	vst v7;
	v7 =	vadd.f32 v63, v6  }
0x53: {  	[tilespmem:s26+$0x1A80] =	vst v18;
	v6 =	vadd.f32 v16, v6  }
0x54: {  	[tilespmem:s26+$0x1B00] =	vst v7  }
0x55: {  	[tilespmem:s26+$0x1B80] =	vst v6;
	v7 =	vld [tilespmem:s26+$0x3000]  }
0x56: {  	v6 =	vld.idx.msk [tilespmem:v1+s26+$0x0 ss:$0x1], $0xffff  }
0x57: {  	v19 =	vld [tilespmem:s26+$0x3080]  }
0x58: {  	v20 =	vld [tilespmem:s26+$0x3100]  }
0x59: {  	v21 =	vld [tilespmem:s26+$0x3180]  }
0x5a: {  	v22 =	vld [tilespmem:s26+$0x3200]  }
0x5b: {  	v23 =	vld [tilespmem:s26+$0x3280];
	v7 =	vadd.f32 v7, v6  }
0x5c: {  	v24 =	vld [tilespmem:s26+$0x3300];
	v8 =	vadd.f32 v19, v6  }
0x5d: {  	v25 =	vld [tilespmem:s26+$0x3380];
	[tilespmem:s26+$0x3000] =	vst v7;
	v7 =	vadd.f32 v20, v6  }
0x5e: {  	v26 =	vadd.f32 v21, v6;
	[tilespmem:s26+$0x3080] =	vst v8  }
0x5f: {  	[tilespmem:s26+$0x3100] =	vst v7;
	v7 =	vadd.f32 v22, v6  }
0x60: {  	v27 =	vadd.f32 v23, v6;
	[tilespmem:s26+$0x3180] =	vst v26  }
0x61: {  	[tilespmem:s26+$0x3200] =	vst v7;
	v7 =	vadd.f32 v24, v6  }
0x62: {  	[tilespmem:s26+$0x3280] =	vst v27;
	v6 =	vadd.f32 v25, v6  }
0x63: {  	[tilespmem:s26+$0x3300] =	vst v7  }
0x64: {  	[tilespmem:s26+$0x3380] =	vst v6;
	v7 =	vld [tilespmem:s26+$0x4800]  }
0x65: {  	v6 =	vld.idx.msk [tilespmem:v2+s26+$0x0 ss:$0x1], $0xffff  }
0x66: {  	v28 =	vld [tilespmem:s26+$0x4880]  }
0x67: {  	v29 =	vld [tilespmem:s26+$0x4900]  }
0x68: {  	v30 =	vld [tilespmem:s26+$0x4980]  }
0x69: {  	v31 =	vld [tilespmem:s26+$0x4A00]  }
0x6a: {  	v32 =	vld [tilespmem:s26+$0x4A80];
	v7 =	vadd.f32 v7, v6  }
0x6b: {  	v33 =	vld [tilespmem:s26+$0x4B00];
	v8 =	vadd.f32 v28, v6  }
0x6c: {  	v34 =	vld [tilespmem:s26+$0x4B80];
	[tilespmem:s26+$0x4800] =	vst v7;
	v7 =	vadd.f32 v29, v6  }
0x6d: {  	v35 =	vadd.f32 v30, v6;
	[tilespmem:s26+$0x4880] =	vst v8  }
0x6e: {  	[tilespmem:s26+$0x4900] =	vst v7;
	v7 =	vadd.f32 v31, v6  }
0x6f: {  	v36 =	vadd.f32 v32, v6;
	[tilespmem:s26+$0x4980] =	vst v35  }
0x70: {  	[tilespmem:s26+$0x4A00] =	vst v7;
	v7 =	vadd.f32 v33, v6  }
0x71: {  	[tilespmem:s26+$0x4A80] =	vst v36;
	v6 =	vadd.f32 v34, v6  }
0x72: {  	[tilespmem:s26+$0x4B00] =	vst v7  }
0x73: {  	[tilespmem:s26+$0x4B80] =	vst v6;
	v7 =	vld [tilespmem:s26+$0x6000]  }
0x74: {  	v6 =	vld.idx.msk [tilespmem:v3+s26+$0x0 ss:$0x1], $0xffff  }
0x75: {  	v37 =	vld [tilespmem:s26+$0x6080]  }
0x76: {  	v38 =	vld [tilespmem:s26+$0x6100]  }
0x77: {  	v39 =	vld [tilespmem:s26+$0x6180]  }
0x78: {  	v40 =	vld [tilespmem:s26+$0x6200]  }
0x79: {  	v41 =	vld [tilespmem:s26+$0x6280];
	v7 =	vadd.f32 v7, v6  }
0x7a: {  	v42 =	vld [tilespmem:s26+$0x6300];
	v8 =	vadd.f32 v37, v6  }
0x7b: {  	v43 =	vld [tilespmem:s26+$0x6380];
	[tilespmem:s26+$0x6000] =	vst v7;
	v7 =	vadd.f32 v38, v6  }
0x7c: {  	v44 =	vadd.f32 v39, v6;
	[tilespmem:s26+$0x6080] =	vst v8  }
0x7d: {  	[tilespmem:s26+$0x6100] =	vst v7;
	v7 =	vadd.f32 v40, v6  }
0x7e: {  	v45 =	vadd.f32 v41, v6;
	[tilespmem:s26+$0x6180] =	vst v44  }
0x7f: {  	[tilespmem:s26+$0x6200] =	vst v7;
	v7 =	vadd.f32 v42, v6  }
0x80: {  	[tilespmem:s26+$0x6280] =	vst v45;
	v6 =	vadd.f32 v43, v6  }
0x81: {  	[tilespmem:s26+$0x6300] =	vst v7  }
0x82: {  	[tilespmem:s26+$0x6380] =	vst v6;
	v7 =	vld [tilespmem:s26+$0x7800]  }
0x83: {  	v6 =	vld.idx.msk [tilespmem:v4+s26+$0x0 ss:$0x1], $0xffff  }
0x84: {  	v46 =	vld [tilespmem:s26+$0x7880]  }
0x85: {  	v47 =	vld [tilespmem:s26+$0x7900]  }
0x86: {  	v48 =	vld [tilespmem:s26+$0x7980]  }
0x87: {  	v49 =	vld [tilespmem:s26+$0x7A00]  }
0x88: {  	v50 =	vld [tilespmem:s26+$0x7A80];
	v7 =	vadd.f32 v7, v6  }
0x89: {  	v51 =	vld [tilespmem:s26+$0x7B00];
	v8 =	vadd.f32 v46, v6  }
0x8a: {  	v52 =	vld [tilespmem:s26+$0x7B80];
	[tilespmem:s26+$0x7800] =	vst v7;
	v7 =	vadd.f32 v47, v6  }
0x8b: {  	v53 =	vadd.f32 v48, v6;
	[tilespmem:s26+$0x7880] =	vst v8  }
0x8c: {  	[tilespmem:s26+$0x7900] =	vst v7;
	v7 =	vadd.f32 v49, v6  }
0x8d: {  	v54 =	vadd.f32 v50, v6;
	[tilespmem:s26+$0x7980] =	vst v53  }
0x8e: {  	[tilespmem:s26+$0x7A00] =	vst v7;
	v7 =	vadd.f32 v51, v6  }
0x8f: {  	[tilespmem:s26+$0x7A80] =	vst v54;
	v6 =	vadd.f32 v52, v6  }
0x90: {  	[tilespmem:s26+$0x7B00] =	vst v7  }
0x91: {  	[tilespmem:s26+$0x7B80] =	vst v6;
	v7 =	vld [tilespmem:s26+$0x9000]  }
0x92: {  	v6 =	vld.idx.msk [tilespmem:v5+s26+$0x0 ss:$0x1], $0xffff  }
0x93: {  	v55 =	vld [tilespmem:s26+$0x9080]  }
0x94: {  	v56 =	vld [tilespmem:s26+$0x9100]  }
0x95: {  	v57 =	vld [tilespmem:s26+$0x9180]  }
0x96: {  	v58 =	vld [tilespmem:s26+$0x9200]  }
0x97: {  	v59 =	vld [tilespmem:s26+$0x9280];
	v7 =	vadd.f32 v7, v6  }
0x98: {  	v60 =	vld [tilespmem:s26+$0x9300];
	v8 =	vadd.f32 v55, v6  }
0x99: {  	v61 =	vld [tilespmem:s26+$0x9380];
	[tilespmem:s26+$0x9000] =	vst v7;
	v7 =	vadd.f32 v56, v6  }
0x9a: {  	v62 =	vadd.f32 v57, v6;
	[tilespmem:s26+$0x9080] =	vst v8  }
0x9b: {  	p3 =	sne.s32 s25, $0x2F0;
	[tilespmem:s26+$0x9100] =	vst v7;
	v7 =	vadd.f32 v58, v6  }
.Ltmp3:
0x9c: {  	v63 =	vadd.f32 v59, v6;
	[tilespmem:s26+$0x9180] =	vst v62;
	(pc) =	sbr.rel @p3 .LBB2_3-.Ltmp3, $4  }
0x9d: {  	[tilespmem:s26+$0x9200] =	vst v7;
	v7 =	vadd.f32 v60, v6  }
0x9e: {  	[tilespmem:s26+$0x9280] =	vst v63;
	v6 =	vadd.f32 v61, v6  }
0x9f: {  	[tilespmem:s26+$0x9300] =	vst v7  }
0xa0: {  	s24 =	sadd.s32 $0x80, s24;
	s25 =	sadd.s32 $0x10, s25;
	[tilespmem:s26+$0x9380] =	vst v6  }
0xa1: {  	[hbm4b:s9+s4] =	stream.linear.scatter [tilespmem:s4], [sflag:$0x2], $0xA800, $0x38;
	[tilespmem:$0x10B00] =	vst v63  }
0xa2: {  	_ =	swait.ge [sflag:s20], $0xA800  }
0xa3: {  	[sflag:s20] =	ssyncset.done $0x0  }
0xa4: {  	[sflag:s20] =	ssyncadd.s32 $0xFFFF5800  }
.LBB2_5:
.Ltmp4:
0xa5: {  	(pc) =	sbr.rel @p1 .LBB2_10-.Ltmp4, $1  }
0xa6: {  	_ =	sdelay $0x3  }
.Ltmp5:
0xa7: {  	(pc) =	sbr.rel @p2 .LBB2_13-.Ltmp5, $1  }
0xa8: {  	_ =	sdelay $0x3  }
0xa9: {  	s24 =	simm.s32 $0x0  }
0xaa: {  	[tilespmem:s15], [sflag:$0x3] =	stream.linear.gather [hbm4b:s10+s24], $0x1800, $0x38;
	[tilespmem:$0x10B00] =	vst v63  }
0xab: {  	_ =	swait.ge [sflag:s16], $0x1800  }
0xac: {  	[sflag:s16] =	ssyncset.done $0x0  }
0xad: {  	[sflag:s16] =	ssyncadd.s32 $0xFFFFE800  }
0xae: {  	[tilespmem:s22], [sflag:$0x3] =	stream.linear.gather [hbm4b:s11+s24], $0x1800, $0x38;
	[tilespmem:$0x10B00] =	vst v63  }
0xaf: {  	_ =	swait.ge [sflag:s16], $0x1800  }
0xb0: {  	[sflag:s16] =	ssyncset.done $0x0  }
0xb1: {  	[sflag:s16] =	ssyncadd.s32 $0xFFFFE800  }
0xb2: {  	[tilespmem:s24], [sflag:$0x1] =	stream.strided.gather [hbm4b:s12+s17], $0xA800, s18, s17, $0x38;
	[tilespmem:$0x10B00] =	vst v63  }
0xb3: {  	_ =	swait.ge [sflag:s19], $0xA800  }
0xb4: {  	[sflag:s19] =	ssyncset.done $0x0  }
0xb5: {  	s25 =	simm.s32 $0x0;
	[sflag:s19] =	ssyncadd.s32 $0xFFFF5800  }
.LBB2_8:
0xb6: {  	s26 =	sand.u32 $0x70, s25;
	s28 =	sand.u32 $0x1C00, s24  }
0xb7: {  	s26 =	sor.u32 s26, s28  }
0xb8: {  	v6 =	vld [tilespmem:s26+$0xAB00]  }
0xb9: {  	v7 =	vld [tilespmem:s26+$0x0]  }
0xba: {  	v8 =	vld [tilespmem:s26+$0x80]  }
0xbb: {  	v9 =	vld [tilespmem:s26+$0x100]  }
0xbc: {  	v10 =	vld [tilespmem:s26+$0x180]  }
0xbd: {  	v11 =	vld [tilespmem:s26+$0x200]  }
0xbe: {  	v12 =	vld [tilespmem:s26+$0x280];
	v7 =	vadd.f32 v7, v6  }
0xbf: {  	v13 =	vld [tilespmem:s26+$0x300];
	v8 =	vadd.f32 v8, v6  }
0xc0: {  	[tilespmem:s26+$0x0] =	vst v7;
	v7 =	vadd.f32 v9, v6  }
0xc1: {  	v56 =	vadd.f32 v10, v6;
	[tilespmem:s26+$0x80] =	vst v8  }
0xc2: {  	[tilespmem:s26+$0x100] =	vst v7;
	v7 =	vadd.f32 v11, v6  }
0xc3: {  	v57 =	vadd.f32 v12, v6;
	[tilespmem:s26+$0x180] =	vst v56  }
0xc4: {  	[tilespmem:s26+$0x200] =	vst v7;
	v7 =	vadd.f32 v13, v6  }
0xc5: {  	s31 =	sor.u32 s24, s25;
	[tilespmem:s26+$0x280] =	vst v57  }
0xc6: {  	s28 =	sor.u32 $0x380, s31;
	[tilespmem:s26+$0x300] =	vst v7  }
0xc7: {  	v7 =	vld [tilespmem:s28+$0x0];
	_ =	sdelay $0x4  }
0xc8: {  	v6 =	vadd.f32 v7, v6;
	_ =	sdelay $0x1  }
0xc9: {  	[tilespmem:s28+$0x0] =	vst v6;
	v6 =	vld [tilespmem:s28+$0xA800]  }
0xca: {  	v7 =	vld [tilespmem:s26+$0x1800]  }
0xcb: {  	v58 =	vld [tilespmem:s26+$0x1880]  }
0xcc: {  	v59 =	vld [tilespmem:s26+$0x1900]  }
0xcd: {  	v60 =	vld [tilespmem:s26+$0x1980]  }
0xce: {  	v61 =	vld [tilespmem:s26+$0x1A00]  }
0xcf: {  	v62 =	vld [tilespmem:s26+$0x1A80]  }
0xd0: {  	v63 =	vld [tilespmem:s26+$0x1B00]  }
0xd1: {  	v14 =	vld [tilespmem:s26+$0x1B80]  }
0xd2: {  	v15 =	vld [tilespmem:s26+$0xD800]  }
0xd3: {  	v16 =	vld [tilespmem:s26+$0x3000]  }
0xd4: {  	v17 =	vld [tilespmem:s26+$0x3080];
	v7 =	vadd.f32 v7, v6  }
0xd5: {  	v18 =	vld [tilespmem:s26+$0x3100];
	v8 =	vadd.f32 v58, v6  }
0xd6: {  	v21 =	vld [tilespmem:s26+$0x3180];
	[tilespmem:s26+$0x1800] =	vst v7;
	v7 =	vadd.f32 v59, v6  }
0xd7: {  	v23 =	vld [tilespmem:s26+$0x3200];
	v22 =	vadd.f32 v60, v6;
	[tilespmem:s26+$0x1880] =	vst v8  }
0xd8: {  	v24 =	vld [tilespmem:s26+$0x3280];
	[tilespmem:s26+$0x1900] =	vst v7;
	v7 =	vadd.f32 v61, v6  }
0xd9: {  	v26 =	vld [tilespmem:s26+$0x3300];
	v25 =	vadd.f32 v62, v6;
	[tilespmem:s26+$0x1980] =	vst v22  }
0xda: {  	v27 =	vld [tilespmem:s26+$0x3380];
	[tilespmem:s26+$0x1A00] =	vst v7;
	v7 =	vadd.f32 v63, v6  }
0xdb: {  	v28 =	vld [tilespmem:s26+$0xD880];
	[tilespmem:s26+$0x1A80] =	vst v25;
	v6 =	vadd.f32 v14, v6  }
0xdc: {  	v29 =	vld [tilespmem:s26+$0x4800];
	[tilespmem:s26+$0x1B00] =	vst v7;
	v7 =	vadd.f32 v16, v15  }
0xdd: {  	v30 =	vld [tilespmem:s26+$0x4880];
	[tilespmem:s26+$0x1B80] =	vst v6;
	v6 =	vadd.f32 v17, v15  }
0xde: {  	v31 =	vld [tilespmem:s26+$0x4900];
	[tilespmem:s26+$0x3000] =	vst v7;
	v7 =	vadd.f32 v18, v15  }
0xdf: {  	v32 =	vld [tilespmem:s26+$0x4980];
	[tilespmem:s26+$0x3080] =	vst v6;
	v6 =	vadd.f32 v21, v15  }
0xe0: {  	v33 =	vld [tilespmem:s26+$0x4A00];
	[tilespmem:s26+$0x3100] =	vst v7;
	v7 =	vadd.f32 v23, v15  }
0xe1: {  	v34 =	vld [tilespmem:s26+$0x4A80];
	[tilespmem:s26+$0x3180] =	vst v6;
	v6 =	vadd.f32 v24, v15  }
0xe2: {  	v35 =	vld [tilespmem:s26+$0x4B00];
	[tilespmem:s26+$0x3200] =	vst v7;
	v7 =	vadd.f32 v26, v15  }
0xe3: {  	v36 =	vld [tilespmem:s26+$0x4B80];
	[tilespmem:s26+$0x3280] =	vst v6;
	v6 =	vadd.f32 v27, v15  }
0xe4: {  	v37 =	vld [tilespmem:s26+$0xD900];
	[tilespmem:s26+$0x3300] =	vst v7;
	v7 =	vadd.f32 v29, v28  }
0xe5: {  	v38 =	vld [tilespmem:s26+$0x6000];
	[tilespmem:s26+$0x3380] =	vst v6;
	v6 =	vadd.f32 v30, v28  }
0xe6: {  	v39 =	vld [tilespmem:s26+$0x6080];
	[tilespmem:s26+$0x4800] =	vst v7;
	v7 =	vadd.f32 v31, v28  }
0xe7: {  	v40 =	vld [tilespmem:s26+$0x6100];
	[tilespmem:s26+$0x4880] =	vst v6;
	v6 =	vadd.f32 v32, v28  }
0xe8: {  	v41 =	vld [tilespmem:s26+$0x6180];
	[tilespmem:s26+$0x4900] =	vst v7;
	v7 =	vadd.f32 v33, v28  }
0xe9: {  	v42 =	vld [tilespmem:s26+$0x6200];
	[tilespmem:s26+$0x4980] =	vst v6;
	v6 =	vadd.f32 v34, v28  }
0xea: {  	v43 =	vld [tilespmem:s26+$0x6280];
	[tilespmem:s26+$0x4A00] =	vst v7;
	v7 =	vadd.f32 v35, v28  }
0xeb: {  	v44 =	vld [tilespmem:s26+$0x6300];
	[tilespmem:s26+$0x4A80] =	vst v6;
	v6 =	vadd.f32 v36, v28  }
0xec: {  	v45 =	vld [tilespmem:s26+$0x6380];
	[tilespmem:s26+$0x4B00] =	vst v7;
	v7 =	vadd.f32 v38, v37  }
0xed: {  	v46 =	vld [tilespmem:s26+$0xD980];
	[tilespmem:s26+$0x4B80] =	vst v6;
	v6 =	vadd.f32 v39, v37  }
0xee: {  	v47 =	vld [tilespmem:s26+$0x7800];
	[tilespmem:s26+$0x6000] =	vst v7;
	v7 =	vadd.f32 v40, v37  }
0xef: {  	v48 =	vld [tilespmem:s26+$0x7880];
	[tilespmem:s26+$0x6080] =	vst v6;
	v6 =	vadd.f32 v41, v37  }
0xf0: {  	v49 =	vld [tilespmem:s26+$0x7900];
	[tilespmem:s26+$0x6100] =	vst v7;
	v7 =	vadd.f32 v42, v37  }
0xf1: {  	v50 =	vld [tilespmem:s26+$0x7980];
	[tilespmem:s26+$0x6180] =	vst v6;
	v6 =	vadd.f32 v43, v37  }
0xf2: {  	v51 =	vld [tilespmem:s26+$0x7A00];
	[tilespmem:s26+$0x6200] =	vst v7;
	v7 =	vadd.f32 v44, v37  }
0xf3: {  	v52 =	vld [tilespmem:s26+$0x7A80];
	[tilespmem:s26+$0x6280] =	vst v6;
	v6 =	vadd.f32 v45, v37  }
0xf4: {  	v53 =	vld [tilespmem:s26+$0x7B00];
	[tilespmem:s26+$0x6300] =	vst v7;
	v7 =	vadd.f32 v47, v46  }
0xf5: {  	v54 =	vld [tilespmem:s26+$0x7B80];
	[tilespmem:s26+$0x6380] =	vst v6;
	v6 =	vadd.f32 v48, v46  }
0xf6: {  	v55 =	vld [tilespmem:s26+$0xDA00];
	[tilespmem:s26+$0x7800] =	vst v7;
	v7 =	vadd.f32 v49, v46  }
0xf7: {  	v56 =	vld [tilespmem:s26+$0x9000];
	[tilespmem:s26+$0x7880] =	vst v6;
	v6 =	vadd.f32 v50, v46  }
0xf8: {  	v57 =	vld [tilespmem:s26+$0x9080];
	[tilespmem:s26+$0x7900] =	vst v7;
	v7 =	vadd.f32 v51, v46  }
0xf9: {  	v58 =	vld [tilespmem:s26+$0x9100];
	[tilespmem:s26+$0x7980] =	vst v6;
	v6 =	vadd.f32 v52, v46  }
0xfa: {  	v59 =	vld [tilespmem:s26+$0x9180];
	[tilespmem:s26+$0x7A00] =	vst v7;
	v7 =	vadd.f32 v53, v46  }
0xfb: {  	v60 =	vld [tilespmem:s26+$0x9200];
	[tilespmem:s26+$0x7A80] =	vst v6;
	v6 =	vadd.f32 v54, v46  }
0xfc: {  	v61 =	vld [tilespmem:s26+$0x9280];
	[tilespmem:s26+$0x7B00] =	vst v7;
	v7 =	vadd.f32 v56, v55  }
0xfd: {  	v62 =	vld [tilespmem:s26+$0x9300];
	[tilespmem:s26+$0x7B80] =	vst v6;
	v6 =	vadd.f32 v57, v55  }
0xfe: {  	v63 =	vld [tilespmem:s26+$0x9380];
	[tilespmem:s26+$0x9000] =	vst v7;
	v7 =	vadd.f32 v58, v55  }
0xff: {  	[tilespmem:s26+$0x9080] =	vst v6;
	v6 =	vadd.f32 v59, v55  }
0x100: {  	p3 =	sne.s32 s25, $0x2F0;
	[tilespmem:s26+$0x9100] =	vst v7;
	v7 =	vadd.f32 v60, v55  }
.Ltmp6:
0x101: {  	[tilespmem:s26+$0x9180] =	vst v6;
	v6 =	vadd.f32 v61, v55;
	(pc) =	sbr.rel @p3 .LBB2_8-.Ltmp6, $4  }
0x102: {  	[tilespmem:s26+$0x9200] =	vst v7;
	v7 =	vadd.f32 v62, v55  }
0x103: {  	[tilespmem:s26+$0x9280] =	vst v6;
	v6 =	vadd.f32 v63, v55  }
0x104: {  	[tilespmem:s26+$0x9300] =	vst v7  }
0x105: {  	s24 =	sadd.s32 $0x80, s24;
	s25 =	sadd.s32 $0x10, s25;
	[tilespmem:s26+$0x9380] =	vst v6  }
.Ltmp7:
0x106: {  	(pc) =	sbr.rel .LBB2_13-.Ltmp7, $4  }
0x107: {  	[hbm4b:s13+s4] =	stream.linear.scatter [tilespmem:s4], [sflag:$0x2], $0xA800, $0x38;
	[tilespmem:$0x10B00] =	vst v63  }
0x108: {  	_ =	swait.ge [sflag:s20], $0xA800  }
0x109: {  	[sflag:s20] =	ssyncset.done $0x0  }
0x10a: {  	[sflag:s20] =	ssyncadd.s32 $0xFFFF5800  }
.LBB2_10:
0x10b: {  	s24 =	simm.s32 $0x0  }
0x10c: {  	[tilespmem:s15], [sflag:$0x3] =	stream.linear.gather [hbm4b:s3+s24], $0x1800, $0x38;
	[tilespmem:$0x10B00] =	vst v63  }
0x10d: {  	_ =	swait.ge [sflag:s16], $0x1800  }
0x10e: {  	[sflag:s16] =	ssyncset.done $0x0  }
0x10f: {  	s25 =	simm.s32 $0xF000;
	[sflag:s16] =	ssyncadd.s32 $0xFFFFE800  }
0x110: {  	[tilespmem:s25], [sflag:$0x3] =	stream.linear.gather [hbm4b:s1+s24], $0x300, $0x38;
	[tilespmem:$0x10B00] =	vst v63  }
0x111: {  	_ =	swait.ge [sflag:s16], $0x300  }
0x112: {  	s26 =	sand.u32 $0x70, s24;
	s28 =	sand.u32 $0x1C00, s24;
	[sflag:s16] =	ssyncset.done $0x0  }
0x113: {  	s26 =	sor.u32 s26, s28;
	[sflag:s16] =	ssyncadd.s32 $0xFFFFFD00  }
0x114: {  	v6 =	vld [tilespmem:s26+$0xA800]  }
0x115: {  	v7 =	vld [tilespmem:s25+$0x0];
	_ =	sdelay $0x4  }
0x116: {  	s29 =	simm.s32 $0x10;
	s28 =	simm.s32 $0x0;
	v6 =	vadd.f32 v6, v7  }
.LBB2_11:
0x117: {  	p3 =	sne.s32 s29, $0x2F0  }
0x118: {  	[tilespmem:s26+$0xF300] =	vst v6  }
0x119: {  	[tilespmem:s26+$0xF380] =	vst v6  }
0x11a: {  	[tilespmem:s26+$0xF400] =	vst v6  }
0x11b: {  	[tilespmem:s26+$0xF480] =	vst v6  }
0x11c: {  	[tilespmem:s26+$0xF500] =	vst v6  }
0x11d: {  	s30 =	sor.u32 s28, s24;
	s28 =	sadd.s32 $0x80, s28;
	s24 =	smov.u32 s29;
	[tilespmem:s26+$0xF580] =	vst v6  }
0x11e: {  	s31 =	sand.u32 $0x70, s29;
	s2 =	sand.u32 $0x1C00, s28;
	s30 =	sor.u32 $0x380, s30;
	[tilespmem:s26+$0xF600] =	vst v6  }
0x11f: {  	s26 =	sor.u32 s31, s2;
	[tilespmem:s30+$0xF300] =	vst v6  }
0x120: {  	s25 =	sadd.s32 $0x10, s25;
	v6 =	vld [tilespmem:s26+$0xA800]  }
0x121: {  	v7 =	vld [tilespmem:s25+$0x0]  }
.Ltmp8:
0x122: {  	(pc) =	sbr.rel @p3 .LBB2_11-.Ltmp8, $2  }
0x123: {  	_ =	sdelay $0x2  }
0x124: {  	s29 =	sadd.s32 $0x10, s29;
	v6 =	vadd.f32 v6, v7  }
0x125: {  	_ = 	snop  }
0x126: {  	[tilespmem:s26+$0xF300] =	vst v6  }
0x127: {  	[tilespmem:s26+$0xF380] =	vst v6  }
0x128: {  	[tilespmem:s26+$0xF400] =	vst v6  }
0x129: {  	[tilespmem:s26+$0xF480] =	vst v6  }
0x12a: {  	[tilespmem:s26+$0xF500] =	vst v6  }
0x12b: {  	s2 =	sor.u32 s28, s24;
	[tilespmem:s26+$0xF580] =	vst v6  }
0x12c: {  	[tilespmem:s26+$0xF600] =	vst v6;
	s2 =	sor.u32 $0x380, s2  }
.Ltmp9:
0x12d: {  	[tilespmem:s2+$0xF300] =	vst v6;
	(pc) =	sbr.rel .LBB2_13-.Ltmp9, $4  }
0x12e: {  	[hbm4b:s5+s4] =	stream.linear.scatter [tilespmem:s21], [sflag:$0x2], $0x1800, $0x38;
	[tilespmem:$0x10B00] =	vst v63  }
0x12f: {  	_ =	swait.ge [sflag:s20], $0x1800  }
0x130: {  	[sflag:s20] =	ssyncset.done $0x0  }
0x131: {  	[sflag:s20] =	ssyncadd.s32 $0xFFFFE800  }
.LBB2_14:
0x132: {  	_ =	sfence.sel $0x180000  }
0x133: {  	[bflag:$0x0] =	sbarrier.arrive $0xFFFF  }
0x134: {  	_ =	strace $0x90000047  }
0x135: {  	[bflag:$0x2] =	sbarrier.arrive $0xFFFF  }
0x136: {  	p0 =	sne.s32 s0, $0x0;
	s0 =	rddreg [dreg:$0x4]  }
0x137: {  	s0 =	sadd.s32 @!p0 $0x100000, s0  }
0x138: {  	[sflag:s0] =	ssyncadd.tile.s32 @!p0 $0x1;
	_ =	shalt  }
.Lfunc_end2:
_tile_overlayer_lowered:
.L_overlay_start_2:
0x139: {  	(tag) =	ssettag $0x2  }
0x13a: {  	s0 =	rddreg [dreg:$0x0];
	s2 =	stileid.u32  }
0x13b: {  	s1 =	rddreg [dreg:$0x1];
	p0 =	sne.s32 s2, $0x0  }
0x13c: {  	s3 =	rddreg [dreg:$0x2];
	[bflag:$0x3] =	sbarrier.arrive $0xFFFF;
	s2 =	simm.s32 @!p0 $0x1C03  }
0x13d: {  	[timem:s3], [sflag:s2] =	dma.local @!p0 [hbm:s0], s1  }
0x13e: {  	s0 =	simm.s32 @!p0 $0x3  }
0x13f: {  	_ =	swait.ge @!p0 [sflag:s0], s1  }
0x140: {  	s1 =	ssub.s32 @!p0 $0x0, s1;
	[sflag:s0] =	ssyncset.done @!p0 $0x0  }
0x141: {  	[sflag:s0] =	ssyncadd.s32 @!p0 s1  }
0x142: {  	[bflag:$0x3] =	sbarrier.arrive $0xFFFF  }
0x143: {  	_ =	shalt  }

</sc_bundles>
